<compile_context>
chip_gen: v7x
topology: tpu7x:2x2x1
jax: 0.10.2.dev20260603
libtpu: 0.0.44.dev20260713+nightly
codegen_flags: <defaults>
</compile_context>

<pallas_src>
import functools

import jax
import jax.numpy as jnp
from jax import lax
from jax.experimental import pallas as pl
from jax.experimental.pallas import tpu as pltpu
from jax.experimental.pallas import tpu_sc as plsc

_INFO = plsc.get_sparse_core_info()
_NC, _NS = _INFO.num_cores, _INFO.num_subcores
_NW = _NC * _NS

_CHUNK = 64
_NBUF = 4


def _emb_lookup(n_tokens: int, d: int):
    assert n_tokens % (_NW * _CHUNK * _NBUF) == 0
    per_w = n_tokens // _NW
    n_chunks = per_w // _CHUNK
    n_groups = n_chunks // _NBUF

    mesh = plsc.VectorSubcoreMesh(core_axis_name="c", subcore_axis_name="s")

    @functools.partial(
        pl.kernel,
        mesh=mesh,
        compiler_params=pltpu.CompilerParams(use_tc_tiling_on_sc=True),
        out_type=jax.ShapeDtypeStruct((n_tokens, d), jnp.float32),
        scratch_types=[
            pltpu.VMEM((n_chunks, _CHUNK), jnp.int32),
            pltpu.VMEM((_NBUF, _CHUNK, 128), jnp.float32),
            pltpu.VMEM((_NBUF, _CHUNK, d), jnp.float32),
        ]
        + [pltpu.SemaphoreType.DMA] * (2 * _NBUF),
    )
    def k(idx_hbm, table_hbm, out_hbm, idx_v, rows_v, packed_v, *sems):
        gsems, osems = sems[:_NBUF], sems[_NBUF:]
        wid = lax.axis_index("s") * _NC + lax.axis_index("c")
        base_chunk = wid * n_chunks
        pltpu.sync_copy(idx_hbm.at[pl.ds(base_chunk, n_chunks)], idx_v)

        def start_gather(j, b):
            pltpu.async_copy(table_hbm.at[idx_v.at[j]], rows_v.at[b], gsems[b])

        def wait_gather(b):
            pltpu.make_async_copy(
                table_hbm.at[pl.ds(0, _CHUNK)], rows_v.at[b], gsems[b]
            ).wait()

        def compact(b):
            def row_body(i, carry):
                t0 = i * 8
                for dt in range(8):
                    for c0 in range(0, d, 16):
                        packed_v[b, t0 + dt, pl.ds(c0, 16)] = rows_v[
                            b, t0 + dt, pl.ds(c0, 16)
                        ]
                return carry

            lax.fori_loop(0, _CHUNK // 8, row_body, 0)

        def start_out(j, b):
            row0 = (base_chunk + j) * _CHUNK
            pltpu.async_copy(packed_v.at[b], out_hbm.at[pl.ds(row0, _CHUNK)], osems[b])

        def wait_out(b):
            pltpu.make_async_copy(
                packed_v.at[b], out_hbm.at[pl.ds(0, _CHUNK)], osems[b]
            ).wait()

        for b in range(_NBUF):
            start_gather(b, b)

        def body(g, carry):
            j0 = g * _NBUF
            for b in range(_NBUF):
                wait_gather(b)
                compact(b)
                start_out(j0 + b, b)
            for b in range(_NBUF):
                nj = j0 + b + _NBUF

                @pl.when(nj < n_chunks)
                def _():
                    wait_out(b)
                    start_gather(nj, b)

            return carry

        lax.fori_loop(0, n_groups, body, 0)
        for b in range(_NBUF):
            wait_out(b)

    return k


def kernel(x, W):
    n_tokens = x.shape[0] * x.shape[1]
    d = W.shape[1]
    Wp = jnp.pad(W, ((0, 0), (0, 128 - d)))
    idx = x.astype(jnp.int32).reshape(n_tokens // _CHUNK, _CHUNK)
    out = _emb_lookup(n_tokens, d)(idx, Wp)
    return out.reshape(x.shape[0], x.shape[1], d)

# --- scband reference (transcript-rebuilt; emitter-appended) ---
"""Pipeline reference for scband-token-embedding-26611617366377 (READ-ONLY COPY).

The authoritative reference and input builder live on the scoring server;
editing this copy changes nothing except your own understanding.
"""

import jax, jax.numpy as jnp
import numpy as np


def setup_inputs(seed: int = 0) -> dict:
    key = jax.random.key(seed)
    k1, k2 = jax.random.split(key)
    x = jax.random.randint(k1, (4096, 200), 0, 1000000, dtype=jnp.int64 if jax.config.read('jax_enable_x64') else jnp.int32)
    W = jax.random.normal(k2, (1000000, 64), dtype=jnp.float32)
    return {"x": x, "W": W}


def reference(x, W):
    # TokenEmbedding.forward: embedding lookup followed by dropout (p=0.0 -> identity)
    out = jnp.take(W, x, axis=0)
    return out

if __name__ == "__main__":
    import jax
    _d = setup_inputs()
    print(jax.jit(kernel)(*tuple(_d.values())))

</pallas_src>

<mosaic_0001>
#map = affine_map<(d0, d1) -> (0, 0)>
module attributes {stable_mosaic.version = 14 : i64} {
  func.func @k(%arg0: i32, %arg1: i32, %arg2: memref<12800x64xi32, #tpu.memory_space<hbm>>, %arg3: memref<1000000x128xf32, #tpu.memory_space<hbm>>, %arg4: memref<819200x64xf32, #tpu.memory_space<hbm>>, %arg5: memref<400x64xi32, #tpu.memory_space<vmem>>, %arg6: memref<4x64x128xf32, #tpu.memory_space<vmem>>, %arg7: memref<4x64x64xf32, #tpu.memory_space<vmem>>, %arg8: memref<!tpu.dma_semaphore, #tpu.memory_space<semaphore_mem>>, %arg9: memref<!tpu.dma_semaphore, #tpu.memory_space<semaphore_mem>>, %arg10: memref<!tpu.dma_semaphore, #tpu.memory_space<semaphore_mem>>, %arg11: memref<!tpu.dma_semaphore, #tpu.memory_space<semaphore_mem>>, %arg12: memref<!tpu.dma_semaphore, #tpu.memory_space<semaphore_mem>>, %arg13: memref<!tpu.dma_semaphore, #tpu.memory_space<semaphore_mem>>, %arg14: memref<!tpu.dma_semaphore, #tpu.memory_space<semaphore_mem>>, %arg15: memref<!tpu.dma_semaphore, #tpu.memory_space<semaphore_mem>>) attributes {dimension_semantics = [#tpu.dimension_semantics<core_parallel>, #tpu.dimension_semantics<subcore_parallel>], iteration_bounds = array<i64: 2, 16>, scalar_prefetch = 0 : i64, scratch_operands = 11 : i64, tpu.core_type = #tpu.core_type<sc_vector_subcore>, window_params = [{transform_indices = #map}, {transform_indices = #map}, {transform_indices = #map}]} {
    %mul3A = arith.constant 2 : i32
    %mul3A_0 = arith.muli %arg1, %mul3A : i32
    %add3A = arith.addi %mul3A_0, %arg0 : i32
    %mul3A_1 = arith.constant 400 : i32
    %mul3A_2 = arith.muli %add3A, %mul3A_1 : i32
    "tpu.region"() ({
      %run_scoped3A = tpu.sem_alloc : memref<!tpu.dma_semaphore, #tpu.memory_space<semaphore_mem>>
      %dma_start3A_114 = arith.constant 0 : i32
      %dma_start3A_115 = tpu.memref_slice %arg2[%mul3A_2, %dma_start3A_114] : memref<12800x64xi32, #tpu.memory_space<hbm>> -> memref<400x64xi32, #tpu.memory_space<hbm>>
      %dma_start3A_116 = arith.constant 0 : i32
      %dma_start3A_117 = tpu.memref_slice %arg2[%mul3A_2, %dma_start3A_116] : memref<12800x64xi32, #tpu.memory_space<hbm>> -> memref<400x64xi32, #tpu.memory_space<hbm>>
      tpu.enqueue_dma source(%dma_start3A_117 : memref<400x64xi32, #tpu.memory_space<hbm>>) target(%arg5 : memref<400x64xi32, #tpu.memory_space<vmem>>) target_semaphore(%run_scoped3A : memref<!tpu.dma_semaphore, #tpu.memory_space<semaphore_mem>>)
      %dma_wait3A_118 = arith.constant 0 : i32
      %dma_wait3A_119 = tpu.memref_slice %arg2[%mul3A_2, %dma_wait3A_118] : memref<12800x64xi32, #tpu.memory_space<hbm>> -> memref<400x64xi32, #tpu.memory_space<hbm>>
      %dma_wait3A_120 = arith.constant 0 : i32
      %dma_wait3A_121 = tpu.memref_slice %arg2[%mul3A_2, %dma_wait3A_120] : memref<12800x64xi32, #tpu.memory_space<hbm>> -> memref<400x64xi32, #tpu.memory_space<hbm>>
      tpu.wait_dma2 semaphore(%run_scoped3A : memref<!tpu.dma_semaphore, #tpu.memory_space<semaphore_mem>>) src(%dma_wait3A_121 : memref<400x64xi32, #tpu.memory_space<hbm>>) dst(%arg5 : memref<400x64xi32, #tpu.memory_space<vmem>>)
      tpu.yield
    }) : () -> ()
    %dma_start3A = arith.constant 0 : i32
    %dma_start3A_3 = arith.constant 0 : i32
    %dma_start3A_4 = arith.constant 0 : i32
    %dma_start3A_5 = arith.constant 0 : i32
    %dma_start3A_6 = tpu.memref_slice %arg6[%dma_start3A_3, %dma_start3A_4, %dma_start3A_5] : memref<4x64x128xf32, #tpu.memory_space<vmem>> -> memref<1x64x128xf32, #tpu.memory_space<vmem>>
    %dma_start3A_7 = tpu.memref_squeeze %dma_start3A_6 : memref<1x64x128xf32, #tpu.memory_space<vmem>> -> memref<64x128xf32, #tpu.memory_space<vmem>>
    %dma_start3A_8 = arith.constant 0 : i32
    %dma_start3A_9 = tpu.memref_slice %arg5[%dma_start3A, %dma_start3A_8] : memref<400x64xi32, #tpu.memory_space<vmem>> -> memref<1x64xi32, #tpu.memory_space<vmem>>
    %dma_start3A_10 = tpu.memref_squeeze %dma_start3A_9 : memref<1x64xi32, #tpu.memory_space<vmem>> -> memref<64xi32, #tpu.memory_space<vmem>>
    %dma_start3A_11 = arith.constant 0 : i32
    %dma_start3A_12 = arith.constant 0 : i32
    %dma_start3A_13 = tpu.memref_slice %arg3[%dma_start3A_11, %dma_start3A_12] : memref<1000000x128xf32, #tpu.memory_space<hbm>> -> memref<1000000x128xf32, #tpu.memory_space<hbm>>
    tpu.enqueue_indirect_dma source(%dma_start3A_13 : memref<1000000x128xf32, #tpu.memory_space<hbm>>) target(%dma_start3A_7 : memref<64x128xf32, #tpu.memory_space<vmem>>) offsets(%dma_start3A_10 : memref<64xi32, #tpu.memory_space<vmem>>) semaphore(%arg8 : memref<!tpu.dma_semaphore, #tpu.memory_space<semaphore_mem>>)
    %dma_start3A_14 = arith.constant 1 : i32
    %dma_start3A_15 = arith.constant 1 : i32
    %dma_start3A_16 = arith.constant 0 : i32
    %dma_start3A_17 = arith.constant 0 : i32
    %dma_start3A_18 = tpu.memref_slice %arg6[%dma_start3A_15, %dma_start3A_16, %dma_start3A_17] : memref<4x64x128xf32, #tpu.memory_space<vmem>> -> memref<1x64x128xf32, #tpu.memory_space<vmem>>
    %dma_start3A_19 = tpu.memref_squeeze %dma_start3A_18 : memref<1x64x128xf32, #tpu.memory_space<vmem>> -> memref<64x128xf32, #tpu.memory_space<vmem>>
    %dma_start3A_20 = arith.constant 0 : i32
    %dma_start3A_21 = tpu.memref_slice %arg5[%dma_start3A_14, %dma_start3A_20] : memref<400x64xi32, #tpu.memory_space<vmem>> -> memref<1x64xi32, #tpu.memory_space<vmem>>
    %dma_start3A_22 = tpu.memref_squeeze %dma_start3A_21 : memref<1x64xi32, #tpu.memory_space<vmem>> -> memref<64xi32, #tpu.memory_space<vmem>>
    %dma_start3A_23 = arith.constant 0 : i32
    %dma_start3A_24 = arith.constant 0 : i32
    %dma_start3A_25 = tpu.memref_slice %arg3[%dma_start3A_23, %dma_start3A_24] : memref<1000000x128xf32, #tpu.memory_space<hbm>> -> memref<1000000x128xf32, #tpu.memory_space<hbm>>
    tpu.enqueue_indirect_dma source(%dma_start3A_25 : memref<1000000x128xf32, #tpu.memory_space<hbm>>) target(%dma_start3A_19 : memref<64x128xf32, #tpu.memory_space<vmem>>) offsets(%dma_start3A_22 : memref<64xi32, #tpu.memory_space<vmem>>) semaphore(%arg9 : memref<!tpu.dma_semaphore, #tpu.memory_space<semaphore_mem>>)
    %dma_start3A_26 = arith.constant 2 : i32
    %dma_start3A_27 = arith.constant 2 : i32
    %dma_start3A_28 = arith.constant 0 : i32
    %dma_start3A_29 = arith.constant 0 : i32
    %dma_start3A_30 = tpu.memref_slice %arg6[%dma_start3A_27, %dma_start3A_28, %dma_start3A_29] : memref<4x64x128xf32, #tpu.memory_space<vmem>> -> memref<1x64x128xf32, #tpu.memory_space<vmem>>
    %dma_start3A_31 = tpu.memref_squeeze %dma_start3A_30 : memref<1x64x128xf32, #tpu.memory_space<vmem>> -> memref<64x128xf32, #tpu.memory_space<vmem>>
    %dma_start3A_32 = arith.constant 0 : i32
    %dma_start3A_33 = tpu.memref_slice %arg5[%dma_start3A_26, %dma_start3A_32] : memref<400x64xi32, #tpu.memory_space<vmem>> -> memref<1x64xi32, #tpu.memory_space<vmem>>
    %dma_start3A_34 = tpu.memref_squeeze %dma_start3A_33 : memref<1x64xi32, #tpu.memory_space<vmem>> -> memref<64xi32, #tpu.memory_space<vmem>>
    %dma_start3A_35 = arith.constant 0 : i32
    %dma_start3A_36 = arith.constant 0 : i32
    %dma_start3A_37 = tpu.memref_slice %arg3[%dma_start3A_35, %dma_start3A_36] : memref<1000000x128xf32, #tpu.memory_space<hbm>> -> memref<1000000x128xf32, #tpu.memory_space<hbm>>
    tpu.enqueue_indirect_dma source(%dma_start3A_37 : memref<1000000x128xf32, #tpu.memory_space<hbm>>) target(%dma_start3A_31 : memref<64x128xf32, #tpu.memory_space<vmem>>) offsets(%dma_start3A_34 : memref<64xi32, #tpu.memory_space<vmem>>) semaphore(%arg10 : memref<!tpu.dma_semaphore, #tpu.memory_space<semaphore_mem>>)
    %dma_start3A_38 = arith.constant 3 : i32
    %dma_start3A_39 = arith.constant 3 : i32
    %dma_start3A_40 = arith.constant 0 : i32
    %dma_start3A_41 = arith.constant 0 : i32
    %dma_start3A_42 = tpu.memref_slice %arg6[%dma_start3A_39, %dma_start3A_40, %dma_start3A_41] : memref<4x64x128xf32, #tpu.memory_space<vmem>> -> memref<1x64x128xf32, #tpu.memory_space<vmem>>
    %dma_start3A_43 = tpu.memref_squeeze %dma_start3A_42 : memref<1x64x128xf32, #tpu.memory_space<vmem>> -> memref<64x128xf32, #tpu.memory_space<vmem>>
    %dma_start3A_44 = arith.constant 0 : i32
    %dma_start3A_45 = tpu.memref_slice %arg5[%dma_start3A_38, %dma_start3A_44] : memref<400x64xi32, #tpu.memory_space<vmem>> -> memref<1x64xi32, #tpu.memory_space<vmem>>
    %dma_start3A_46 = tpu.memref_squeeze %dma_start3A_45 : memref<1x64xi32, #tpu.memory_space<vmem>> -> memref<64xi32, #tpu.memory_space<vmem>>
    %dma_start3A_47 = arith.constant 0 : i32
    %dma_start3A_48 = arith.constant 0 : i32
    %dma_start3A_49 = tpu.memref_slice %arg3[%dma_start3A_47, %dma_start3A_48] : memref<1000000x128xf32, #tpu.memory_space<hbm>> -> memref<1000000x128xf32, #tpu.memory_space<hbm>>
    tpu.enqueue_indirect_dma source(%dma_start3A_49 : memref<1000000x128xf32, #tpu.memory_space<hbm>>) target(%dma_start3A_43 : memref<64x128xf32, #tpu.memory_space<vmem>>) offsets(%dma_start3A_46 : memref<64xi32, #tpu.memory_space<vmem>>) semaphore(%arg11 : memref<!tpu.dma_semaphore, #tpu.memory_space<semaphore_mem>>)
    %scan3A = arith.constant 0 : i32
    %scan3A_50 = arith.constant 0 : i32
    %scan3A_51 = arith.constant 100 : i32
    %scan3A_52 = arith.addi %scan3A_50, %scan3A_51 : i32
    %scan3A_53 = arith.constant 1 : i32
    scf.for %scan3A_114 = %scan3A_50 to %scan3A_52 step %scan3A_53  : i32 {
      %mul3A_115 = arith.constant 4 : i32
      %mul3A_116 = arith.muli %scan3A_114, %mul3A_115 : i32
      %dma_wait3A_117 = arith.constant 0 : i32
      %dma_wait3A_118 = arith.constant 0 : i32
      %dma_wait3A_119 = arith.constant 0 : i32
      %dma_wait3A_120 = tpu.memref_slice %arg6[%dma_wait3A_117, %dma_wait3A_118, %dma_wait3A_119] : memref<4x64x128xf32, #tpu.memory_space<vmem>> -> memref<1x64x128xf32, #tpu.memory_space<vmem>>
      %dma_wait3A_121 = tpu.memref_squeeze %dma_wait3A_120 : memref<1x64x128xf32, #tpu.memory_space<vmem>> -> memref<64x128xf32, #tpu.memory_space<vmem>>
      %dma_wait3A_122 = arith.constant 0 : i32
      %dma_wait3A_123 = arith.constant 0 : i32
      %dma_wait3A_124 = tpu.memref_slice %arg3[%dma_wait3A_122, %dma_wait3A_123] : memref<1000000x128xf32, #tpu.memory_space<hbm>> -> memref<64x128xf32, #tpu.memory_space<hbm>>
      %dma_wait3A_125 = arith.constant 0 : i32
      %dma_wait3A_126 = arith.constant 0 : i32
      %dma_wait3A_127 = tpu.memref_slice %arg6[%dma_wait3A_117, %dma_wait3A_125, %dma_wait3A_126] : memref<4x64x128xf32, #tpu.memory_space<vmem>> -> memref<1x64x128xf32, #tpu.memory_space<vmem>>
      %dma_wait3A_128 = tpu.memref_squeeze %dma_wait3A_127 : memref<1x64x128xf32, #tpu.memory_space<vmem>> -> memref<64x128xf32, #tpu.memory_space<vmem>>
      %dma_wait3A_129 = arith.constant 0 : i32
      %dma_wait3A_130 = arith.constant 0 : i32
      %dma_wait3A_131 = tpu.memref_slice %arg3[%dma_wait3A_129, %dma_wait3A_130] : memref<1000000x128xf32, #tpu.memory_space<hbm>> -> memref<64x128xf32, #tpu.memory_space<hbm>>
      tpu.wait_dma2 semaphore(%arg8 : memref<!tpu.dma_semaphore, #tpu.memory_space<semaphore_mem>>) src(%dma_wait3A_131 : memref<64x128xf32, #tpu.memory_space<hbm>>) dst(%dma_wait3A_128 : memref<64x128xf32, #tpu.memory_space<vmem>>)
      %scan3A_132 = arith.constant 0 : i32
      %scan3A_133 = arith.constant 0 : i32
      %scan3A_134 = arith.constant 8 : i32
      %scan3A_135 = arith.addi %scan3A_133, %scan3A_134 : i32
      %scan3A_136 = arith.constant 1 : i32
      scf.for %scan3A_306 = %scan3A_133 to %scan3A_135 step %scan3A_136  : i32 {
        %mul3A_307 = arith.constant 8 : i32
        %mul3A_308 = arith.muli %scan3A_306, %mul3A_307 : i32
        %add3A_309 = arith.constant 0 : i32
        %add3A_310 = arith.addi %mul3A_308, %add3A_309 : i32
        %get3A = arith.constant 0 : i32
        %get3A_311 = arith.index_cast %get3A : i32 to index
        %get3A_312 = arith.index_cast %add3A_310 : i32 to index
        %get3A_313 = arith.constant 0 : index
        %get3A_314 = tpu.vector_load %arg6[%get3A_311, %get3A_312, %get3A_313] {strides = array<i32>} : memref<4x64x128xf32, #tpu.memory_space<vmem>>, vector<1x1x16xf32>,
        %get3A_315 = vector.shape_cast %get3A_314 : vector<1x1x16xf32> to vector<16xf32>
        %add3A_316 = arith.constant 0 : i32
        %add3A_317 = arith.addi %mul3A_308, %add3A_316 : i32
        %swap3A = arith.constant 0 : i32
        %swap3A_318 = arith.index_cast %swap3A : i32 to index
        %swap3A_319 = arith.index_cast %add3A_317 : i32 to index
        %swap3A_320 = arith.constant 0 : index
        %swap3A_321 = tpu.vector_load %arg7[%swap3A_318, %swap3A_319, %swap3A_320] {strides = array<i32>} : memref<4x64x64xf32, #tpu.memory_space<vmem>>, vector<1x1x16xf32>,
        %swap3A_322 = vector.shape_cast %swap3A_321 : vector<1x1x16xf32> to vector<16xf32>
        %swap3A_323 = vector.shape_cast %get3A_315 : vector<16xf32> to vector<1x1x16xf32>
        tpu.vector_store %arg7[%swap3A_318, %swap3A_319, %swap3A_320], %swap3A_323 {strides = array<i32>} : memref<4x64x64xf32, #tpu.memory_space<vmem>>, vector<1x1x16xf32>,
        %add3A_324 = arith.constant 0 : i32
        %add3A_325 = arith.addi %mul3A_308, %add3A_324 : i32
        %get3A_326 = arith.constant 0 : i32
        %get3A_327 = arith.index_cast %get3A_326 : i32 to index
        %get3A_328 = arith.index_cast %add3A_325 : i32 to index
        %get3A_329 = arith.constant 16 : index
        %get3A_330 = tpu.vector_load %arg6[%get3A_327, %get3A_328, %get3A_329] {strides = array<i32>} : memref<4x64x128xf32, #tpu.memory_space<vmem>>, vector<1x1x16xf32>,
        %get3A_331 = vector.shape_cast %get3A_330 : vector<1x1x16xf32> to vector<16xf32>
        %add3A_332 = arith.constant 0 : i32
        %add3A_333 = arith.addi %mul3A_308, %add3A_332 : i32
        %swap3A_334 = arith.constant 0 : i32
        %swap3A_335 = arith.index_cast %swap3A_334 : i32 to index
        %swap3A_336 = arith.index_cast %add3A_333 : i32 to index
        %swap3A_337 = arith.constant 16 : index
        %swap3A_338 = tpu.vector_load %arg7[%swap3A_335, %swap3A_336, %swap3A_337] {strides = array<i32>} : memref<4x64x64xf32, #tpu.memory_space<vmem>>, vector<1x1x16xf32>,
        %swap3A_339 = vector.shape_cast %swap3A_338 : vector<1x1x16xf32> to vector<16xf32>
        %swap3A_340 = vector.shape_cast %get3A_331 : vector<16xf32> to vector<1x1x16xf32>
        tpu.vector_store %arg7[%swap3A_335, %swap3A_336, %swap3A_337], %swap3A_340 {strides = array<i32>} : memref<4x64x64xf32, #tpu.memory_space<vmem>>, vector<1x1x16xf32>,
        %add3A_341 = arith.constant 0 : i32
        %add3A_342 = arith.addi %mul3A_308, %add3A_341 : i32
        %get3A_343 = arith.constant 0 : i32
        %get3A_344 = arith.index_cast %get3A_343 : i32 to index
        %get3A_345 = arith.index_cast %add3A_342 : i32 to index
        %get3A_346 = arith.constant 32 : index
        %get3A_347 = tpu.vector_load %arg6[%get3A_344, %get3A_345, %get3A_346] {strides = array<i32>} : memref<4x64x128xf32, #tpu.memory_space<vmem>>, vector<1x1x16xf32>,
        %get3A_348 = vector.shape_cast %get3A_347 : vector<1x1x16xf32> to vector<16xf32>
        %add3A_349 = arith.constant 0 : i32
        %add3A_350 = arith.addi %mul3A_308, %add3A_349 : i32
        %swap3A_351 = arith.constant 0 : i32
        %swap3A_352 = arith.index_cast %swap3A_351 : i32 to index
        %swap3A_353 = arith.index_cast %add3A_350 : i32 to index
        %swap3A_354 = arith.constant 32 : index
        %swap3A_355 = tpu.vector_load %arg7[%swap3A_352, %swap3A_353, %swap3A_354] {strides = array<i32>} : memref<4x64x64xf32, #tpu.memory_space<vmem>>, vector<1x1x16xf32>,
        %swap3A_356 = vector.shape_cast %swap3A_355 : vector<1x1x16xf32> to vector<16xf32>
        %swap3A_357 = vector.shape_cast %get3A_348 : vector<16xf32> to vector<1x1x16xf32>
        tpu.vector_store %arg7[%swap3A_352, %swap3A_353, %swap3A_354], %swap3A_357 {strides = array<i32>} : memref<4x64x64xf32, #tpu.memory_space<vmem>>, vector<1x1x16xf32>,
        %add3A_358 = arith.constant 0 : i32
        %add3A_359 = arith.addi %mul3A_308, %add3A_358 : i32
        %get3A_360 = arith.constant 0 : i32
        %get3A_361 = arith.index_cast %get3A_360 : i32 to index
        %get3A_362 = arith.index_cast %add3A_359 : i32 to index
        %get3A_363 = arith.constant 48 : index
        %get3A_364 = tpu.vector_load %arg6[%get3A_361, %get3A_362, %get3A_363] {strides = array<i32>} : memref<4x64x128xf32, #tpu.memory_space<vmem>>, vector<1x1x16xf32>,
        %get3A_365 = vector.shape_cast %get3A_364 : vector<1x1x16xf32> to vector<16xf32>
        %add3A_366 = arith.constant 0 : i32
        %add3A_367 = arith.addi %mul3A_308, %add3A_366 : i32
        %swap3A_368 = arith.constant 0 : i32
        %swap3A_369 = arith.index_cast %swap3A_368 : i32 to index
        %swap3A_370 = arith.index_cast %add3A_367 : i32 to index
        %swap3A_371 = arith.constant 48 : index
        %swap3A_372 = tpu.vector_load %arg7[%swap3A_369, %swap3A_370, %swap3A_371] {strides = array<i32>} : memref<4x64x64xf32, #tpu.memory_space<vmem>>, vector<1x1x16xf32>,
        %swap3A_373 = vector.shape_cast %swap3A_372 : vector<1x1x16xf32> to vector<16xf32>
        %swap3A_374 = vector.shape_cast %get3A_365 : vector<16xf32> to vector<1x1x16xf32>
        tpu.vector_store %arg7[%swap3A_369, %swap3A_370, %swap3A_371], %swap3A_374 {strides = array<i32>} : memref<4x64x64xf32, #tpu.memory_space<vmem>>, vector<1x1x16xf32>,
        %add3A_375 = arith.constant 1 : i32
        %add3A_376 = arith.addi %mul3A_308, %add3A_375 : i32
        %get3A_377 = arith.constant 0 : i32
        %get3A_378 = arith.index_cast %get3A_377 : i32 to index
        %get3A_379 = arith.index_cast %add3A_376 : i32 to index
        %get3A_380 = arith.constant 0 : index
        %get3A_381 = tpu.vector_load %arg6[%get3A_378, %get3A_379, %get3A_380] {strides = array<i32>} : memref<4x64x128xf32, #tpu.memory_space<vmem>>, vector<1x1x16xf32>,
        %get3A_382 = vector.shape_cast %get3A_381 : vector<1x1x16xf32> to vector<16xf32>
        %add3A_383 = arith.constant 1 : i32
        %add3A_384 = arith.addi %mul3A_308, %add3A_383 : i32
        %swap3A_385 = arith.constant 0 : i32
        %swap3A_386 = arith.index_cast %swap3A_385 : i32 to index
        %swap3A_387 = arith.index_cast %add3A_384 : i32 to index
        %swap3A_388 = arith.constant 0 : index
        %swap3A_389 = tpu.vector_load %arg7[%swap3A_386, %swap3A_387, %swap3A_388] {strides = array<i32>} : memref<4x64x64xf32, #tpu.memory_space<vmem>>, vector<1x1x16xf32>,
        %swap3A_390 = vector.shape_cast %swap3A_389 : vector<1x1x16xf32> to vector<16xf32>
        %swap3A_391 = vector.shape_cast %get3A_382 : vector<16xf32> to vector<1x1x16xf32>
        tpu.vector_store %arg7[%swap3A_386, %swap3A_387, %swap3A_388], %swap3A_391 {strides = array<i32>} : memref<4x64x64xf32, #tpu.memory_space<vmem>>, vector<1x1x16xf32>,
        %add3A_392 = arith.constant 1 : i32
        %add3A_393 = arith.addi %mul3A_308, %add3A_392 : i32
        %get3A_394 = arith.constant 0 : i32
        %get3A_395 = arith.index_cast %get3A_394 : i32 to index
        %get3A_396 = arith.index_cast %add3A_393 : i32 to index
        %get3A_397 = arith.constant 16 : index
        %get3A_398 = tpu.vector_load %arg6[%get3A_395, %get3A_396, %get3A_397] {strides = array<i32>} : memref<4x64x128xf32, #tpu.memory_space<vmem>>, vector<1x1x16xf32>,
        %get3A_399 = vector.shape_cast %get3A_398 : vector<1x1x16xf32> to vector<16xf32>
        %add3A_400 = arith.constant 1 : i32
        %add3A_401 = arith.addi %mul3A_308, %add3A_400 : i32
        %swap3A_402 = arith.constant 0 : i32
        %swap3A_403 = arith.index_cast %swap3A_402 : i32 to index
        %swap3A_404 = arith.index_cast %add3A_401 : i32 to index
        %swap3A_405 = arith.constant 16 : index
        %swap3A_406 = tpu.vector_load %arg7[%swap3A_403, %swap3A_404, %swap3A_405] {strides = array<i32>} : memref<4x64x64xf32, #tpu.memory_space<vmem>>, vector<1x1x16xf32>,
        %swap3A_407 = vector.shape_cast %swap3A_406 : vector<1x1x16xf32> to vector<16xf32>
        %swap3A_408 = vector.shape_cast %get3A_399 : vector<16xf32> to vector<1x1x16xf32>
        tpu.vector_store %arg7[%swap3A_403, %swap3A_404, %swap3A_405], %swap3A_408 {strides = array<i32>} : memref<4x64x64xf32, #tpu.memory_space<vmem>>, vector<1x1x16xf32>,
        %add3A_409 = arith.constant 1 : i32
        %add3A_410 = arith.addi %mul3A_308, %add3A_409 : i32
        %get3A_411 = arith.constant 0 : i32
        %get3A_412 = arith.index_cast %get3A_411 : i32 to index
        %get3A_413 = arith.index_cast %add3A_410 : i32 to index
        %get3A_414 = arith.constant 32 : index
        %get3A_415 = tpu.vector_load %arg6[%get3A_412, %get3A_413, %get3A_414] {strides = array<i32>} : memref<4x64x128xf32, #tpu.memory_space<vmem>>, vector<1x1x16xf32>,
        %get3A_416 = vector.shape_cast %get3A_415 : vector<1x1x16xf32> to vector<16xf32>
        %add3A_417 = arith.constant 1 : i32
        %add3A_418 = arith.addi %mul3A_308, %add3A_417 : i32
        %swap3A_419 = arith.constant 0 : i32
        %swap3A_420 = arith.index_cast %swap3A_419 : i32 to index
        %swap3A_421 = arith.index_cast %add3A_418 : i32 to index
        %swap3A_422 = arith.constant 32 : index
        %swap3A_423 = tpu.vector_load %arg7[%swap3A_420, %swap3A_421, %swap3A_422] {strides = array<i32>} : memref<4x64x64xf32, #tpu.memory_space<vmem>>, vector<1x1x16xf32>,
        %swap3A_424 = vector.shape_cast %swap3A_423 : vector<1x1x16xf32> to vector<16xf32>
        %swap3A_425 = vector.shape_cast %get3A_416 : vector<16xf32> to vector<1x1x16xf32>
        tpu.vector_store %arg7[%swap3A_420, %swap3A_421, %swap3A_422], %swap3A_425 {strides = array<i32>} : memref<4x64x64xf32, #tpu.memory_space<vmem>>, vector<1x1x16xf32>,
        %add3A_426 = arith.constant 1 : i32
        %add3A_427 = arith.addi %mul3A_308, %add3A_426 : i32
        %get3A_428 = arith.constant 0 : i32
        %get3A_429 = arith.index_cast %get3A_428 : i32 to index
        %get3A_430 = arith.index_cast %add3A_427 : i32 to index
        %get3A_431 = arith.constant 48 : index
        %get3A_432 = tpu.vector_load %arg6[%get3A_429, %get3A_430, %get3A_431] {strides = array<i32>} : memref<4x64x128xf32, #tpu.memory_space<vmem>>, vector<1x1x16xf32>,
        %get3A_433 = vector.shape_cast %get3A_432 : vector<1x1x16xf32> to vector<16xf32>
        %add3A_434 = arith.constant 1 : i32
        %add3A_435 = arith.addi %mul3A_308, %add3A_434 : i32
        %swap3A_436 = arith.constant 0 : i32
        %swap3A_437 = arith.index_cast %swap3A_436 : i32 to index
        %swap3A_438 = arith.index_cast %add3A_435 : i32 to index
        %swap3A_439 = arith.constant 48 : index
        %swap3A_440 = tpu.vector_load %arg7[%swap3A_437, %swap3A_438, %swap3A_439] {strides = array<i32>} : memref<4x64x64xf32, #tpu.memory_space<vmem>>, vector<1x1x16xf32>,
        %swap3A_441 = vector.shape_cast %swap3A_440 : vector<1x1x16xf32> to vector<16xf32>
        %swap3A_442 = vector.shape_cast %get3A_433 : vector<16xf32> to vector<1x1x16xf32>
        tpu.vector_store %arg7[%swap3A_437, %swap3A_438, %swap3A_439], %swap3A_442 {strides = array<i32>} : memref<4x64x64xf32, #tpu.memory_space<vmem>>, vector<1x1x16xf32>,
        %add3A_443 = arith.constant 2 : i32
        %add3A_444 = arith.addi %mul3A_308, %add3A_443 : i32
        %get3A_445 = arith.constant 0 : i32
        %get3A_446 = arith.index_cast %get3A_445 : i32 to index
        %get3A_447 = arith.index_cast %add3A_444 : i32 to index
        %get3A_448 = arith.constant 0 : index
        %get3A_449 = tpu.vector_load %arg6[%get3A_446, %get3A_447, %get3A_448] {strides = array<i32>} : memref<4x64x128xf32, #tpu.memory_space<vmem>>, vector<1x1x16xf32>,
        %get3A_450 = vector.shape_cast %get3A_449 : vector<1x1x16xf32> to vector<16xf32>
        %add3A_451 = arith.constant 2 : i32
        %add3A_452 = arith.addi %mul3A_308, %add3A_451 : i32
        %swap3A_453 = arith.constant 0 : i32
        %swap3A_454 = arith.index_cast %swap3A_453 : i32 to index
        %swap3A_455 = arith.index_cast %add3A_452 : i32 to index
        %swap3A_456 = arith.constant 0 : index
        %swap3A_457 = tpu.vector_load %arg7[%swap3A_454, %swap3A_455, %swap3A_456] {strides = array<i32>} : memref<4x64x64xf32, #tpu.memory_space<vmem>>, vector<1x1x16xf32>,
        %swap3A_458 = vector.shape_cast %swap3A_457 : vector<1x1x16xf32> to vector<16xf32>
        %swap3A_459 = vector.shape_cast %get3A_450 : vector<16xf32> to vector<1x1x16xf32>
        tpu.vector_store %arg7[%swap3A_454, %swap3A_455, %swap3A_456], %swap3A_459 {strides = array<i32>} : memref<4x64x64xf32, #tpu.memory_space<vmem>>, vector<1x1x16xf32>,
        %add3A_460 = arith.constant 2 : i32
        %add3A_461 = arith.addi %mul3A_308, %add3A_460 : i32
        %get3A_462 = arith.constant 0 : i32
        %get3A_463 = arith.index_cast %get3A_462 : i32 to index
        %get3A_464 = arith.index_cast %add3A_461 : i32 to index
        %get3A_465 = arith.constant 16 : index
        %get3A_466 = tpu.vector_load %arg6[%get3A_463, %get3A_464, %get3A_465] {strides = array<i32>} : memref<4x64x128xf32, #tpu.memory_space<vmem>>, vector<1x1x16xf32>,
        %get3A_467 = vector.shape_cast %get3A_466 : vector<1x1x16xf32> to vector<16xf32>
        %add3A_468 = arith.constant 2 : i32
        %add3A_469 = arith.addi %mul3A_308, %add3A_468 : i32
        %swap3A_470 = arith.constant 0 : i32
        %swap3A_471 = arith.index_cast %swap3A_470 : i32 to index
        %swap3A_472 = arith.index_cast %add3A_469 : i32 to index
        %swap3A_473 = arith.constant 16 : index
        %swap3A_474 = tpu.vector_load %arg7[%swap3A_471, %swap3A_472, %swap3A_473] {strides = array<i32>} : memref<4x64x64xf32, #tpu.memory_space<vmem>>, vector<1x1x16xf32>,
        %swap3A_475 = vector.shape_cast %swap3A_474 : vector<1x1x16xf32> to vector<16xf32>
        %swap3A_476 = vector.shape_cast %get3A_467 : vector<16xf32> to vector<1x1x16xf32>
        tpu.vector_store %arg7[%swap3A_471, %swap3A_472, %swap3A_473], %swap3A_476 {strides = array<i32>} : memref<4x64x64xf32, #tpu.memory_space<vmem>>, vector<1x1x16xf32>,
        %add3A_477 = arith.constant 2 : i32
        %add3A_478 = arith.addi %mul3A_308, %add3A_477 : i32
        %get3A_479 = arith.constant 0 : i32
        %get3A_480 = arith.index_cast %get3A_479 : i32 to index
        %get3A_481 = arith.index_cast %add3A_478 : i32 to index
        %get3A_482 = arith.constant 32 : index
        %get3A_483 = tpu.vector_load %arg6[%get3A_480, %get3A_481, %get3A_482] {strides = array<i32>} : memref<4x64x128xf32, #tpu.memory_space<vmem>>, vector<1x1x16xf32>,
        %get3A_484 = vector.shape_cast %get3A_483 : vector<1x1x16xf32> to vector<16xf32>
        %add3A_485 = arith.constant 2 : i32
        %add3A_486 = arith.addi %mul3A_308, %add3A_485 : i32
        %swap3A_487 = arith.constant 0 : i32
        %swap3A_488 = arith.index_cast %swap3A_487 : i32 to index
        %swap3A_489 = arith.index_cast %add3A_486 : i32 to index
        %swap3A_490 = arith.constant 32 : index
        %swap3A_491 = tpu.vector_load %arg7[%swap3A_488, %swap3A_489, %swap3A_490] {strides = array<i32>} : memref<4x64x64xf32, #tpu.memory_space<vmem>>, vector<1x1x16xf32>,
        %swap3A_492 = vector.shape_cast %swap3A_491 : vector<1x1x16xf32> to vector<16xf32>
        %swap3A_493 = vector.shape_cast %get3A_484 : vector<16xf32> to vector<1x1x16xf32>
        tpu.vector_store %arg7[%swap3A_488, %swap3A_489, %swap3A_490], %swap3A_493 {strides = array<i32>} : memref<4x64x64xf32, #tpu.memory_space<vmem>>, vector<1x1x16xf32>,
        %add3A_494 = arith.constant 2 : i32
        %add3A_495 = arith.addi %mul3A_308, %add3A_494 : i32
        %get3A_496 = arith.constant 0 : i32
        %get3A_497 = arith.index_cast %get3A_496 : i32 to index
        %get3A_498 = arith.index_cast %add3A_495 : i32 to index
        %get3A_499 = arith.constant 48 : index
        %get3A_500 = tpu.vector_load %arg6[%get3A_497, %get3A_498, %get3A_499] {strides = array<i32>} : memref<4x64x128xf32, #tpu.memory_space<vmem>>, vector<1x1x16xf32>,
        %get3A_501 = vector.shape_cast %get3A_500 : vector<1x1x16xf32> to vector<16xf32>
        %add3A_502 = arith.constant 2 : i32
        %add3A_503 = arith.addi %mul3A_308, %add3A_502 : i32
        %swap3A_504 = arith.constant 0 : i32
        %swap3A_505 = arith.index_cast %swap3A_504 : i32 to index
        %swap3A_506 = arith.index_cast %add3A_503 : i32 to index
        %swap3A_507 = arith.constant 48 : index
        %swap3A_508 = tpu.vector_load %arg7[%swap3A_505, %swap3A_506, %swap3A_507] {strides = array<i32>} : memref<4x64x64xf32, #tpu.memory_space<vmem>>, vector<1x1x16xf32>,
        %swap3A_509 = vector.shape_cast %swap3A_508 : vector<1x1x16xf32> to vector<16xf32>
        %swap3A_510 = vector.shape_cast %get3A_501 : vector<16xf32> to vector<1x1x16xf32>
        tpu.vector_store %arg7[%swap3A_505, %swap3A_506, %swap3A_507], %swap3A_510 {strides = array<i32>} : memref<4x64x64xf32, #tpu.memory_space<vmem>>, vector<1x1x16xf32>,
        %add3A_511 = arith.constant 3 : i32
        %add3A_512 = arith.addi %mul3A_308, %add3A_511 : i32
        %get3A_513 = arith.constant 0 : i32
        %get3A_514 = arith.index_cast %get3A_513 : i32 to index
        %get3A_515 = arith.index_cast %add3A_512 : i32 to index
        %get3A_516 = arith.constant 0 : index
        %get3A_517 = tpu.vector_load %arg6[%get3A_514, %get3A_515, %get3A_516] {strides = array<i32>} : memref<4x64x128xf32, #tpu.memory_space<vmem>>, vector<1x1x16xf32>,
        %get3A_518 = vector.shape_cast %get3A_517 : vector<1x1x16xf32> to vector<16xf32>
        %add3A_519 = arith.constant 3 : i32
        %add3A_520 = arith.addi %mul3A_308, %add3A_519 : i32
        %swap3A_521 = arith.constant 0 : i32
        %swap3A_522 = arith.index_cast %swap3A_521 : i32 to index
        %swap3A_523 = arith.index_cast %add3A_520 : i32 to index
        %swap3A_524 = arith.constant 0 : index
        %swap3A_525 = tpu.vector_load %arg7[%swap3A_522, %swap3A_523, %swap3A_524] {strides = array<i32>} : memref<4x64x64xf32, #tpu.memory_space<vmem>>, vector<1x1x16xf32>,
        %swap3A_526 = vector.shape_cast %swap3A_525 : vector<1x1x16xf32> to vector<16xf32>
        %swap3A_527 = vector.shape_cast %get3A_518 : vector<16xf32> to vector<1x1x16xf32>
        tpu.vector_store %arg7[%swap3A_522, %swap3A_523, %swap3A_524], %swap3A_527 {strides = array<i32>} : memref<4x64x64xf32, #tpu.memory_space<vmem>>, vector<1x1x16xf32>,
        %add3A_528 = arith.constant 3 : i32
        %add3A_529 = arith.addi %mul3A_308, %add3A_528 : i32
        %get3A_530 = arith.constant 0 : i32
        %get3A_531 = arith.index_cast %get3A_530 : i32 to index
        %get3A_532 = arith.index_cast %add3A_529 : i32 to index
        %get3A_533 = arith.constant 16 : index
        %get3A_534 = tpu.vector_load %arg6[%get3A_531, %get3A_532, %get3A_533] {strides = array<i32>} : memref<4x64x128xf32, #tpu.memory_space<vmem>>, vector<1x1x16xf32>,
        %get3A_535 = vector.shape_cast %get3A_534 : vector<1x1x16xf32> to vector<16xf32>
        %add3A_536 = arith.constant 3 : i32
        %add3A_537 = arith.addi %mul3A_308, %add3A_536 : i32
        %swap3A_538 = arith.constant 0 : i32
        %swap3A_539 = arith.index_cast %swap3A_538 : i32 to index
        %swap3A_540 = arith.index_cast %add3A_537 : i32 to index
        %swap3A_541 = arith.constant 16 : index
        %swap3A_542 = tpu.vector_load %arg7[%swap3A_539, %swap3A_540, %swap3A_541] {strides = array<i32>} : memref<4x64x64xf32, #tpu.memory_space<vmem>>, vector<1x1x16xf32>,
        %swap3A_543 = vector.shape_cast %swap3A_542 : vector<1x1x16xf32> to vector<16xf32>
        %swap3A_544 = vector.shape_cast %get3A_535 : vector<16xf32> to vector<1x1x16xf32>
        tpu.vector_store %arg7[%swap3A_539, %swap3A_540, %swap3A_541], %swap3A_544 {strides = array<i32>} : memref<4x64x64xf32, #tpu.memory_space<vmem>>, vector<1x1x16xf32>,
        %add3A_545 = arith.constant 3 : i32
        %add3A_546 = arith.addi %mul3A_308, %add3A_545 : i32
        %get3A_547 = arith.constant 0 : i32
        %get3A_548 = arith.index_cast %get3A_547 : i32 to index
        %get3A_549 = arith.index_cast %add3A_546 : i32 to index
        %get3A_550 = arith.constant 32 : index
        %get3A_551 = tpu.vector_load %arg6[%get3A_548, %get3A_549, %get3A_550] {strides = array<i32>} : memref<4x64x128xf32, #tpu.memory_space<vmem>>, vector<1x1x16xf32>,
        %get3A_552 = vector.shape_cast %get3A_551 : vector<1x1x16xf32> to vector<16xf32>
        %add3A_553 = arith.constant 3 : i32
        %add3A_554 = arith.addi %mul3A_308, %add3A_553 : i32
        %swap3A_555 = arith.constant 0 : i32
        %swap3A_556 = arith.index_cast %swap3A_555 : i32 to index
        %swap3A_557 = arith.index_cast %add3A_554 : i32 to index
        %swap3A_558 = arith.constant 32 : index
        %swap3A_559 = tpu.vector_load %arg7[%swap3A_556, %swap3A_557, %swap3A_558] {strides = array<i32>} : memref<4x64x64xf32, #tpu.memory_space<vmem>>, vector<1x1x16xf32>,
        %swap3A_560 = vector.shape_cast %swap3A_559 : vector<1x1x16xf32> to vector<16xf32>
        %swap3A_561 = vector.shape_cast %get3A_552 : vector<16xf32> to vector<1x1x16xf32>
        tpu.vector_store %arg7[%swap3A_556, %swap3A_557, %swap3A_558], %swap3A_561 {strides = array<i32>} : memref<4x64x64xf32, #tpu.memory_space<vmem>>, vector<1x1x16xf32>,
        %add3A_562 = arith.constant 3 : i32
        %add3A_563 = arith.addi %mul3A_308, %add3A_562 : i32
        %get3A_564 = arith.constant 0 : i32
        %get3A_565 = arith.index_cast %get3A_564 : i32 to index
        %get3A_566 = arith.index_cast %add3A_563 : i32 to index
        %get3A_567 = arith.constant 48 : index
        %get3A_568 = tpu.vector_load %arg6[%get3A_565, %get3A_566, %get3A_567] {strides = array<i32>} : memref<4x64x128xf32, #tpu.memory_space<vmem>>, vector<1x1x16xf32>,
        %get3A_569 = vector.shape_cast %get3A_568 : vector<1x1x16xf32> to vector<16xf32>
        %add3A_570 = arith.constant 3 : i32
        %add3A_571 = arith.addi %mul3A_308, %add3A_570 : i32
        %swap3A_572 = arith.constant 0 : i32
        %swap3A_573 = arith.index_cast %swap3A_572 : i32 to index
        %swap3A_574 = arith.index_cast %add3A_571 : i32 to index
        %swap3A_575 = arith.constant 48 : index
        %swap3A_576 = tpu.vector_load %arg7[%swap3A_573, %swap3A_574, %swap3A_575] {strides = array<i32>} : memref<4x64x64xf32, #tpu.memory_space<vmem>>, vector<1x1x16xf32>,
        %swap3A_577 = vector.shape_cast %swap3A_576 : vector<1x1x16xf32> to vector<16xf32>
        %swap3A_578 = vector.shape_cast %get3A_569 : vector<16xf32> to vector<1x1x16xf32>
        tpu.vector_store %arg7[%swap3A_573, %swap3A_574, %swap3A_575], %swap3A_578 {strides = array<i32>} : memref<4x64x64xf32, #tpu.memory_space<vmem>>, vector<1x1x16xf32>,
        %add3A_579 = arith.constant 4 : i32
        %add3A_580 = arith.addi %mul3A_308, %add3A_579 : i32
        %get3A_581 = arith.constant 0 : i32
        %get3A_582 = arith.index_cast %get3A_581 : i32 to index
        %get3A_583 = arith.index_cast %add3A_580 : i32 to index
        %get3A_584 = arith.constant 0 : index
        %get3A_585 = tpu.vector_load %arg6[%get3A_582, %get3A_583, %get3A_584] {strides = array<i32>} : memref<4x64x128xf32, #tpu.memory_space<vmem>>, vector<1x1x16xf32>,
        %get3A_586 = vector.shape_cast %get3A_585 : vector<1x1x16xf32> to vector<16xf32>
        %add3A_587 = arith.constant 4 : i32
        %add3A_588 = arith.addi %mul3A_308, %add3A_587 : i32
        %swap3A_589 = arith.constant 0 : i32
        %swap3A_590 = arith.index_cast %swap3A_589 : i32 to index
        %swap3A_591 = arith.index_cast %add3A_588 : i32 to index
        %swap3A_592 = arith.constant 0 : index
        %swap3A_593 = tpu.vector_load %arg7[%swap3A_590, %swap3A_591, %swap3A_592] {strides = array<i32>} : memref<4x64x64xf32, #tpu.memory_space<vmem>>, vector<1x1x16xf32>,
        %swap3A_594 = vector.shape_cast %swap3A_593 : vector<1x1x16xf32> to vector<16xf32>
        %swap3A_595 = vector.shape_cast %get3A_586 : vector<16xf32> to vector<1x1x16xf32>
        tpu.vector_store %arg7[%swap3A_590, %swap3A_591, %swap3A_592], %swap3A_595 {strides = array<i32>} : memref<4x64x64xf32, #tpu.memory_space<vmem>>, vector<1x1x16xf32>,
        %add3A_596 = arith.constant 4 : i32
        %add3A_597 = arith.addi %mul3A_308, %add3A_596 : i32
        %get3A_598 = arith.constant 0 : i32
        %get3A_599 = arith.index_cast %get3A_598 : i32 to index
        %get3A_600 = arith.index_cast %add3A_597 : i32 to index
        %get3A_601 = arith.constant 16 : index
        %get3A_602 = tpu.vector_load %arg6[%get3A_599, %get3A_600, %get3A_601] {strides = array<i32>} : memref<4x64x128xf32, #tpu.memory_space<vmem>>, vector<1x1x16xf32>,
        %get3A_603 = vector.shape_cast %get3A_602 : vector<1x1x16xf32> to vector<16xf32>
        %add3A_604 = arith.constant 4 : i32
        %add3A_605 = arith.addi %mul3A_308, %add3A_604 : i32
        %swap3A_606 = arith.constant 0 : i32
        %swap3A_607 = arith.index_cast %swap3A_606 : i32 to index
        %swap3A_608 = arith.index_cast %add3A_605 : i32 to index
        %swap3A_609 = arith.constant 16 : index
        %swap3A_610 = tpu.vector_load %arg7[%swap3A_607, %swap3A_608, %swap3A_609] {strides = array<i32>} : memref<4x64x64xf32, #tpu.memory_space<vmem>>, vector<1x1x16xf32>,
        %swap3A_611 = vector.shape_cast %swap3A_610 : vector<1x1x16xf32> to vector<16xf32>
        %swap3A_612 = vector.shape_cast %get3A_603 : vector<16xf32> to vector<1x1x16xf32>
        tpu.vector_store %arg7[%swap3A_607, %swap3A_608, %swap3A_609], %swap3A_612 {strides = array<i32>} : memref<4x64x64xf32, #tpu.memory_space<vmem>>, vector<1x1x16xf32>,
        %add3A_613 = arith.constant 4 : i32
        %add3A_614 = arith.addi %mul3A_308, %add3A_613 : i32
        %get3A_615 = arith.constant 0 : i32
        %get3A_616 = arith.index_cast %get3A_615 : i32 to index
        %get3A_617 = arith.index_cast %add3A_614 : i32 to index
        %get3A_618 = arith.constant 32 : index
        %get3A_619 = tpu.vector_load %arg6[%get3A_616, %get3A_617, %get3A_618] {strides = array<i32>} : memref<4x64x128xf32, #tpu.memory_space<vmem>>, vector<1x1x16xf32>,
        %get3A_620 = vector.shape_cast %get3A_619 : vector<1x1x16xf32> to vector<16xf32>
        %add3A_621 = arith.constant 4 : i32
        %add3A_622 = arith.addi %mul3A_308, %add3A_621 : i32
        %swap3A_623 = arith.constant 0 : i32
        %swap3A_624 = arith.index_cast %swap3A_623 : i32 to index
        %swap3A_625 = arith.index_cast %add3A_622 : i32 to index
        %swap3A_626 = arith.constant 32 : index
        %swap3A_627 = tpu.vector_load %arg7[%swap3A_624, %swap3A_625, %swap3A_626] {strides = array<i32>} : memref<4x64x64xf32, #tpu.memory_space<vmem>>, vector<1x1x16xf32>,
        %swap3A_628 = vector.shape_cast %swap3A_627 : vector<1x1x16xf32> to vector<16xf32>
        %swap3A_629 = vector.shape_cast %get3A_620 : vector<16xf32> to vector<1x1x16xf32>
        tpu.vector_store %arg7[%swap3A_624, %swap3A_625, %swap3A_626], %swap3A_629 {strides = array<i32>} : memref<4x64x64xf32, #tpu.memory_space<vmem>>, vector<1x1x16xf32>,
        %add3A_630 = arith.constant 4 : i32
        %add3A_631 = arith.addi %mul3A_308, %add3A_630 : i32
        %get3A_632 = arith.constant 0 : i32
        %get3A_633 = arith.index_cast %get3A_632 : i32 to index
        %get3A_634 = arith.index_cast %add3A_631 : i32 to index
        %get3A_635 = arith.constant 48 : index
        %get3A_636 = tpu.vector_load %arg6[%get3A_633, %get3A_634, %get3A_635] {strides = array<i32>} : memref<4x64x128xf32, #tpu.memory_space<vmem>>, vector<1x1x16xf32>,
        %get3A_637 = vector.shape_cast %get3A_636 : vector<1x1x16xf32> to vector<16xf32>
        %add3A_638 = arith.constant 4 : i32
        %add3A_639 = arith.addi %mul3A_308, %add3A_638 : i32
        %swap3A_640 = arith.constant 0 : i32
        %swap3A_641 = arith.index_cast %swap3A_640 : i32 to index
        %swap3A_642 = arith.index_cast %add3A_639 : i32 to index
        %swap3A_643 = arith.constant 48 : index
        %swap3A_644 = tpu.vector_load %arg7[%swap3A_641, %swap3A_642, %swap3A_643] {strides = array<i32>} : memref<4x64x64xf32, #tpu.memory_space<vmem>>, vector<1x1x16xf32>,
        %swap3A_645 = vector.shape_cast %swap3A_644 : vector<1x1x16xf32> to vector<16xf32>
        %swap3A_646 = vector.shape_cast %get3A_637 : vector<16xf32> to vector<1x1x16xf32>
        tpu.vector_store %arg7[%swap3A_641, %swap3A_642, %swap3A_643], %swap3A_646 {strides = array<i32>} : memref<4x64x64xf32, #tpu.memory_space<vmem>>, vector<1x1x16xf32>,
        %add3A_647 = arith.constant 5 : i32
        %add3A_648 = arith.addi %mul3A_308, %add3A_647 : i32
        %get3A_649 = arith.constant 0 : i32
        %get3A_650 = arith.index_cast %get3A_649 : i32 to index
        %get3A_651 = arith.index_cast %add3A_648 : i32 to index
        %get3A_652 = arith.constant 0 : index
        %get3A_653 = tpu.vector_load %arg6[%get3A_650, %get3A_651, %get3A_652] {strides = array<i32>} : memref<4x64x128xf32, #tpu.memory_space<vmem>>, vector<1x1x16xf32>,
        %get3A_654 = vector.shape_cast %get3A_653 : vector<1x1x16xf32> to vector<16xf32>
        %add3A_655 = arith.constant 5 : i32
        %add3A_656 = arith.addi %mul3A_308, %add3A_655 : i32
        %swap3A_657 = arith.constant 0 : i32
        %swap3A_658 = arith.index_cast %swap3A_657 : i32 to index
        %swap3A_659 = arith.index_cast %add3A_656 : i32 to index
        %swap3A_660 = arith.constant 0 : index
        %swap3A_661 = tpu.vector_load %arg7[%swap3A_658, %swap3A_659, %swap3A_660] {strides = array<i32>} : memref<4x64x64xf32, #tpu.memory_space<vmem>>, vector<1x1x16xf32>,
        %swap3A_662 = vector.shape_cast %swap3A_661 : vector<1x1x16xf32> to vector<16xf32>
        %swap3A_663 = vector.shape_cast %get3A_654 : vector<16xf32> to vector<1x1x16xf32>
        tpu.vector_store %arg7[%swap3A_658, %swap3A_659, %swap3A_660], %swap3A_663 {strides = array<i32>} : memref<4x64x64xf32, #tpu.memory_space<vmem>>, vector<1x1x16xf32>,
        %add3A_664 = arith.constant 5 : i32
        %add3A_665 = arith.addi %mul3A_308, %add3A_664 : i32
        %get3A_666 = arith.constant 0 : i32
        %get3A_667 = arith.index_cast %get3A_666 : i32 to index
        %get3A_668 = arith.index_cast %add3A_665 : i32 to index
        %get3A_669 = arith.constant 16 : index
        %get3A_670 = tpu.vector_load %arg6[%get3A_667, %get3A_668, %get3A_669] {strides = array<i32>} : memref<4x64x128xf32, #tpu.memory_space<vmem>>, vector<1x1x16xf32>,
        %get3A_671 = vector.shape_cast %get3A_670 : vector<1x1x16xf32> to vector<16xf32>
        %add3A_672 = arith.constant 5 : i32
        %add3A_673 = arith.addi %mul3A_308, %add3A_672 : i32
        %swap3A_674 = arith.constant 0 : i32
        %swap3A_675 = arith.index_cast %swap3A_674 : i32 to index
        %swap3A_676 = arith.index_cast %add3A_673 : i32 to index
        %swap3A_677 = arith.constant 16 : index
        %swap3A_678 = tpu.vector_load %arg7[%swap3A_675, %swap3A_676, %swap3A_677] {strides = array<i32>} : memref<4x64x64xf32, #tpu.memory_space<vmem>>, vector<1x1x16xf32>,
        %swap3A_679 = vector.shape_cast %swap3A_678 : vector<1x1x16xf32> to vector<16xf32>
        %swap3A_680 = vector.shape_cast %get3A_671 : vector<16xf32> to vector<1x1x16xf32>
        tpu.vector_store %arg7[%swap3A_675, %swap3A_676, %swap3A_677], %swap3A_680 {strides = array<i32>} : memref<4x64x64xf32, #tpu.memory_space<vmem>>, vector<1x1x16xf32>,
        %add3A_681 = arith.constant 5 : i32
        %add3A_682 = arith.addi %mul3A_308, %add3A_681 : i32
        %get3A_683 = arith.constant 0 : i32
        %get3A_684 = arith.index_cast %get3A_683 : i32 to index
        %get3A_685 = arith.index_cast %add3A_682 : i32 to index
        %get3A_686 = arith.constant 32 : index
        %get3A_687 = tpu.vector_load %arg6[%get3A_684, %get3A_685, %get3A_686] {strides = array<i32>} : memref<4x64x128xf32, #tpu.memory_space<vmem>>, vector<1x1x16xf32>,
        %get3A_688 = vector.shape_cast %get3A_687 : vector<1x1x16xf32> to vector<16xf32>
        %add3A_689 = arith.constant 5 : i32
        %add3A_690 = arith.addi %mul3A_308, %add3A_689 : i32
        %swap3A_691 = arith.constant 0 : i32
        %swap3A_692 = arith.index_cast %swap3A_691 : i32 to index
        %swap3A_693 = arith.index_cast %add3A_690 : i32 to index
        %swap3A_694 = arith.constant 32 : index
        %swap3A_695 = tpu.vector_load %arg7[%swap3A_692, %swap3A_693, %swap3A_694] {strides = array<i32>} : memref<4x64x64xf32, #tpu.memory_space<vmem>>, vector<1x1x16xf32>,
        %swap3A_696 = vector.shape_cast %swap3A_695 : vector<1x1x16xf32> to vector<16xf32>
        %swap3A_697 = vector.shape_cast %get3A_688 : vector<16xf32> to vector<1x1x16xf32>
        tpu.vector_store %arg7[%swap3A_692, %swap3A_693, %swap3A_694], %swap3A_697 {strides = array<i32>} : memref<4x64x64xf32, #tpu.memory_space<vmem>>, vector<1x1x16xf32>,
        %add3A_698 = arith.constant 5 : i32
        %add3A_699 = arith.addi %mul3A_308, %add3A_698 : i32
        %get3A_700 = arith.constant 0 : i32
        %get3A_701 = arith.index_cast %get3A_700 : i32 to index
        %get3A_702 = arith.index_cast %add3A_699 : i32 to index
        %get3A_703 = arith.constant 48 : index
        %get3A_704 = tpu.vector_load %arg6[%get3A_701, %get3A_702, %get3A_703] {strides = array<i32>} : memref<4x64x128xf32, #tpu.memory_space<vmem>>, vector<1x1x16xf32>,
        %get3A_705 = vector.shape_cast %get3A_704 : vector<1x1x16xf32> to vector<16xf32>
        %add3A_706 = arith.constant 5 : i32
        %add3A_707 = arith.addi %mul3A_308, %add3A_706 : i32
        %swap3A_708 = arith.constant 0 : i32
        %swap3A_709 = arith.index_cast %swap3A_708 : i32 to index
        %swap3A_710 = arith.index_cast %add3A_707 : i32 to index
        %swap3A_711 = arith.constant 48 : index
        %swap3A_712 = tpu.vector_load %arg7[%swap3A_709, %swap3A_710, %swap3A_711] {strides = array<i32>} : memref<4x64x64xf32, #tpu.memory_space<vmem>>, vector<1x1x16xf32>,
        %swap3A_713 = vector.shape_cast %swap3A_712 : vector<1x1x16xf32> to vector<16xf32>
        %swap3A_714 = vector.shape_cast %get3A_705 : vector<16xf32> to vector<1x1x16xf32>
        tpu.vector_store %arg7[%swap3A_709, %swap3A_710, %swap3A_711], %swap3A_714 {strides = array<i32>} : memref<4x64x64xf32, #tpu.memory_space<vmem>>, vector<1x1x16xf32>,
        %add3A_715 = arith.constant 6 : i32
        %add3A_716 = arith.addi %mul3A_308, %add3A_715 : i32
        %get3A_717 = arith.constant 0 : i32
        %get3A_718 = arith.index_cast %get3A_717 : i32 to index
        %get3A_719 = arith.index_cast %add3A_716 : i32 to index
        %get3A_720 = arith.constant 0 : index
        %get3A_721 = tpu.vector_load %arg6[%get3A_718, %get3A_719, %get3A_720] {strides = array<i32>} : memref<4x64x128xf32, #tpu.memory_space<vmem>>, vector<1x1x16xf32>,
        %get3A_722 = vector.shape_cast %get3A_721 : vector<1x1x16xf32> to vector<16xf32>
        %add3A_723 = arith.constant 6 : i32
        %add3A_724 = arith.addi %mul3A_308, %add3A_723 : i32
        %swap3A_725 = arith.constant 0 : i32
        %swap3A_726 = arith.index_cast %swap3A_725 : i32 to index
        %swap3A_727 = arith.index_cast %add3A_724 : i32 to index
        %swap3A_728 = arith.constant 0 : index
        %swap3A_729 = tpu.vector_load %arg7[%swap3A_726, %swap3A_727, %swap3A_728] {strides = array<i32>} : memref<4x64x64xf32, #tpu.memory_space<vmem>>, vector<1x1x16xf32>,
        %swap3A_730 = vector.shape_cast %swap3A_729 : vector<1x1x16xf32> to vector<16xf32>
        %swap3A_731 = vector.shape_cast %get3A_722 : vector<16xf32> to vector<1x1x16xf32>
        tpu.vector_store %arg7[%swap3A_726, %swap3A_727, %swap3A_728], %swap3A_731 {strides = array<i32>} : memref<4x64x64xf32, #tpu.memory_space<vmem>>, vector<1x1x16xf32>,
        %add3A_732 = arith.constant 6 : i32
        %add3A_733 = arith.addi %mul3A_308, %add3A_732 : i32
        %get3A_734 = arith.constant 0 : i32
        %get3A_735 = arith.index_cast %get3A_734 : i32 to index
        %get3A_736 = arith.index_cast %add3A_733 : i32 to index
        %get3A_737 = arith.constant 16 : index
        %get3A_738 = tpu.vector_load %arg6[%get3A_735, %get3A_736, %get3A_737] {strides = array<i32>} : memref<4x64x128xf32, #tpu.memory_space<vmem>>, vector<1x1x16xf32>,
        %get3A_739 = vector.shape_cast %get3A_738 : vector<1x1x16xf32> to vector<16xf32>
        %add3A_740 = arith.constant 6 : i32
        %add3A_741 = arith.addi %mul3A_308, %add3A_740 : i32
        %swap3A_742 = arith.constant 0 : i32
        %swap3A_743 = arith.index_cast %swap3A_742 : i32 to index
        %swap3A_744 = arith.index_cast %add3A_741 : i32 to index
        %swap3A_745 = arith.constant 16 : index
        %swap3A_746 = tpu.vector_load %arg7[%swap3A_743, %swap3A_744, %swap3A_745] {strides = array<i32>} : memref<4x64x64xf32, #tpu.memory_space<vmem>>, vector<1x1x16xf32>,
        %swap3A_747 = vector.shape_cast %swap3A_746 : vector<1x1x16xf32> to vector<16xf32>
        %swap3A_748 = vector.shape_cast %get3A_739 : vector<16xf32> to vector<1x1x16xf32>
        tpu.vector_store %arg7[%swap3A_743, %swap3A_744, %swap3A_745], %swap3A_748 {strides = array<i32>} : memref<4x64x64xf32, #tpu.memory_space<vmem>>, vector<1x1x16xf32>,
        %add3A_749 = arith.constant 6 : i32
        %add3A_750 = arith.addi %mul3A_308, %add3A_749 : i32
        %get3A_751 = arith.constant 0 : i32
        %get3A_752 = arith.index_cast %get3A_751 : i32 to index
        %get3A_753 = arith.index_cast %add3A_750 : i32 to index
        %get3A_754 = arith.constant 32 : index
        %get3A_755 = tpu.vector_load %arg6[%get3A_752, %get3A_753, %get3A_754] {strides = array<i32>} : memref<4x64x128xf32, #tpu.memory_space<vmem>>, vector<1x1x16xf32>,
        %get3A_756 = vector.shape_cast %get3A_755 : vector<1x1x16xf32> to vector<16xf32>
        %add3A_757 = arith.constant 6 : i32
        %add3A_758 = arith.addi %mul3A_308, %add3A_757 : i32
        %swap3A_759 = arith.constant 0 : i32
        %swap3A_760 = arith.index_cast %swap3A_759 : i32 to index
        %swap3A_761 = arith.index_cast %add3A_758 : i32 to index
        %swap3A_762 = arith.constant 32 : index
        %swap3A_763 = tpu.vector_load %arg7[%swap3A_760, %swap3A_761, %swap3A_762] {strides = array<i32>} : memref<4x64x64xf32, #tpu.memory_space<vmem>>, vector<1x1x16xf32>,
        %swap3A_764 = vector.shape_cast %swap3A_763 : vector<1x1x16xf32> to vector<16xf32>
        %swap3A_765 = vector.shape_cast %get3A_756 : vector<16xf32> to vector<1x1x16xf32>
        tpu.vector_store %arg7[%swap3A_760, %swap3A_761, %swap3A_762], %swap3A_765 {strides = array<i32>} : memref<4x64x64xf32, #tpu.memory_space<vmem>>, vector<1x1x16xf32>,
        %add3A_766 = arith.constant 6 : i32
        %add3A_767 = arith.addi %mul3A_308, %add3A_766 : i32
        %get3A_768 = arith.constant 0 : i32
        %get3A_769 = arith.index_cast %get3A_768 : i32 to index
        %get3A_770 = arith.index_cast %add3A_767 : i32 to index
        %get3A_771 = arith.constant 48 : index
        %get3A_772 = tpu.vector_load %arg6[%get3A_769, %get3A_770, %get3A_771] {strides = array<i32>} : memref<4x64x128xf32, #tpu.memory_space<vmem>>, vector<1x1x16xf32>,
        %get3A_773 = vector.shape_cast %get3A_772 : vector<1x1x16xf32> to vector<16xf32>
        %add3A_774 = arith.constant 6 : i32
        %add3A_775 = arith.addi %mul3A_308, %add3A_774 : i32
        %swap3A_776 = arith.constant 0 : i32
        %swap3A_777 = arith.index_cast %swap3A_776 : i32 to index
        %swap3A_778 = arith.index_cast %add3A_775 : i32 to index
        %swap3A_779 = arith.constant 48 : index
        %swap3A_780 = tpu.vector_load %arg7[%swap3A_777, %swap3A_778, %swap3A_779] {strides = array<i32>} : memref<4x64x64xf32, #tpu.memory_space<vmem>>, vector<1x1x16xf32>,
        %swap3A_781 = vector.shape_cast %swap3A_780 : vector<1x1x16xf32> to vector<16xf32>
        %swap3A_782 = vector.shape_cast %get3A_773 : vector<16xf32> to vector<1x1x16xf32>
        tpu.vector_store %arg7[%swap3A_777, %swap3A_778, %swap3A_779], %swap3A_782 {strides = array<i32>} : memref<4x64x64xf32, #tpu.memory_space<vmem>>, vector<1x1x16xf32>,
        %add3A_783 = arith.constant 7 : i32
        %add3A_784 = arith.addi %mul3A_308, %add3A_783 : i32
        %get3A_785 = arith.constant 0 : i32
        %get3A_786 = arith.index_cast %get3A_785 : i32 to index
        %get3A_787 = arith.index_cast %add3A_784 : i32 to index
        %get3A_788 = arith.constant 0 : index
        %get3A_789 = tpu.vector_load %arg6[%get3A_786, %get3A_787, %get3A_788] {strides = array<i32>} : memref<4x64x128xf32, #tpu.memory_space<vmem>>, vector<1x1x16xf32>,
        %get3A_790 = vector.shape_cast %get3A_789 : vector<1x1x16xf32> to vector<16xf32>
        %add3A_791 = arith.constant 7 : i32
        %add3A_792 = arith.addi %mul3A_308, %add3A_791 : i32
        %swap3A_793 = arith.constant 0 : i32
        %swap3A_794 = arith.index_cast %swap3A_793 : i32 to index
        %swap3A_795 = arith.index_cast %add3A_792 : i32 to index
        %swap3A_796 = arith.constant 0 : index
        %swap3A_797 = tpu.vector_load %arg7[%swap3A_794, %swap3A_795, %swap3A_796] {strides = array<i32>} : memref<4x64x64xf32, #tpu.memory_space<vmem>>, vector<1x1x16xf32>,
        %swap3A_798 = vector.shape_cast %swap3A_797 : vector<1x1x16xf32> to vector<16xf32>
        %swap3A_799 = vector.shape_cast %get3A_790 : vector<16xf32> to vector<1x1x16xf32>
        tpu.vector_store %arg7[%swap3A_794, %swap3A_795, %swap3A_796], %swap3A_799 {strides = array<i32>} : memref<4x64x64xf32, #tpu.memory_space<vmem>>, vector<1x1x16xf32>,
        %add3A_800 = arith.constant 7 : i32
        %add3A_801 = arith.addi %mul3A_308, %add3A_800 : i32
        %get3A_802 = arith.constant 0 : i32
        %get3A_803 = arith.index_cast %get3A_802 : i32 to index
        %get3A_804 = arith.index_cast %add3A_801 : i32 to index
        %get3A_805 = arith.constant 16 : index
        %get3A_806 = tpu.vector_load %arg6[%get3A_803, %get3A_804, %get3A_805] {strides = array<i32>} : memref<4x64x128xf32, #tpu.memory_space<vmem>>, vector<1x1x16xf32>,
        %get3A_807 = vector.shape_cast %get3A_806 : vector<1x1x16xf32> to vector<16xf32>
        %add3A_808 = arith.constant 7 : i32
        %add3A_809 = arith.addi %mul3A_308, %add3A_808 : i32
        %swap3A_810 = arith.constant 0 : i32
        %swap3A_811 = arith.index_cast %swap3A_810 : i32 to index
        %swap3A_812 = arith.index_cast %add3A_809 : i32 to index
        %swap3A_813 = arith.constant 16 : index
        %swap3A_814 = tpu.vector_load %arg7[%swap3A_811, %swap3A_812, %swap3A_813] {strides = array<i32>} : memref<4x64x64xf32, #tpu.memory_space<vmem>>, vector<1x1x16xf32>,
        %swap3A_815 = vector.shape_cast %swap3A_814 : vector<1x1x16xf32> to vector<16xf32>
        %swap3A_816 = vector.shape_cast %get3A_807 : vector<16xf32> to vector<1x1x16xf32>
        tpu.vector_store %arg7[%swap3A_811, %swap3A_812, %swap3A_813], %swap3A_816 {strides = array<i32>} : memref<4x64x64xf32, #tpu.memory_space<vmem>>, vector<1x1x16xf32>,
        %add3A_817 = arith.constant 7 : i32
        %add3A_818 = arith.addi %mul3A_308, %add3A_817 : i32
        %get3A_819 = arith.constant 0 : i32
        %get3A_820 = arith.index_cast %get3A_819 : i32 to index
        %get3A_821 = arith.index_cast %add3A_818 : i32 to index
        %get3A_822 = arith.constant 32 : index
        %get3A_823 = tpu.vector_load %arg6[%get3A_820, %get3A_821, %get3A_822] {strides = array<i32>} : memref<4x64x128xf32, #tpu.memory_space<vmem>>, vector<1x1x16xf32>,
        %get3A_824 = vector.shape_cast %get3A_823 : vector<1x1x16xf32> to vector<16xf32>
        %add3A_825 = arith.constant 7 : i32
        %add3A_826 = arith.addi %mul3A_308, %add3A_825 : i32
        %swap3A_827 = arith.constant 0 : i32
        %swap3A_828 = arith.index_cast %swap3A_827 : i32 to index
        %swap3A_829 = arith.index_cast %add3A_826 : i32 to index
        %swap3A_830 = arith.constant 32 : index
        %swap3A_831 = tpu.vector_load %arg7[%swap3A_828, %swap3A_829, %swap3A_830] {strides = array<i32>} : memref<4x64x64xf32, #tpu.memory_space<vmem>>, vector<1x1x16xf32>,
        %swap3A_832 = vector.shape_cast %swap3A_831 : vector<1x1x16xf32> to vector<16xf32>
        %swap3A_833 = vector.shape_cast %get3A_824 : vector<16xf32> to vector<1x1x16xf32>
        tpu.vector_store %arg7[%swap3A_828, %swap3A_829, %swap3A_830], %swap3A_833 {strides = array<i32>} : memref<4x64x64xf32, #tpu.memory_space<vmem>>, vector<1x1x16xf32>,
        %add3A_834 = arith.constant 7 : i32
        %add3A_835 = arith.addi %mul3A_308, %add3A_834 : i32
        %get3A_836 = arith.constant 0 : i32
        %get3A_837 = arith.index_cast %get3A_836 : i32 to index
        %get3A_838 = arith.index_cast %add3A_835 : i32 to index
        %get3A_839 = arith.constant 48 : index
        %get3A_840 = tpu.vector_load %arg6[%get3A_837, %get3A_838, %get3A_839] {strides = array<i32>} : memref<4x64x128xf32, #tpu.memory_space<vmem>>, vector<1x1x16xf32>,
        %get3A_841 = vector.shape_cast %get3A_840 : vector<1x1x16xf32> to vector<16xf32>
        %add3A_842 = arith.constant 7 : i32
        %add3A_843 = arith.addi %mul3A_308, %add3A_842 : i32
        %swap3A_844 = arith.constant 0 : i32
        %swap3A_845 = arith.index_cast %swap3A_844 : i32 to index
        %swap3A_846 = arith.index_cast %add3A_843 : i32 to index
        %swap3A_847 = arith.constant 48 : index
        %swap3A_848 = tpu.vector_load %arg7[%swap3A_845, %swap3A_846, %swap3A_847] {strides = array<i32>} : memref<4x64x64xf32, #tpu.memory_space<vmem>>, vector<1x1x16xf32>,
        %swap3A_849 = vector.shape_cast %swap3A_848 : vector<1x1x16xf32> to vector<16xf32>
        %swap3A_850 = vector.shape_cast %get3A_841 : vector<16xf32> to vector<1x1x16xf32>
        tpu.vector_store %arg7[%swap3A_845, %swap3A_846, %swap3A_847], %swap3A_850 {strides = array<i32>} : memref<4x64x64xf32, #tpu.memory_space<vmem>>, vector<1x1x16xf32>,
      }
      %scan3A_137 = arith.constant 8 : i32
      %add3A_138 = arith.constant 0 : i32
      %add3A_139 = arith.addi %mul3A_116, %add3A_138 : i32
      %add3A_140 = arith.addi %mul3A_2, %add3A_139 : i32
      %mul3A_141 = arith.constant 64 : i32
      %mul3A_142 = arith.muli %add3A_140, %mul3A_141 : i32
      %dma_start3A_143 = arith.constant 0 : i32
      %dma_start3A_144 = arith.constant 0 : i32
      %dma_start3A_145 = arith.constant 0 : i32
      %dma_start3A_146 = tpu.memref_slice %arg7[%dma_start3A_143, %dma_start3A_144, %dma_start3A_145] : memref<4x64x64xf32, #tpu.memory_space<vmem>> -> memref<1x64x64xf32, #tpu.memory_space<vmem>>
      %dma_start3A_147 = tpu.memref_squeeze %dma_start3A_146 : memref<1x64x64xf32, #tpu.memory_space<vmem>> -> memref<64x64xf32, #tpu.memory_space<vmem>>
      %dma_start3A_148 = arith.constant 0 : i32
      %dma_start3A_149 = tpu.memref_slice %arg4[%mul3A_142, %dma_start3A_148] : memref<819200x64xf32, #tpu.memory_space<hbm>> -> memref<64x64xf32, #tpu.memory_space<hbm>>
      %dma_start3A_150 = arith.constant 0 : i32
      %dma_start3A_151 = tpu.memref_slice %arg4[%mul3A_142, %dma_start3A_150] : memref<819200x64xf32, #tpu.memory_space<hbm>> -> memref<64x64xf32, #tpu.memory_space<hbm>>
      %dma_start3A_152 = arith.constant 0 : i32
      %dma_start3A_153 = arith.constant 0 : i32
      %dma_start3A_154 = tpu.memref_slice %arg7[%dma_start3A_143, %dma_start3A_152, %dma_start3A_153] : memref<4x64x64xf32, #tpu.memory_space<vmem>> -> memref<1x64x64xf32, #tpu.memory_space<vmem>>
      %dma_start3A_155 = tpu.memref_squeeze %dma_start3A_154 : memref<1x64x64xf32, #tpu.memory_space<vmem>> -> memref<64x64xf32, #tpu.memory_space<vmem>>
      tpu.enqueue_dma source(%dma_start3A_155 : memref<64x64xf32, #tpu.memory_space<vmem>>) target(%dma_start3A_151 : memref<64x64xf32, #tpu.memory_space<hbm>>) target_semaphore(%arg12 : memref<!tpu.dma_semaphore, #tpu.memory_space<semaphore_mem>>)
      %dma_wait3A_156 = arith.constant 1 : i32
      %dma_wait3A_157 = arith.constant 0 : i32
      %dma_wait3A_158 = arith.constant 0 : i32
      %dma_wait3A_159 = tpu.memref_slice %arg6[%dma_wait3A_156, %dma_wait3A_157, %dma_wait3A_158] : memref<4x64x128xf32, #tpu.memory_space<vmem>> -> memref<1x64x128xf32, #tpu.memory_space<vmem>>
      %dma_wait3A_160 = tpu.memref_squeeze %dma_wait3A_159 : memref<1x64x128xf32, #tpu.memory_space<vmem>> -> memref<64x128xf32, #tpu.memory_space<vmem>>
      %dma_wait3A_161 = arith.constant 0 : i32
      %dma_wait3A_162 = arith.constant 0 : i32
      %dma_wait3A_163 = tpu.memref_slice %arg3[%dma_wait3A_161, %dma_wait3A_162] : memref<1000000x128xf32, #tpu.memory_space<hbm>> -> memref<64x128xf32, #tpu.memory_space<hbm>>
      %dma_wait3A_164 = arith.constant 0 : i32
      %dma_wait3A_165 = arith.constant 0 : i32
      %dma_wait3A_166 = tpu.memref_slice %arg6[%dma_wait3A_156, %dma_wait3A_164, %dma_wait3A_165] : memref<4x64x128xf32, #tpu.memory_space<vmem>> -> memref<1x64x128xf32, #tpu.memory_space<vmem>>
      %dma_wait3A_167 = tpu.memref_squeeze %dma_wait3A_166 : memref<1x64x128xf32, #tpu.memory_space<vmem>> -> memref<64x128xf32, #tpu.memory_space<vmem>>
      %dma_wait3A_168 = arith.constant 0 : i32
      %dma_wait3A_169 = arith.constant 0 : i32
      %dma_wait3A_170 = tpu.memref_slice %arg3[%dma_wait3A_168, %dma_wait3A_169] : memref<1000000x128xf32, #tpu.memory_space<hbm>> -> memref<64x128xf32, #tpu.memory_space<hbm>>
      tpu.wait_dma2 semaphore(%arg9 : memref<!tpu.dma_semaphore, #tpu.memory_space<semaphore_mem>>) src(%dma_wait3A_170 : memref<64x128xf32, #tpu.memory_space<hbm>>) dst(%dma_wait3A_167 : memref<64x128xf32, #tpu.memory_space<vmem>>)
      %scan3A_171 = arith.constant 0 : i32
      %scan3A_172 = arith.constant 0 : i32
      %scan3A_173 = arith.constant 8 : i32
      %scan3A_174 = arith.addi %scan3A_172, %scan3A_173 : i32
      %scan3A_175 = arith.constant 1 : i32
      scf.for %scan3A_306 = %scan3A_172 to %scan3A_174 step %scan3A_175  : i32 {
        %mul3A_307 = arith.constant 8 : i32
        %mul3A_308 = arith.muli %scan3A_306, %mul3A_307 : i32
        %add3A_309 = arith.constant 0 : i32
        %add3A_310 = arith.addi %mul3A_308, %add3A_309 : i32
        %get3A = arith.constant 1 : i32
        %get3A_311 = arith.index_cast %get3A : i32 to index
        %get3A_312 = arith.index_cast %add3A_310 : i32 to index
        %get3A_313 = arith.constant 0 : index
        %get3A_314 = tpu.vector_load %arg6[%get3A_311, %get3A_312, %get3A_313] {strides = array<i32>} : memref<4x64x128xf32, #tpu.memory_space<vmem>>, vector<1x1x16xf32>,
        %get3A_315 = vector.shape_cast %get3A_314 : vector<1x1x16xf32> to vector<16xf32>
        %add3A_316 = arith.constant 0 : i32
        %add3A_317 = arith.addi %mul3A_308, %add3A_316 : i32
        %swap3A = arith.constant 1 : i32
        %swap3A_318 = arith.index_cast %swap3A : i32 to index
        %swap3A_319 = arith.index_cast %add3A_317 : i32 to index
        %swap3A_320 = arith.constant 0 : index
        %swap3A_321 = tpu.vector_load %arg7[%swap3A_318, %swap3A_319, %swap3A_320] {strides = array<i32>} : memref<4x64x64xf32, #tpu.memory_space<vmem>>, vector<1x1x16xf32>,
        %swap3A_322 = vector.shape_cast %swap3A_321 : vector<1x1x16xf32> to vector<16xf32>
        %swap3A_323 = vector.shape_cast %get3A_315 : vector<16xf32> to vector<1x1x16xf32>
        tpu.vector_store %arg7[%swap3A_318, %swap3A_319, %swap3A_320], %swap3A_323 {strides = array<i32>} : memref<4x64x64xf32, #tpu.memory_space<vmem>>, vector<1x1x16xf32>,
        %add3A_324 = arith.constant 0 : i32
        %add3A_325 = arith.addi %mul3A_308, %add3A_324 : i32
        %get3A_326 = arith.constant 1 : i32
        %get3A_327 = arith.index_cast %get3A_326 : i32 to index
        %get3A_328 = arith.index_cast %add3A_325 : i32 to index
        %get3A_329 = arith.constant 16 : index
        %get3A_330 = tpu.vector_load %arg6[%get3A_327, %get3A_328, %get3A_329] {strides = array<i32>} : memref<4x64x128xf32, #tpu.memory_space<vmem>>, vector<1x1x16xf32>,
        %get3A_331 = vector.shape_cast %get3A_330 : vector<1x1x16xf32> to vector<16xf32>
        %add3A_332 = arith.constant 0 : i32
        %add3A_333 = arith.addi %mul3A_308, %add3A_332 : i32
        %swap3A_334 = arith.constant 1 : i32
        %swap3A_335 = arith.index_cast %swap3A_334 : i32 to index
        %swap3A_336 = arith.index_cast %add3A_333 : i32 to index
        %swap3A_337 = arith.constant 16 : index
        %swap3A_338 = tpu.vector_load %arg7[%swap3A_335, %swap3A_336, %swap3A_337] {strides = array<i32>} : memref<4x64x64xf32, #tpu.memory_space<vmem>>, vector<1x1x16xf32>,
        %swap3A_339 = vector.shape_cast %swap3A_338 : vector<1x1x16xf32> to vector<16xf32>
        %swap3A_340 = vector.shape_cast %get3A_331 : vector<16xf32> to vector<1x1x16xf32>
        tpu.vector_store %arg7[%swap3A_335, %swap3A_336, %swap3A_337], %swap3A_340 {strides = array<i32>} : memref<4x64x64xf32, #tpu.memory_space<vmem>>, vector<1x1x16xf32>,
        %add3A_341 = arith.constant 0 : i32
        %add3A_342 = arith.addi %mul3A_308, %add3A_341 : i32
        %get3A_343 = arith.constant 1 : i32
        %get3A_344 = arith.index_cast %get3A_343 : i32 to index
        %get3A_345 = arith.index_cast %add3A_342 : i32 to index
        %get3A_346 = arith.constant 32 : index
        %get3A_347 = tpu.vector_load %arg6[%get3A_344, %get3A_345, %get3A_346] {strides = array<i32>} : memref<4x64x128xf32, #tpu.memory_space<vmem>>, vector<1x1x16xf32>,
        %get3A_348 = vector.shape_cast %get3A_347 : vector<1x1x16xf32> to vector<16xf32>
        %add3A_349 = arith.constant 0 : i32
        %add3A_350 = arith.addi %mul3A_308, %add3A_349 : i32
        %swap3A_351 = arith.constant 1 : i32
        %swap3A_352 = arith.index_cast %swap3A_351 : i32 to index
        %swap3A_353 = arith.index_cast %add3A_350 : i32 to index
        %swap3A_354 = arith.constant 32 : index
        %swap3A_355 = tpu.vector_load %arg7[%swap3A_352, %swap3A_353, %swap3A_354] {strides = array<i32>} : memref<4x64x64xf32, #tpu.memory_space<vmem>>, vector<1x1x16xf32>,
        %swap3A_356 = vector.shape_cast %swap3A_355 : vector<1x1x16xf32> to vector<16xf32>
        %swap3A_357 = vector.shape_cast %get3A_348 : vector<16xf32> to vector<1x1x16xf32>
        tpu.vector_store %arg7[%swap3A_352, %swap3A_353, %swap3A_354], %swap3A_357 {strides = array<i32>} : memref<4x64x64xf32, #tpu.memory_space<vmem>>, vector<1x1x16xf32>,
        %add3A_358 = arith.constant 0 : i32
        %add3A_359 = arith.addi %mul3A_308, %add3A_358 : i32
        %get3A_360 = arith.constant 1 : i32
        %get3A_361 = arith.index_cast %get3A_360 : i32 to index
        %get3A_362 = arith.index_cast %add3A_359 : i32 to index
        %get3A_363 = arith.constant 48 : index
        %get3A_364 = tpu.vector_load %arg6[%get3A_361, %get3A_362, %get3A_363] {strides = array<i32>} : memref<4x64x128xf32, #tpu.memory_space<vmem>>, vector<1x1x16xf32>,
        %get3A_365 = vector.shape_cast %get3A_364 : vector<1x1x16xf32> to vector<16xf32>
        %add3A_366 = arith.constant 0 : i32
        %add3A_367 = arith.addi %mul3A_308, %add3A_366 : i32
        %swap3A_368 = arith.constant 1 : i32
        %swap3A_369 = arith.index_cast %swap3A_368 : i32 to index
        %swap3A_370 = arith.index_cast %add3A_367 : i32 to index
        %swap3A_371 = arith.constant 48 : index
        %swap3A_372 = tpu.vector_load %arg7[%swap3A_369, %swap3A_370, %swap3A_371] {strides = array<i32>} : memref<4x64x64xf32, #tpu.memory_space<vmem>>, vector<1x1x16xf32>,
        %swap3A_373 = vector.shape_cast %swap3A_372 : vector<1x1x16xf32> to vector<16xf32>
        %swap3A_374 = vector.shape_cast %get3A_365 : vector<16xf32> to vector<1x1x16xf32>
        tpu.vector_store %arg7[%swap3A_369, %swap3A_370, %swap3A_371], %swap3A_374 {strides = array<i32>} : memref<4x64x64xf32, #tpu.memory_space<vmem>>, vector<1x1x16xf32>,
        %add3A_375 = arith.constant 1 : i32
        %add3A_376 = arith.addi %mul3A_308, %add3A_375 : i32
        %get3A_377 = arith.constant 1 : i32
        %get3A_378 = arith.index_cast %get3A_377 : i32 to index
        %get3A_379 = arith.index_cast %add3A_376 : i32 to index
        %get3A_380 = arith.constant 0 : index
        %get3A_381 = tpu.vector_load %arg6[%get3A_378, %get3A_379, %get3A_380] {strides = array<i32>} : memref<4x64x128xf32, #tpu.memory_space<vmem>>, vector<1x1x16xf32>,
        %get3A_382 = vector.shape_cast %get3A_381 : vector<1x1x16xf32> to vector<16xf32>
        %add3A_383 = arith.constant 1 : i32
        %add3A_384 = arith.addi %mul3A_308, %add3A_383 : i32
        %swap3A_385 = arith.constant 1 : i32
        %swap3A_386 = arith.index_cast %swap3A_385 : i32 to index
        %swap3A_387 = arith.index_cast %add3A_384 : i32 to index
        %swap3A_388 = arith.constant 0 : index
        %swap3A_389 = tpu.vector_load %arg7[%swap3A_386, %swap3A_387, %swap3A_388] {strides = array<i32>} : memref<4x64x64xf32, #tpu.memory_space<vmem>>, vector<1x1x16xf32>,
        %swap3A_390 = vector.shape_cast %swap3A_389 : vector<1x1x16xf32> to vector<16xf32>
        %swap3A_391 = vector.shape_cast %get3A_382 : vector<16xf32> to vector<1x1x16xf32>
        tpu.vector_store %arg7[%swap3A_386, %swap3A_387, %swap3A_388], %swap3A_391 {strides = array<i32>} : memref<4x64x64xf32, #tpu.memory_space<vmem>>, vector<1x1x16xf32>,
        %add3A_392 = arith.constant 1 : i32
        %add3A_393 = arith.addi %mul3A_308, %add3A_392 : i32
        %get3A_394 = arith.constant 1 : i32
        %get3A_395 = arith.index_cast %get3A_394 : i32 to index
        %get3A_396 = arith.index_cast %add3A_393 : i32 to index
        %get3A_397 = arith.constant 16 : index
        %get3A_398 = tpu.vector_load %arg6[%get3A_395, %get3A_396, %get3A_397] {strides = array<i32>} : memref<4x64x128xf32, #tpu.memory_space<vmem>>, vector<1x1x16xf32>,
        %get3A_399 = vector.shape_cast %get3A_398 : vector<1x1x16xf32> to vector<16xf32>
        %add3A_400 = arith.constant 1 : i32
        %add3A_401 = arith.addi %mul3A_308, %add3A_400 : i32
        %swap3A_402 = arith.constant 1 : i32
        %swap3A_403 = arith.index_cast %swap3A_402 : i32 to index
        %swap3A_404 = arith.index_cast %add3A_401 : i32 to index
        %swap3A_405 = arith.constant 16 : index
        %swap3A_406 = tpu.vector_load %arg7[%swap3A_403, %swap3A_404, %swap3A_405] {strides = array<i32>} : memref<4x64x64xf32, #tpu.memory_space<vmem>>, vector<1x1x16xf32>,
        %swap3A_407 = vector.shape_cast %swap3A_406 : vector<1x1x16xf32> to vector<16xf32>
        %swap3A_408 = vector.shape_cast %get3A_399 : vector<16xf32> to vector<1x1x16xf32>
        tpu.vector_store %arg7[%swap3A_403, %swap3A_404, %swap3A_405], %swap3A_408 {strides = array<i32>} : memref<4x64x64xf32, #tpu.memory_space<vmem>>, vector<1x1x16xf32>,
        %add3A_409 = arith.constant 1 : i32
        %add3A_410 = arith.addi %mul3A_308, %add3A_409 : i32
        %get3A_411 = arith.constant 1 : i32
        %get3A_412 = arith.index_cast %get3A_411 : i32 to index
        %get3A_413 = arith.index_cast %add3A_410 : i32 to index
        %get3A_414 = arith.constant 32 : index
        %get3A_415 = tpu.vector_load %arg6[%get3A_412, %get3A_413, %get3A_414] {strides = array<i32>} : memref<4x64x128xf32, #tpu.memory_space<vmem>>, vector<1x1x16xf32>,
        %get3A_416 = vector.shape_cast %get3A_415 : vector<1x1x16xf32> to vector<16xf32>
        %add3A_417 = arith.constant 1 : i32
        %add3A_418 = arith.addi %mul3A_308, %add3A_417 : i32
        %swap3A_419 = arith.constant 1 : i32
        %swap3A_420 = arith.index_cast %swap3A_419 : i32 to index
        %swap3A_421 = arith.index_cast %add3A_418 : i32 to index
        %swap3A_422 = arith.constant 32 : index
        %swap3A_423 = tpu.vector_load %arg7[%swap3A_420, %swap3A_421, %swap3A_422] {strides = array<i32>} : memref<4x64x64xf32, #tpu.memory_space<vmem>>, vector<1x1x16xf32>,
        %swap3A_424 = vector.shape_cast %swap3A_423 : vector<1x1x16xf32> to vector<16xf32>
        %swap3A_425 = vector.shape_cast %get3A_416 : vector<16xf32> to vector<1x1x16xf32>
        tpu.vector_store %arg7[%swap3A_420, %swap3A_421, %swap3A_422], %swap3A_425 {strides = array<i32>} : memref<4x64x64xf32, #tpu.memory_space<vmem>>, vector<1x1x16xf32>,
        %add3A_426 = arith.constant 1 : i32
        %add3A_427 = arith.addi %mul3A_308, %add3A_426 : i32
        %get3A_428 = arith.constant 1 : i32
        %get3A_429 = arith.index_cast %get3A_428 : i32 to index
        %get3A_430 = arith.index_cast %add3A_427 : i32 to index
        %get3A_431 = arith.constant 48 : index
        %get3A_432 = tpu.vector_load %arg6[%get3A_429, %get3A_430, %get3A_431] {strides = array<i32>} : memref<4x64x128xf32, #tpu.memory_space<vmem>>, vector<1x1x16xf32>,
        %get3A_433 = vector.shape_cast %get3A_432 : vector<1x1x16xf32> to vector<16xf32>
        %add3A_434 = arith.constant 1 : i32
        %add3A_435 = arith.addi %mul3A_308, %add3A_434 : i32
        %swap3A_436 = arith.constant 1 : i32
        %swap3A_437 = arith.index_cast %swap3A_436 : i32 to index
        %swap3A_438 = arith.index_cast %add3A_435 : i32 to index
        %swap3A_439 = arith.constant 48 : index
        %swap3A_440 = tpu.vector_load %arg7[%swap3A_437, %swap3A_438, %swap3A_439] {strides = array<i32>} : memref<4x64x64xf32, #tpu.memory_space<vmem>>, vector<1x1x16xf32>,
        %swap3A_441 = vector.shape_cast %swap3A_440 : vector<1x1x16xf32> to vector<16xf32>
        %swap3A_442 = vector.shape_cast %get3A_433 : vector<16xf32> to vector<1x1x16xf32>
        tpu.vector_store %arg7[%swap3A_437, %swap3A_438, %swap3A_439], %swap3A_442 {strides = array<i32>} : memref<4x64x64xf32, #tpu.memory_space<vmem>>, vector<1x1x16xf32>,
        %add3A_443 = arith.constant 2 : i32
        %add3A_444 = arith.addi %mul3A_308, %add3A_443 : i32
        %get3A_445 = arith.constant 1 : i32
        %get3A_446 = arith.index_cast %get3A_445 : i32 to index
        %get3A_447 = arith.index_cast %add3A_444 : i32 to index
        %get3A_448 = arith.constant 0 : index
        %get3A_449 = tpu.vector_load %arg6[%get3A_446, %get3A_447, %get3A_448] {strides = array<i32>} : memref<4x64x128xf32, #tpu.memory_space<vmem>>, vector<1x1x16xf32>,
        %get3A_450 = vector.shape_cast %get3A_449 : vector<1x1x16xf32> to vector<16xf32>
        %add3A_451 = arith.constant 2 : i32
        %add3A_452 = arith.addi %mul3A_308, %add3A_451 : i32
        %swap3A_453 = arith.constant 1 : i32
        %swap3A_454 = arith.index_cast %swap3A_453 : i32 to index
        %swap3A_455 = arith.index_cast %add3A_452 : i32 to index
        %swap3A_456 = arith.constant 0 : index
        %swap3A_457 = tpu.vector_load %arg7[%swap3A_454, %swap3A_455, %swap3A_456] {strides = array<i32>} : memref<4x64x64xf32, #tpu.memory_space<vmem>>, vector<1x1x16xf32>,
        %swap3A_458 = vector.shape_cast %swap3A_457 : vector<1x1x16xf32> to vector<16xf32>
        %swap3A_459 = vector.shape_cast %get3A_450 : vector<16xf32> to vector<1x1x16xf32>
        tpu.vector_store %arg7[%swap3A_454, %swap3A_455, %swap3A_456], %swap3A_459 {strides = array<i32>} : memref<4x64x64xf32, #tpu.memory_space<vmem>>, vector<1x1x16xf32>,
        %add3A_460 = arith.constant 2 : i32
        %add3A_461 = arith.addi %mul3A_308, %add3A_460 : i32
        %get3A_462 = arith.constant 1 : i32
        %get3A_463 = arith.index_cast %get3A_462 : i32 to index
        %get3A_464 = arith.index_cast %add3A_461 : i32 to index
        %get3A_465 = arith.constant 16 : index
        %get3A_466 = tpu.vector_load %arg6[%get3A_463, %get3A_464, %get3A_465] {strides = array<i32>} : memref<4x64x128xf32, #tpu.memory_space<vmem>>, vector<1x1x16xf32>,
        %get3A_467 = vector.shape_cast %get3A_466 : vector<1x1x16xf32> to vector<16xf32>
        %add3A_468 = arith.constant 2 : i32
        %add3A_469 = arith.addi %mul3A_308, %add3A_468 : i32
        %swap3A_470 = arith.constant 1 : i32
        %swap3A_471 = arith.index_cast %swap3A_470 : i32 to index
        %swap3A_472 = arith.index_cast %add3A_469 : i32 to index
        %swap3A_473 = arith.constant 16 : index
        %swap3A_474 = tpu.vector_load %arg7[%swap3A_471, %swap3A_472, %swap3A_473] {strides = array<i32>} : memref<4x64x64xf32, #tpu.memory_space<vmem>>, vector<1x1x16xf32>,
        %swap3A_475 = vector.shape_cast %swap3A_474 : vector<1x1x16xf32> to vector<16xf32>
        %swap3A_476 = vector.shape_cast %get3A_467 : vector<16xf32> to vector<1x1x16xf32>
        tpu.vector_store %arg7[%swap3A_471, %swap3A_472, %swap3A_473], %swap3A_476 {strides = array<i32>} : memref<4x64x64xf32, #tpu.memory_space<vmem>>, vector<1x1x16xf32>,
        %add3A_477 = arith.constant 2 : i32
        %add3A_478 = arith.addi %mul3A_308, %add3A_477 : i32
        %get3A_479 = arith.constant 1 : i32
        %get3A_480 = arith.index_cast %get3A_479 : i32 to index
        %get3A_481 = arith.index_cast %add3A_478 : i32 to index
        %get3A_482 = arith.constant 32 : index
        %get3A_483 = tpu.vector_load %arg6[%get3A_480, %get3A_481, %get3A_482] {strides = array<i32>} : memref<4x64x128xf32, #tpu.memory_space<vmem>>, vector<1x1x16xf32>,
        %get3A_484 = vector.shape_cast %get3A_483 : vector<1x1x16xf32> to vector<16xf32>
        %add3A_485 = arith.constant 2 : i32
        %add3A_486 = arith.addi %mul3A_308, %add3A_485 : i32
        %swap3A_487 = arith.constant 1 : i32
        %swap3A_488 = arith.index_cast %swap3A_487 : i32 to index
        %swap3A_489 = arith.index_cast %add3A_486 : i32 to index
        %swap3A_490 = arith.constant 32 : index
        %swap3A_491 = tpu.vector_load %arg7[%swap3A_488, %swap3A_489, %swap3A_490] {strides = array<i32>} : memref<4x64x64xf32, #tpu.memory_space<vmem>>, vector<1x1x16xf32>,
        %swap3A_492 = vector.shape_cast %swap3A_491 : vector<1x1x16xf32> to vector<16xf32>
        %swap3A_493 = vector.shape_cast %get3A_484 : vector<16xf32> to vector<1x1x16xf32>
        tpu.vector_store %arg7[%swap3A_488, %swap3A_489, %swap3A_490], %swap3A_493 {strides = array<i32>} : memref<4x64x64xf32, #tpu.memory_space<vmem>>, vector<1x1x16xf32>,
        %add3A_494 = arith.constant 2 : i32
        %add3A_495 = arith.addi %mul3A_308, %add3A_494 : i32
        %get3A_496 = arith.constant 1 : i32
        %get3A_497 = arith.index_cast %get3A_496 : i32 to index
        %get3A_498 = arith.index_cast %add3A_495 : i32 to index
        %get3A_499 = arith.constant 48 : index
        %get3A_500 = tpu.vector_load %arg6[%get3A_497, %get3A_498, %get3A_499] {strides = array<i32>} : memref<4x64x128xf32, #tpu.memory_space<vmem>>, vector<1x1x16xf32>,
        %get3A_501 = vector.shape_cast %get3A_500 : vector<1x1x16xf32> to vector<16xf32>
        %add3A_502 = arith.constant 2 : i32
        %add3A_503 = arith.addi %mul3A_308, %add3A_502 : i32
        %swap3A_504 = arith.constant 1 : i32
        %swap3A_505 = arith.index_cast %swap3A_504 : i32 to index
        %swap3A_506 = arith.index_cast %add3A_503 : i32 to index
        %swap3A_507 = arith.constant 48 : index
        %swap3A_508 = tpu.vector_load %arg7[%swap3A_505, %swap3A_506, %swap3A_507] {strides = array<i32>} : memref<4x64x64xf32, #tpu.memory_space<vmem>>, vector<1x1x16xf32>,
        %swap3A_509 = vector.shape_cast %swap3A_508 : vector<1x1x16xf32> to vector<16xf32>
        %swap3A_510 = vector.shape_cast %get3A_501 : vector<16xf32> to vector<1x1x16xf32>
        tpu.vector_store %arg7[%swap3A_505, %swap3A_506, %swap3A_507], %swap3A_510 {strides = array<i32>} : memref<4x64x64xf32, #tpu.memory_space<vmem>>, vector<1x1x16xf32>,
        %add3A_511 = arith.constant 3 : i32
        %add3A_512 = arith.addi %mul3A_308, %add3A_511 : i32
        %get3A_513 = arith.constant 1 : i32
        %get3A_514 = arith.index_cast %get3A_513 : i32 to index
        %get3A_515 = arith.index_cast %add3A_512 : i32 to index
        %get3A_516 = arith.constant 0 : index
        %get3A_517 = tpu.vector_load %arg6[%get3A_514, %get3A_515, %get3A_516] {strides = array<i32>} : memref<4x64x128xf32, #tpu.memory_space<vmem>>, vector<1x1x16xf32>,
        %get3A_518 = vector.shape_cast %get3A_517 : vector<1x1x16xf32> to vector<16xf32>
        %add3A_519 = arith.constant 3 : i32
        %add3A_520 = arith.addi %mul3A_308, %add3A_519 : i32
        %swap3A_521 = arith.constant 1 : i32
        %swap3A_522 = arith.index_cast %swap3A_521 : i32 to index
        %swap3A_523 = arith.index_cast %add3A_520 : i32 to index
        %swap3A_524 = arith.constant 0 : index
        %swap3A_525 = tpu.vector_load %arg7[%swap3A_522, %swap3A_523, %swap3A_524] {strides = array<i32>} : memref<4x64x64xf32, #tpu.memory_space<vmem>>, vector<1x1x16xf32>,
        %swap3A_526 = vector.shape_cast %swap3A_525 : vector<1x1x16xf32> to vector<16xf32>
        %swap3A_527 = vector.shape_cast %get3A_518 : vector<16xf32> to vector<1x1x16xf32>
        tpu.vector_store %arg7[%swap3A_522, %swap3A_523, %swap3A_524], %swap3A_527 {strides = array<i32>} : memref<4x64x64xf32, #tpu.memory_space<vmem>>, vector<1x1x16xf32>,
        %add3A_528 = arith.constant 3 : i32
        %add3A_529 = arith.addi %mul3A_308, %add3A_528 : i32
        %get3A_530 = arith.constant 1 : i32
        %get3A_531 = arith.index_cast %get3A_530 : i32 to index
        %get3A_532 = arith.index_cast %add3A_529 : i32 to index
        %get3A_533 = arith.constant 16 : index
        %get3A_534 = tpu.vector_load %arg6[%get3A_531, %get3A_532, %get3A_533] {strides = array<i32>} : memref<4x64x128xf32, #tpu.memory_space<vmem>>, vector<1x1x16xf32>,
        %get3A_535 = vector.shape_cast %get3A_534 : vector<1x1x16xf32> to vector<16xf32>
        %add3A_536 = arith.constant 3 : i32
        %add3A_537 = arith.addi %mul3A_308, %add3A_536 : i32
        %swap3A_538 = arith.constant 1 : i32
        %swap3A_539 = arith.index_cast %swap3A_538 : i32 to index
        %swap3A_540 = arith.index_cast %add3A_537 : i32 to index
        %swap3A_541 = arith.constant 16 : index
        %swap3A_542 = tpu.vector_load %arg7[%swap3A_539, %swap3A_540, %swap3A_541] {strides = array<i32>} : memref<4x64x64xf32, #tpu.memory_space<vmem>>, vector<1x1x16xf32>,
        %swap3A_543 = vector.shape_cast %swap3A_542 : vector<1x1x16xf32> to vector<16xf32>
        %swap3A_544 = vector.shape_cast %get3A_535 : vector<16xf32> to vector<1x1x16xf32>
        tpu.vector_store %arg7[%swap3A_539, %swap3A_540, %swap3A_541], %swap3A_544 {strides = array<i32>} : memref<4x64x64xf32, #tpu.memory_space<vmem>>, vector<1x1x16xf32>,
        %add3A_545 = arith.constant 3 : i32
        %add3A_546 = arith.addi %mul3A_308, %add3A_545 : i32
        %get3A_547 = arith.constant 1 : i32
        %get3A_548 = arith.index_cast %get3A_547 : i32 to index
        %get3A_549 = arith.index_cast %add3A_546 : i32 to index
        %get3A_550 = arith.constant 32 : index
        %get3A_551 = tpu.vector_load %arg6[%get3A_548, %get3A_549, %get3A_550] {strides = array<i32>} : memref<4x64x128xf32, #tpu.memory_space<vmem>>, vector<1x1x16xf32>,
        %get3A_552 = vector.shape_cast %get3A_551 : vector<1x1x16xf32> to vector<16xf32>
        %add3A_553 = arith.constant 3 : i32
        %add3A_554 = arith.addi %mul3A_308, %add3A_553 : i32
        %swap3A_555 = arith.constant 1 : i32
        %swap3A_556 = arith.index_cast %swap3A_555 : i32 to index
        %swap3A_557 = arith.index_cast %add3A_554 : i32 to index
        %swap3A_558 = arith.constant 32 : index
        %swap3A_559 = tpu.vector_load %arg7[%swap3A_556, %swap3A_557, %swap3A_558] {strides = array<i32>} : memref<4x64x64xf32, #tpu.memory_space<vmem>>, vector<1x1x16xf32>,
        %swap3A_560 = vector.shape_cast %swap3A_559 : vector<1x1x16xf32> to vector<16xf32>
        %swap3A_561 = vector.shape_cast %get3A_552 : vector<16xf32> to vector<1x1x16xf32>
        tpu.vector_store %arg7[%swap3A_556, %swap3A_557, %swap3A_558], %swap3A_561 {strides = array<i32>} : memref<4x64x64xf32, #tpu.memory_space<vmem>>, vector<1x1x16xf32>,
        %add3A_562 = arith.constant 3 : i32
        %add3A_563 = arith.addi %mul3A_308, %add3A_562 : i32
        %get3A_564 = arith.constant 1 : i32
        %get3A_565 = arith.index_cast %get3A_564 : i32 to index
        %get3A_566 = arith.index_cast %add3A_563 : i32 to index
        %get3A_567 = arith.constant 48 : index
        %get3A_568 = tpu.vector_load %arg6[%get3A_565, %get3A_566, %get3A_567] {strides = array<i32>} : memref<4x64x128xf32, #tpu.memory_space<vmem>>, vector<1x1x16xf32>,
        %get3A_569 = vector.shape_cast %get3A_568 : vector<1x1x16xf32> to vector<16xf32>
        %add3A_570 = arith.constant 3 : i32
        %add3A_571 = arith.addi %mul3A_308, %add3A_570 : i32
        %swap3A_572 = arith.constant 1 : i32
        %swap3A_573 = arith.index_cast %swap3A_572 : i32 to index
        %swap3A_574 = arith.index_cast %add3A_571 : i32 to index
        %swap3A_575 = arith.constant 48 : index
        %swap3A_576 = tpu.vector_load %arg7[%swap3A_573, %swap3A_574, %swap3A_575] {strides = array<i32>} : memref<4x64x64xf32, #tpu.memory_space<vmem>>, vector<1x1x16xf32>,
        %swap3A_577 = vector.shape_cast %swap3A_576 : vector<1x1x16xf32> to vector<16xf32>
        %swap3A_578 = vector.shape_cast %get3A_569 : vector<16xf32> to vector<1x1x16xf32>
        tpu.vector_store %arg7[%swap3A_573, %swap3A_574, %swap3A_575], %swap3A_578 {strides = array<i32>} : memref<4x64x64xf32, #tpu.memory_space<vmem>>, vector<1x1x16xf32>,
        %add3A_579 = arith.constant 4 : i32
        %add3A_580 = arith.addi %mul3A_308, %add3A_579 : i32
        %get3A_581 = arith.constant 1 : i32
        %get3A_582 = arith.index_cast %get3A_581 : i32 to index
        %get3A_583 = arith.index_cast %add3A_580 : i32 to index
        %get3A_584 = arith.constant 0 : index
        %get3A_585 = tpu.vector_load %arg6[%get3A_582, %get3A_583, %get3A_584] {strides = array<i32>} : memref<4x64x128xf32, #tpu.memory_space<vmem>>, vector<1x1x16xf32>,
        %get3A_586 = vector.shape_cast %get3A_585 : vector<1x1x16xf32> to vector<16xf32>
        %add3A_587 = arith.constant 4 : i32
        %add3A_588 = arith.addi %mul3A_308, %add3A_587 : i32
        %swap3A_589 = arith.constant 1 : i32
        %swap3A_590 = arith.index_cast %swap3A_589 : i32 to index
        %swap3A_591 = arith.index_cast %add3A_588 : i32 to index
        %swap3A_592 = arith.constant 0 : index
        %swap3A_593 = tpu.vector_load %arg7[%swap3A_590, %swap3A_591, %swap3A_592] {strides = array<i32>} : memref<4x64x64xf32, #tpu.memory_space<vmem>>, vector<1x1x16xf32>,
        %swap3A_594 = vector.shape_cast %swap3A_593 : vector<1x1x16xf32> to vector<16xf32>
        %swap3A_595 = vector.shape_cast %get3A_586 : vector<16xf32> to vector<1x1x16xf32>
        tpu.vector_store %arg7[%swap3A_590, %swap3A_591, %swap3A_592], %swap3A_595 {strides = array<i32>} : memref<4x64x64xf32, #tpu.memory_space<vmem>>, vector<1x1x16xf32>,
        %add3A_596 = arith.constant 4 : i32
        %add3A_597 = arith.addi %mul3A_308, %add3A_596 : i32
        %get3A_598 = arith.constant 1 : i32
        %get3A_599 = arith.index_cast %get3A_598 : i32 to index
        %get3A_600 = arith.index_cast %add3A_597 : i32 to index
        %get3A_601 = arith.constant 16 : index
        %get3A_602 = tpu.vector_load %arg6[%get3A_599, %get3A_600, %get3A_601] {strides = array<i32>} : memref<4x64x128xf32, #tpu.memory_space<vmem>>, vector<1x1x16xf32>,
        %get3A_603 = vector.shape_cast %get3A_602 : vector<1x1x16xf32> to vector<16xf32>
        %add3A_604 = arith.constant 4 : i32
        %add3A_605 = arith.addi %mul3A_308, %add3A_604 : i32
        %swap3A_606 = arith.constant 1 : i32
        %swap3A_607 = arith.index_cast %swap3A_606 : i32 to index
        %swap3A_608 = arith.index_cast %add3A_605 : i32 to index
        %swap3A_609 = arith.constant 16 : index
        %swap3A_610 = tpu.vector_load %arg7[%swap3A_607, %swap3A_608, %swap3A_609] {strides = array<i32>} : memref<4x64x64xf32, #tpu.memory_space<vmem>>, vector<1x1x16xf32>,
        %swap3A_611 = vector.shape_cast %swap3A_610 : vector<1x1x16xf32> to vector<16xf32>
        %swap3A_612 = vector.shape_cast %get3A_603 : vector<16xf32> to vector<1x1x16xf32>
        tpu.vector_store %arg7[%swap3A_607, %swap3A_608, %swap3A_609], %swap3A_612 {strides = array<i32>} : memref<4x64x64xf32, #tpu.memory_space<vmem>>, vector<1x1x16xf32>,
        %add3A_613 = arith.constant 4 : i32
        %add3A_614 = arith.addi %mul3A_308, %add3A_613 : i32
        %get3A_615 = arith.constant 1 : i32
        %get3A_616 = arith.index_cast %get3A_615 : i32 to index
        %get3A_617 = arith.index_cast %add3A_614 : i32 to index
        %get3A_618 = arith.constant 32 : index
        %get3A_619 = tpu.vector_load %arg6[%get3A_616, %get3A_617, %get3A_618] {strides = array<i32>} : memref<4x64x128xf32, #tpu.memory_space<vmem>>, vector<1x1x16xf32>,
        %get3A_620 = vector.shape_cast %get3A_619 : vector<1x1x16xf32> to vector<16xf32>
        %add3A_621 = arith.constant 4 : i32
        %add3A_622 = arith.addi %mul3A_308, %add3A_621 : i32
        %swap3A_623 = arith.constant 1 : i32
        %swap3A_624 = arith.index_cast %swap3A_623 : i32 to index
        %swap3A_625 = arith.index_cast %add3A_622 : i32 to index
        %swap3A_626 = arith.constant 32 : index
        %swap3A_627 = tpu.vector_load %arg7[%swap3A_624, %swap3A_625, %swap3A_626] {strides = array<i32>} : memref<4x64x64xf32, #tpu.memory_space<vmem>>, vector<1x1x16xf32>,
        %swap3A_628 = vector.shape_cast %swap3A_627 : vector<1x1x16xf32> to vector<16xf32>
        %swap3A_629 = vector.shape_cast %get3A_620 : vector<16xf32> to vector<1x1x16xf32>
        tpu.vector_store %arg7[%swap3A_624, %swap3A_625, %swap3A_626], %swap3A_629 {strides = array<i32>} : memref<4x64x64xf32, #tpu.memory_space<vmem>>, vector<1x1x16xf32>,
        %add3A_630 = arith.constant 4 : i32
        %add3A_631 = arith.addi %mul3A_308, %add3A_630 : i32
        %get3A_632 = arith.constant 1 : i32
        %get3A_633 = arith.index_cast %get3A_632 : i32 to index
        %get3A_634 = arith.index_cast %add3A_631 : i32 to index
        %get3A_635 = arith.constant 48 : index
        %get3A_636 = tpu.vector_load %arg6[%get3A_633, %get3A_634, %get3A_635] {strides = array<i32>} : memref<4x64x128xf32, #tpu.memory_space<vmem>>, vector<1x1x16xf32>,
        %get3A_637 = vector.shape_cast %get3A_636 : vector<1x1x16xf32> to vector<16xf32>
        %add3A_638 = arith.constant 4 : i32
        %add3A_639 = arith.addi %mul3A_308, %add3A_638 : i32
        %swap3A_640 = arith.constant 1 : i32
        %swap3A_641 = arith.index_cast %swap3A_640 : i32 to index
        %swap3A_642 = arith.index_cast %add3A_639 : i32 to index
        %swap3A_643 = arith.constant 48 : index
        %swap3A_644 = tpu.vector_load %arg7[%swap3A_641, %swap3A_642, %swap3A_643] {strides = array<i32>} : memref<4x64x64xf32, #tpu.memory_space<vmem>>, vector<1x1x16xf32>,
        %swap3A_645 = vector.shape_cast %swap3A_644 : vector<1x1x16xf32> to vector<16xf32>
        %swap3A_646 = vector.shape_cast %get3A_637 : vector<16xf32> to vector<1x1x16xf32>
        tpu.vector_store %arg7[%swap3A_641, %swap3A_642, %swap3A_643], %swap3A_646 {strides = array<i32>} : memref<4x64x64xf32, #tpu.memory_space<vmem>>, vector<1x1x16xf32>,
        %add3A_647 = arith.constant 5 : i32
        %add3A_648 = arith.addi %mul3A_308, %add3A_647 : i32
        %get3A_649 = arith.constant 1 : i32
        %get3A_650 = arith.index_cast %get3A_649 : i32 to index
        %get3A_651 = arith.index_cast %add3A_648 : i32 to index
        %get3A_652 = arith.constant 0 : index
        %get3A_653 = tpu.vector_load %arg6[%get3A_650, %get3A_651, %get3A_652] {strides = array<i32>} : memref<4x64x128xf32, #tpu.memory_space<vmem>>, vector<1x1x16xf32>,
        %get3A_654 = vector.shape_cast %get3A_653 : vector<1x1x16xf32> to vector<16xf32>
        %add3A_655 = arith.constant 5 : i32
        %add3A_656 = arith.addi %mul3A_308, %add3A_655 : i32
        %swap3A_657 = arith.constant 1 : i32
        %swap3A_658 = arith.index_cast %swap3A_657 : i32 to index
        %swap3A_659 = arith.index_cast %add3A_656 : i32 to index
        %swap3A_660 = arith.constant 0 : index
        %swap3A_661 = tpu.vector_load %arg7[%swap3A_658, %swap3A_659, %swap3A_660] {strides = array<i32>} : memref<4x64x64xf32, #tpu.memory_space<vmem>>, vector<1x1x16xf32>,
        %swap3A_662 = vector.shape_cast %swap3A_661 : vector<1x1x16xf32> to vector<16xf32>
        %swap3A_663 = vector.shape_cast %get3A_654 : vector<16xf32> to vector<1x1x16xf32>
        tpu.vector_store %arg7[%swap3A_658, %swap3A_659, %swap3A_660], %swap3A_663 {strides = array<i32>} : memref<4x64x64xf32, #tpu.memory_space<vmem>>, vector<1x1x16xf32>,
        %add3A_664 = arith.constant 5 : i32
        %add3A_665 = arith.addi %mul3A_308, %add3A_664 : i32
        %get3A_666 = arith.constant 1 : i32
        %get3A_667 = arith.index_cast %get3A_666 : i32 to index
        %get3A_668 = arith.index_cast %add3A_665 : i32 to index
        %get3A_669 = arith.constant 16 : index
        %get3A_670 = tpu.vector_load %arg6[%get3A_667, %get3A_668, %get3A_669] {strides = array<i32>} : memref<4x64x128xf32, #tpu.memory_space<vmem>>, vector<1x1x16xf32>,
        %get3A_671 = vector.shape_cast %get3A_670 : vector<1x1x16xf32> to vector<16xf32>
        %add3A_672 = arith.constant 5 : i32
        %add3A_673 = arith.addi %mul3A_308, %add3A_672 : i32
        %swap3A_674 = arith.constant 1 : i32
        %swap3A_675 = arith.index_cast %swap3A_674 : i32 to index
        %swap3A_676 = arith.index_cast %add3A_673 : i32 to index
        %swap3A_677 = arith.constant 16 : index
        %swap3A_678 = tpu.vector_load %arg7[%swap3A_675, %swap3A_676, %swap3A_677] {strides = array<i32>} : memref<4x64x64xf32, #tpu.memory_space<vmem>>, vector<1x1x16xf32>,
        %swap3A_679 = vector.shape_cast %swap3A_678 : vector<1x1x16xf32> to vector<16xf32>
        %swap3A_680 = vector.shape_cast %get3A_671 : vector<16xf32> to vector<1x1x16xf32>
        tpu.vector_store %arg7[%swap3A_675, %swap3A_676, %swap3A_677], %swap3A_680 {strides = array<i32>} : memref<4x64x64xf32, #tpu.memory_space<vmem>>, vector<1x1x16xf32>,
        %add3A_681 = arith.constant 5 : i32
        %add3A_682 = arith.addi %mul3A_308, %add3A_681 : i32
        %get3A_683 = arith.constant 1 : i32
        %get3A_684 = arith.index_cast %get3A_683 : i32 to index
        %get3A_685 = arith.index_cast %add3A_682 : i32 to index
        %get3A_686 = arith.constant 32 : index
        %get3A_687 = tpu.vector_load %arg6[%get3A_684, %get3A_685, %get3A_686] {strides = array<i32>} : memref<4x64x128xf32, #tpu.memory_space<vmem>>, vector<1x1x16xf32>,
        %get3A_688 = vector.shape_cast %get3A_687 : vector<1x1x16xf32> to vector<16xf32>
        %add3A_689 = arith.constant 5 : i32
        %add3A_690 = arith.addi %mul3A_308, %add3A_689 : i32
        %swap3A_691 = arith.constant 1 : i32
        %swap3A_692 = arith.index_cast %swap3A_691 : i32 to index
        %swap3A_693 = arith.index_cast %add3A_690 : i32 to index
        %swap3A_694 = arith.constant 32 : index
        %swap3A_695 = tpu.vector_load %arg7[%swap3A_692, %swap3A_693, %swap3A_694] {strides = array<i32>} : memref<4x64x64xf32, #tpu.memory_space<vmem>>, vector<1x1x16xf32>,
        %swap3A_696 = vector.shape_cast %swap3A_695 : vector<1x1x16xf32> to vector<16xf32>
        %swap3A_697 = vector.shape_cast %get3A_688 : vector<16xf32> to vector<1x1x16xf32>
        tpu.vector_store %arg7[%swap3A_692, %swap3A_693, %swap3A_694], %swap3A_697 {strides = array<i32>} : memref<4x64x64xf32, #tpu.memory_space<vmem>>, vector<1x1x16xf32>,
        %add3A_698 = arith.constant 5 : i32
        %add3A_699 = arith.addi %mul3A_308, %add3A_698 : i32
        %get3A_700 = arith.constant 1 : i32
        %get3A_701 = arith.index_cast %get3A_700 : i32 to index
        %get3A_702 = arith.index_cast %add3A_699 : i32 to index
        %get3A_703 = arith.constant 48 : index
        %get3A_704 = tpu.vector_load %arg6[%get3A_701, %get3A_702, %get3A_703] {strides = array<i32>} : memref<4x64x128xf32, #tpu.memory_space<vmem>>, vector<1x1x16xf32>,
        %get3A_705 = vector.shape_cast %get3A_704 : vector<1x1x16xf32> to vector<16xf32>
        %add3A_706 = arith.constant 5 : i32
        %add3A_707 = arith.addi %mul3A_308, %add3A_706 : i32
        %swap3A_708 = arith.constant 1 : i32
        %swap3A_709 = arith.index_cast %swap3A_708 : i32 to index
        %swap3A_710 = arith.index_cast %add3A_707 : i32 to index
        %swap3A_711 = arith.constant 48 : index
        %swap3A_712 = tpu.vector_load %arg7[%swap3A_709, %swap3A_710, %swap3A_711] {strides = array<i32>} : memref<4x64x64xf32, #tpu.memory_space<vmem>>, vector<1x1x16xf32>,
        %swap3A_713 = vector.shape_cast %swap3A_712 : vector<1x1x16xf32> to vector<16xf32>
        %swap3A_714 = vector.shape_cast %get3A_705 : vector<16xf32> to vector<1x1x16xf32>
        tpu.vector_store %arg7[%swap3A_709, %swap3A_710, %swap3A_711], %swap3A_714 {strides = array<i32>} : memref<4x64x64xf32, #tpu.memory_space<vmem>>, vector<1x1x16xf32>,
        %add3A_715 = arith.constant 6 : i32
        %add3A_716 = arith.addi %mul3A_308, %add3A_715 : i32
        %get3A_717 = arith.constant 1 : i32
        %get3A_718 = arith.index_cast %get3A_717 : i32 to index
        %get3A_719 = arith.index_cast %add3A_716 : i32 to index
        %get3A_720 = arith.constant 0 : index
        %get3A_721 = tpu.vector_load %arg6[%get3A_718, %get3A_719, %get3A_720] {strides = array<i32>} : memref<4x64x128xf32, #tpu.memory_space<vmem>>, vector<1x1x16xf32>,
        %get3A_722 = vector.shape_cast %get3A_721 : vector<1x1x16xf32> to vector<16xf32>
        %add3A_723 = arith.constant 6 : i32
        %add3A_724 = arith.addi %mul3A_308, %add3A_723 : i32
        %swap3A_725 = arith.constant 1 : i32
        %swap3A_726 = arith.index_cast %swap3A_725 : i32 to index
        %swap3A_727 = arith.index_cast %add3A_724 : i32 to index
        %swap3A_728 = arith.constant 0 : index
        %swap3A_729 = tpu.vector_load %arg7[%swap3A_726, %swap3A_727, %swap3A_728] {strides = array<i32>} : memref<4x64x64xf32, #tpu.memory_space<vmem>>, vector<1x1x16xf32>,
        %swap3A_730 = vector.shape_cast %swap3A_729 : vector<1x1x16xf32> to vector<16xf32>
        %swap3A_731 = vector.shape_cast %get3A_722 : vector<16xf32> to vector<1x1x16xf32>
        tpu.vector_store %arg7[%swap3A_726, %swap3A_727, %swap3A_728], %swap3A_731 {strides = array<i32>} : memref<4x64x64xf32, #tpu.memory_space<vmem>>, vector<1x1x16xf32>,
        %add3A_732 = arith.constant 6 : i32
        %add3A_733 = arith.addi %mul3A_308, %add3A_732 : i32
        %get3A_734 = arith.constant 1 : i32
        %get3A_735 = arith.index_cast %get3A_734 : i32 to index
        %get3A_736 = arith.index_cast %add3A_733 : i32 to index
        %get3A_737 = arith.constant 16 : index
        %get3A_738 = tpu.vector_load %arg6[%get3A_735, %get3A_736, %get3A_737] {strides = array<i32>} : memref<4x64x128xf32, #tpu.memory_space<vmem>>, vector<1x1x16xf32>,
        %get3A_739 = vector.shape_cast %get3A_738 : vector<1x1x16xf32> to vector<16xf32>
        %add3A_740 = arith.constant 6 : i32
        %add3A_741 = arith.addi %mul3A_308, %add3A_740 : i32
        %swap3A_742 = arith.constant 1 : i32
        %swap3A_743 = arith.index_cast %swap3A_742 : i32 to index
        %swap3A_744 = arith.index_cast %add3A_741 : i32 to index
        %swap3A_745 = arith.constant 16 : index
        %swap3A_746 = tpu.vector_load %arg7[%swap3A_743, %swap3A_744, %swap3A_745] {strides = array<i32>} : memref<4x64x64xf32, #tpu.memory_space<vmem>>, vector<1x1x16xf32>,
        %swap3A_747 = vector.shape_cast %swap3A_746 : vector<1x1x16xf32> to vector<16xf32>
        %swap3A_748 = vector.shape_cast %get3A_739 : vector<16xf32> to vector<1x1x16xf32>
        tpu.vector_store %arg7[%swap3A_743, %swap3A_744, %swap3A_745], %swap3A_748 {strides = array<i32>} : memref<4x64x64xf32, #tpu.memory_space<vmem>>, vector<1x1x16xf32>,
        %add3A_749 = arith.constant 6 : i32
        %add3A_750 = arith.addi %mul3A_308, %add3A_749 : i32
        %get3A_751 = arith.constant 1 : i32
        %get3A_752 = arith.index_cast %get3A_751 : i32 to index
        %get3A_753 = arith.index_cast %add3A_750 : i32 to index
        %get3A_754 = arith.constant 32 : index
        %get3A_755 = tpu.vector_load %arg6[%get3A_752, %get3A_753, %get3A_754] {strides = array<i32>} : memref<4x64x128xf32, #tpu.memory_space<vmem>>, vector<1x1x16xf32>,
        %get3A_756 = vector.shape_cast %get3A_755 : vector<1x1x16xf32> to vector<16xf32>
        %add3A_757 = arith.constant 6 : i32
        %add3A_758 = arith.addi %mul3A_308, %add3A_757 : i32
        %swap3A_759 = arith.constant 1 : i32
        %swap3A_760 = arith.index_cast %swap3A_759 : i32 to index
        %swap3A_761 = arith.index_cast %add3A_758 : i32 to index
        %swap3A_762 = arith.constant 32 : index
        %swap3A_763 = tpu.vector_load %arg7[%swap3A_760, %swap3A_761, %swap3A_762] {strides = array<i32>} : memref<4x64x64xf32, #tpu.memory_space<vmem>>, vector<1x1x16xf32>,
        %swap3A_764 = vector.shape_cast %swap3A_763 : vector<1x1x16xf32> to vector<16xf32>
        %swap3A_765 = vector.shape_cast %get3A_756 : vector<16xf32> to vector<1x1x16xf32>
        tpu.vector_store %arg7[%swap3A_760, %swap3A_761, %swap3A_762], %swap3A_765 {strides = array<i32>} : memref<4x64x64xf32, #tpu.memory_space<vmem>>, vector<1x1x16xf32>,
        %add3A_766 = arith.constant 6 : i32
        %add3A_767 = arith.addi %mul3A_308, %add3A_766 : i32
        %get3A_768 = arith.constant 1 : i32
        %get3A_769 = arith.index_cast %get3A_768 : i32 to index
        %get3A_770 = arith.index_cast %add3A_767 : i32 to index
        %get3A_771 = arith.constant 48 : index
        %get3A_772 = tpu.vector_load %arg6[%get3A_769, %get3A_770, %get3A_771] {strides = array<i32>} : memref<4x64x128xf32, #tpu.memory_space<vmem>>, vector<1x1x16xf32>,
        %get3A_773 = vector.shape_cast %get3A_772 : vector<1x1x16xf32> to vector<16xf32>
        %add3A_774 = arith.constant 6 : i32
        %add3A_775 = arith.addi %mul3A_308, %add3A_774 : i32
        %swap3A_776 = arith.constant 1 : i32
        %swap3A_777 = arith.index_cast %swap3A_776 : i32 to index
        %swap3A_778 = arith.index_cast %add3A_775 : i32 to index
        %swap3A_779 = arith.constant 48 : index
        %swap3A_780 = tpu.vector_load %arg7[%swap3A_777, %swap3A_778, %swap3A_779] {strides = array<i32>} : memref<4x64x64xf32, #tpu.memory_space<vmem>>, vector<1x1x16xf32>,
        %swap3A_781 = vector.shape_cast %swap3A_780 : vector<1x1x16xf32> to vector<16xf32>
        %swap3A_782 = vector.shape_cast %get3A_773 : vector<16xf32> to vector<1x1x16xf32>
        tpu.vector_store %arg7[%swap3A_777, %swap3A_778, %swap3A_779], %swap3A_782 {strides = array<i32>} : memref<4x64x64xf32, #tpu.memory_space<vmem>>, vector<1x1x16xf32>,
        %add3A_783 = arith.constant 7 : i32
        %add3A_784 = arith.addi %mul3A_308, %add3A_783 : i32
        %get3A_785 = arith.constant 1 : i32
        %get3A_786 = arith.index_cast %get3A_785 : i32 to index
        %get3A_787 = arith.index_cast %add3A_784 : i32 to index
        %get3A_788 = arith.constant 0 : index
        %get3A_789 = tpu.vector_load %arg6[%get3A_786, %get3A_787, %get3A_788] {strides = array<i32>} : memref<4x64x128xf32, #tpu.memory_space<vmem>>, vector<1x1x16xf32>,
        %get3A_790 = vector.shape_cast %get3A_789 : vector<1x1x16xf32> to vector<16xf32>
        %add3A_791 = arith.constant 7 : i32
        %add3A_792 = arith.addi %mul3A_308, %add3A_791 : i32
        %swap3A_793 = arith.constant 1 : i32
        %swap3A_794 = arith.index_cast %swap3A_793 : i32 to index
        %swap3A_795 = arith.index_cast %add3A_792 : i32 to index
        %swap3A_796 = arith.constant 0 : index
        %swap3A_797 = tpu.vector_load %arg7[%swap3A_794, %swap3A_795, %swap3A_796] {strides = array<i32>} : memref<4x64x64xf32, #tpu.memory_space<vmem>>, vector<1x1x16xf32>,
        %swap3A_798 = vector.shape_cast %swap3A_797 : vector<1x1x16xf32> to vector<16xf32>
        %swap3A_799 = vector.shape_cast %get3A_790 : vector<16xf32> to vector<1x1x16xf32>
        tpu.vector_store %arg7[%swap3A_794, %swap3A_795, %swap3A_796], %swap3A_799 {strides = array<i32>} : memref<4x64x64xf32, #tpu.memory_space<vmem>>, vector<1x1x16xf32>,
        %add3A_800 = arith.constant 7 : i32
        %add3A_801 = arith.addi %mul3A_308, %add3A_800 : i32
        %get3A_802 = arith.constant 1 : i32
        %get3A_803 = arith.index_cast %get3A_802 : i32 to index
        %get3A_804 = arith.index_cast %add3A_801 : i32 to index
        %get3A_805 = arith.constant 16 : index
        %get3A_806 = tpu.vector_load %arg6[%get3A_803, %get3A_804, %get3A_805] {strides = array<i32>} : memref<4x64x128xf32, #tpu.memory_space<vmem>>, vector<1x1x16xf32>,
        %get3A_807 = vector.shape_cast %get3A_806 : vector<1x1x16xf32> to vector<16xf32>
        %add3A_808 = arith.constant 7 : i32
        %add3A_809 = arith.addi %mul3A_308, %add3A_808 : i32
        %swap3A_810 = arith.constant 1 : i32
        %swap3A_811 = arith.index_cast %swap3A_810 : i32 to index
        %swap3A_812 = arith.index_cast %add3A_809 : i32 to index
        %swap3A_813 = arith.constant 16 : index
        %swap3A_814 = tpu.vector_load %arg7[%swap3A_811, %swap3A_812, %swap3A_813] {strides = array<i32>} : memref<4x64x64xf32, #tpu.memory_space<vmem>>, vector<1x1x16xf32>,
        %swap3A_815 = vector.shape_cast %swap3A_814 : vector<1x1x16xf32> to vector<16xf32>
        %swap3A_816 = vector.shape_cast %get3A_807 : vector<16xf32> to vector<1x1x16xf32>
        tpu.vector_store %arg7[%swap3A_811, %swap3A_812, %swap3A_813], %swap3A_816 {strides = array<i32>} : memref<4x64x64xf32, #tpu.memory_space<vmem>>, vector<1x1x16xf32>,
        %add3A_817 = arith.constant 7 : i32
        %add3A_818 = arith.addi %mul3A_308, %add3A_817 : i32
        %get3A_819 = arith.constant 1 : i32
        %get3A_820 = arith.index_cast %get3A_819 : i32 to index
        %get3A_821 = arith.index_cast %add3A_818 : i32 to index
        %get3A_822 = arith.constant 32 : index
        %get3A_823 = tpu.vector_load %arg6[%get3A_820, %get3A_821, %get3A_822] {strides = array<i32>} : memref<4x64x128xf32, #tpu.memory_space<vmem>>, vector<1x1x16xf32>,
        %get3A_824 = vector.shape_cast %get3A_823 : vector<1x1x16xf32> to vector<16xf32>
        %add3A_825 = arith.constant 7 : i32
        %add3A_826 = arith.addi %mul3A_308, %add3A_825 : i32
        %swap3A_827 = arith.constant 1 : i32
        %swap3A_828 = arith.index_cast %swap3A_827 : i32 to index
        %swap3A_829 = arith.index_cast %add3A_826 : i32 to index
        %swap3A_830 = arith.constant 32 : index
        %swap3A_831 = tpu.vector_load %arg7[%swap3A_828, %swap3A_829, %swap3A_830] {strides = array<i32>} : memref<4x64x64xf32, #tpu.memory_space<vmem>>, vector<1x1x16xf32>,
        %swap3A_832 = vector.shape_cast %swap3A_831 : vector<1x1x16xf32> to vector<16xf32>
        %swap3A_833 = vector.shape_cast %get3A_824 : vector<16xf32> to vector<1x1x16xf32>
        tpu.vector_store %arg7[%swap3A_828, %swap3A_829, %swap3A_830], %swap3A_833 {strides = array<i32>} : memref<4x64x64xf32, #tpu.memory_space<vmem>>, vector<1x1x16xf32>,
        %add3A_834 = arith.constant 7 : i32
        %add3A_835 = arith.addi %mul3A_308, %add3A_834 : i32
        %get3A_836 = arith.constant 1 : i32
        %get3A_837 = arith.index_cast %get3A_836 : i32 to index
        %get3A_838 = arith.index_cast %add3A_835 : i32 to index
        %get3A_839 = arith.constant 48 : index
        %get3A_840 = tpu.vector_load %arg6[%get3A_837, %get3A_838, %get3A_839] {strides = array<i32>} : memref<4x64x128xf32, #tpu.memory_space<vmem>>, vector<1x1x16xf32>,
        %get3A_841 = vector.shape_cast %get3A_840 : vector<1x1x16xf32> to vector<16xf32>
        %add3A_842 = arith.constant 7 : i32
        %add3A_843 = arith.addi %mul3A_308, %add3A_842 : i32
        %swap3A_844 = arith.constant 1 : i32
        %swap3A_845 = arith.index_cast %swap3A_844 : i32 to index
        %swap3A_846 = arith.index_cast %add3A_843 : i32 to index
        %swap3A_847 = arith.constant 48 : index
        %swap3A_848 = tpu.vector_load %arg7[%swap3A_845, %swap3A_846, %swap3A_847] {strides = array<i32>} : memref<4x64x64xf32, #tpu.memory_space<vmem>>, vector<1x1x16xf32>,
        %swap3A_849 = vector.shape_cast %swap3A_848 : vector<1x1x16xf32> to vector<16xf32>
        %swap3A_850 = vector.shape_cast %get3A_841 : vector<16xf32> to vector<1x1x16xf32>
        tpu.vector_store %arg7[%swap3A_845, %swap3A_846, %swap3A_847], %swap3A_850 {strides = array<i32>} : memref<4x64x64xf32, #tpu.memory_space<vmem>>, vector<1x1x16xf32>,
      }
      %scan3A_176 = arith.constant 8 : i32
      %add3A_177 = arith.constant 1 : i32
      %add3A_178 = arith.addi %mul3A_116, %add3A_177 : i32
      %add3A_179 = arith.addi %mul3A_2, %add3A_178 : i32
      %mul3A_180 = arith.constant 64 : i32
      %mul3A_181 = arith.muli %add3A_179, %mul3A_180 : i32
      %dma_start3A_182 = arith.constant 1 : i32
      %dma_start3A_183 = arith.constant 0 : i32
      %dma_start3A_184 = arith.constant 0 : i32
      %dma_start3A_185 = tpu.memref_slice %arg7[%dma_start3A_182, %dma_start3A_183, %dma_start3A_184] : memref<4x64x64xf32, #tpu.memory_space<vmem>> -> memref<1x64x64xf32, #tpu.memory_space<vmem>>
      %dma_start3A_186 = tpu.memref_squeeze %dma_start3A_185 : memref<1x64x64xf32, #tpu.memory_space<vmem>> -> memref<64x64xf32, #tpu.memory_space<vmem>>
      %dma_start3A_187 = arith.constant 0 : i32
      %dma_start3A_188 = tpu.memref_slice %arg4[%mul3A_181, %dma_start3A_187] : memref<819200x64xf32, #tpu.memory_space<hbm>> -> memref<64x64xf32, #tpu.memory_space<hbm>>
      %dma_start3A_189 = arith.constant 0 : i32
      %dma_start3A_190 = tpu.memref_slice %arg4[%mul3A_181, %dma_start3A_189] : memref<819200x64xf32, #tpu.memory_space<hbm>> -> memref<64x64xf32, #tpu.memory_space<hbm>>
      %dma_start3A_191 = arith.constant 0 : i32
      %dma_start3A_192 = arith.constant 0 : i32
      %dma_start3A_193 = tpu.memref_slice %arg7[%dma_start3A_182, %dma_start3A_191, %dma_start3A_192] : memref<4x64x64xf32, #tpu.memory_space<vmem>> -> memref<1x64x64xf32, #tpu.memory_space<vmem>>
      %dma_start3A_194 = tpu.memref_squeeze %dma_start3A_193 : memref<1x64x64xf32, #tpu.memory_space<vmem>> -> memref<64x64xf32, #tpu.memory_space<vmem>>
      tpu.enqueue_dma source(%dma_start3A_194 : memref<64x64xf32, #tpu.memory_space<vmem>>) target(%dma_start3A_190 : memref<64x64xf32, #tpu.memory_space<hbm>>) target_semaphore(%arg13 : memref<!tpu.dma_semaphore, #tpu.memory_space<semaphore_mem>>)
      %dma_wait3A_195 = arith.constant 2 : i32
      %dma_wait3A_196 = arith.constant 0 : i32
      %dma_wait3A_197 = arith.constant 0 : i32
      %dma_wait3A_198 = tpu.memref_slice %arg6[%dma_wait3A_195, %dma_wait3A_196, %dma_wait3A_197] : memref<4x64x128xf32, #tpu.memory_space<vmem>> -> memref<1x64x128xf32, #tpu.memory_space<vmem>>
      %dma_wait3A_199 = tpu.memref_squeeze %dma_wait3A_198 : memref<1x64x128xf32, #tpu.memory_space<vmem>> -> memref<64x128xf32, #tpu.memory_space<vmem>>
      %dma_wait3A_200 = arith.constant 0 : i32
      %dma_wait3A_201 = arith.constant 0 : i32
      %dma_wait3A_202 = tpu.memref_slice %arg3[%dma_wait3A_200, %dma_wait3A_201] : memref<1000000x128xf32, #tpu.memory_space<hbm>> -> memref<64x128xf32, #tpu.memory_space<hbm>>
      %dma_wait3A_203 = arith.constant 0 : i32
      %dma_wait3A_204 = arith.constant 0 : i32
      %dma_wait3A_205 = tpu.memref_slice %arg6[%dma_wait3A_195, %dma_wait3A_203, %dma_wait3A_204] : memref<4x64x128xf32, #tpu.memory_space<vmem>> -> memref<1x64x128xf32, #tpu.memory_space<vmem>>
      %dma_wait3A_206 = tpu.memref_squeeze %dma_wait3A_205 : memref<1x64x128xf32, #tpu.memory_space<vmem>> -> memref<64x128xf32, #tpu.memory_space<vmem>>
      %dma_wait3A_207 = arith.constant 0 : i32
      %dma_wait3A_208 = arith.constant 0 : i32
      %dma_wait3A_209 = tpu.memref_slice %arg3[%dma_wait3A_207, %dma_wait3A_208] : memref<1000000x128xf32, #tpu.memory_space<hbm>> -> memref<64x128xf32, #tpu.memory_space<hbm>>
      tpu.wait_dma2 semaphore(%arg10 : memref<!tpu.dma_semaphore, #tpu.memory_space<semaphore_mem>>) src(%dma_wait3A_209 : memref<64x128xf32, #tpu.memory_space<hbm>>) dst(%dma_wait3A_206 : memref<64x128xf32, #tpu.memory_space<vmem>>)
      %scan3A_210 = arith.constant 0 : i32
      %scan3A_211 = arith.constant 0 : i32
      %scan3A_212 = arith.constant 8 : i32
      %scan3A_213 = arith.addi %scan3A_211, %scan3A_212 : i32
      %scan3A_214 = arith.constant 1 : i32
      scf.for %scan3A_306 = %scan3A_211 to %scan3A_213 step %scan3A_214  : i32 {
        %mul3A_307 = arith.constant 8 : i32
        %mul3A_308 = arith.muli %scan3A_306, %mul3A_307 : i32
        %add3A_309 = arith.constant 0 : i32
        %add3A_310 = arith.addi %mul3A_308, %add3A_309 : i32
        %get3A = arith.constant 2 : i32
        %get3A_311 = arith.index_cast %get3A : i32 to index
        %get3A_312 = arith.index_cast %add3A_310 : i32 to index
        %get3A_313 = arith.constant 0 : index
        %get3A_314 = tpu.vector_load %arg6[%get3A_311, %get3A_312, %get3A_313] {strides = array<i32>} : memref<4x64x128xf32, #tpu.memory_space<vmem>>, vector<1x1x16xf32>,
        %get3A_315 = vector.shape_cast %get3A_314 : vector<1x1x16xf32> to vector<16xf32>
        %add3A_316 = arith.constant 0 : i32
        %add3A_317 = arith.addi %mul3A_308, %add3A_316 : i32
        %swap3A = arith.constant 2 : i32
        %swap3A_318 = arith.index_cast %swap3A : i32 to index
        %swap3A_319 = arith.index_cast %add3A_317 : i32 to index
        %swap3A_320 = arith.constant 0 : index
        %swap3A_321 = tpu.vector_load %arg7[%swap3A_318, %swap3A_319, %swap3A_320] {strides = array<i32>} : memref<4x64x64xf32, #tpu.memory_space<vmem>>, vector<1x1x16xf32>,
        %swap3A_322 = vector.shape_cast %swap3A_321 : vector<1x1x16xf32> to vector<16xf32>
        %swap3A_323 = vector.shape_cast %get3A_315 : vector<16xf32> to vector<1x1x16xf32>
        tpu.vector_store %arg7[%swap3A_318, %swap3A_319, %swap3A_320], %swap3A_323 {strides = array<i32>} : memref<4x64x64xf32, #tpu.memory_space<vmem>>, vector<1x1x16xf32>,
        %add3A_324 = arith.constant 0 : i32
        %add3A_325 = arith.addi %mul3A_308, %add3A_324 : i32
        %get3A_326 = arith.constant 2 : i32
        %get3A_327 = arith.index_cast %get3A_326 : i32 to index
        %get3A_328 = arith.index_cast %add3A_325 : i32 to index
        %get3A_329 = arith.constant 16 : index
        %get3A_330 = tpu.vector_load %arg6[%get3A_327, %get3A_328, %get3A_329] {strides = array<i32>} : memref<4x64x128xf32, #tpu.memory_space<vmem>>, vector<1x1x16xf32>,
        %get3A_331 = vector.shape_cast %get3A_330 : vector<1x1x16xf32> to vector<16xf32>
        %add3A_332 = arith.constant 0 : i32
        %add3A_333 = arith.addi %mul3A_308, %add3A_332 : i32
        %swap3A_334 = arith.constant 2 : i32
        %swap3A_335 = arith.index_cast %swap3A_334 : i32 to index
        %swap3A_336 = arith.index_cast %add3A_333 : i32 to index
        %swap3A_337 = arith.constant 16 : index
        %swap3A_338 = tpu.vector_load %arg7[%swap3A_335, %swap3A_336, %swap3A_337] {strides = array<i32>} : memref<4x64x64xf32, #tpu.memory_space<vmem>>, vector<1x1x16xf32>,
        %swap3A_339 = vector.shape_cast %swap3A_338 : vector<1x1x16xf32> to vector<16xf32>
        %swap3A_340 = vector.shape_cast %get3A_331 : vector<16xf32> to vector<1x1x16xf32>
        tpu.vector_store %arg7[%swap3A_335, %swap3A_336, %swap3A_337], %swap3A_340 {strides = array<i32>} : memref<4x64x64xf32, #tpu.memory_space<vmem>>, vector<1x1x16xf32>,
        %add3A_341 = arith.constant 0 : i32
        %add3A_342 = arith.addi %mul3A_308, %add3A_341 : i32
        %get3A_343 = arith.constant 2 : i32
        %get3A_344 = arith.index_cast %get3A_343 : i32 to index
        %get3A_345 = arith.index_cast %add3A_342 : i32 to index
        %get3A_346 = arith.constant 32 : index
        %get3A_347 = tpu.vector_load %arg6[%get3A_344, %get3A_345, %get3A_346] {strides = array<i32>} : memref<4x64x128xf32, #tpu.memory_space<vmem>>, vector<1x1x16xf32>,
        %get3A_348 = vector.shape_cast %get3A_347 : vector<1x1x16xf32> to vector<16xf32>
        %add3A_349 = arith.constant 0 : i32
        %add3A_350 = arith.addi %mul3A_308, %add3A_349 : i32
        %swap3A_351 = arith.constant 2 : i32
        %swap3A_352 = arith.index_cast %swap3A_351 : i32 to index
        %swap3A_353 = arith.index_cast %add3A_350 : i32 to index
        %swap3A_354 = arith.constant 32 : index
        %swap3A_355 = tpu.vector_load %arg7[%swap3A_352, %swap3A_353, %swap3A_354] {strides = array<i32>} : memref<4x64x64xf32, #tpu.memory_space<vmem>>, vector<1x1x16xf32>,
        %swap3A_356 = vector.shape_cast %swap3A_355 : vector<1x1x16xf32> to vector<16xf32>
        %swap3A_357 = vector.shape_cast %get3A_348 : vector<16xf32> to vector<1x1x16xf32>
        tpu.vector_store %arg7[%swap3A_352, %swap3A_353, %swap3A_354], %swap3A_357 {strides = array<i32>} : memref<4x64x64xf32, #tpu.memory_space<vmem>>, vector<1x1x16xf32>,
        %add3A_358 = arith.constant 0 : i32
        %add3A_359 = arith.addi %mul3A_308, %add3A_358 : i32
        %get3A_360 = arith.constant 2 : i32
        %get3A_361 = arith.index_cast %get3A_360 : i32 to index
        %get3A_362 = arith.index_cast %add3A_359 : i32 to index
        %get3A_363 = arith.constant 48 : index
        %get3A_364 = tpu.vector_load %arg6[%get3A_361, %get3A_362, %get3A_363] {strides = array<i32>} : memref<4x64x128xf32, #tpu.memory_space<vmem>>, vector<1x1x16xf32>,
        %get3A_365 = vector.shape_cast %get3A_364 : vector<1x1x16xf32> to vector<16xf32>
        %add3A_366 = arith.constant 0 : i32
        %add3A_367 = arith.addi %mul3A_308, %add3A_366 : i32
        %swap3A_368 = arith.constant 2 : i32
        %swap3A_369 = arith.index_cast %swap3A_368 : i32 to index
        %swap3A_370 = arith.index_cast %add3A_367 : i32 to index
        %swap3A_371 = arith.constant 48 : index
        %swap3A_372 = tpu.vector_load %arg7[%swap3A_369, %swap3A_370, %swap3A_371] {strides = array<i32>} : memref<4x64x64xf32, #tpu.memory_space<vmem>>, vector<1x1x16xf32>,
        %swap3A_373 = vector.shape_cast %swap3A_372 : vector<1x1x16xf32> to vector<16xf32>
        %swap3A_374 = vector.shape_cast %get3A_365 : vector<16xf32> to vector<1x1x16xf32>
        tpu.vector_store %arg7[%swap3A_369, %swap3A_370, %swap3A_371], %swap3A_374 {strides = array<i32>} : memref<4x64x64xf32, #tpu.memory_space<vmem>>, vector<1x1x16xf32>,
        %add3A_375 = arith.constant 1 : i32
        %add3A_376 = arith.addi %mul3A_308, %add3A_375 : i32
        %get3A_377 = arith.constant 2 : i32
        %get3A_378 = arith.index_cast %get3A_377 : i32 to index
        %get3A_379 = arith.index_cast %add3A_376 : i32 to index
        %get3A_380 = arith.constant 0 : index
        %get3A_381 = tpu.vector_load %arg6[%get3A_378, %get3A_379, %get3A_380] {strides = array<i32>} : memref<4x64x128xf32, #tpu.memory_space<vmem>>, vector<1x1x16xf32>,
        %get3A_382 = vector.shape_cast %get3A_381 : vector<1x1x16xf32> to vector<16xf32>
        %add3A_383 = arith.constant 1 : i32
        %add3A_384 = arith.addi %mul3A_308, %add3A_383 : i32
        %swap3A_385 = arith.constant 2 : i32
        %swap3A_386 = arith.index_cast %swap3A_385 : i32 to index
        %swap3A_387 = arith.index_cast %add3A_384 : i32 to index
        %swap3A_388 = arith.constant 0 : index
        %swap3A_389 = tpu.vector_load %arg7[%swap3A_386, %swap3A_387, %swap3A_388] {strides = array<i32>} : memref<4x64x64xf32, #tpu.memory_space<vmem>>, vector<1x1x16xf32>,
        %swap3A_390 = vector.shape_cast %swap3A_389 : vector<1x1x16xf32> to vector<16xf32>
        %swap3A_391 = vector.shape_cast %get3A_382 : vector<16xf32> to vector<1x1x16xf32>
        tpu.vector_store %arg7[%swap3A_386, %swap3A_387, %swap3A_388], %swap3A_391 {strides = array<i32>} : memref<4x64x64xf32, #tpu.memory_space<vmem>>, vector<1x1x16xf32>,
        %add3A_392 = arith.constant 1 : i32
        %add3A_393 = arith.addi %mul3A_308, %add3A_392 : i32
        %get3A_394 = arith.constant 2 : i32
        %get3A_395 = arith.index_cast %get3A_394 : i32 to index
        %get3A_396 = arith.index_cast %add3A_393 : i32 to index
        %get3A_397 = arith.constant 16 : index
        %get3A_398 = tpu.vector_load %arg6[%get3A_395, %get3A_396, %get3A_397] {strides = array<i32>} : memref<4x64x128xf32, #tpu.memory_space<vmem>>, vector<1x1x16xf32>,
        %get3A_399 = vector.shape_cast %get3A_398 : vector<1x1x16xf32> to vector<16xf32>
        %add3A_400 = arith.constant 1 : i32
        %add3A_401 = arith.addi %mul3A_308, %add3A_400 : i32
        %swap3A_402 = arith.constant 2 : i32
        %swap3A_403 = arith.index_cast %swap3A_402 : i32 to index
        %swap3A_404 = arith.index_cast %add3A_401 : i32 to index
        %swap3A_405 = arith.constant 16 : index
        %swap3A_406 = tpu.vector_load %arg7[%swap3A_403, %swap3A_404, %swap3A_405] {strides = array<i32>} : memref<4x64x64xf32, #tpu.memory_space<vmem>>, vector<1x1x16xf32>,
        %swap3A_407 = vector.shape_cast %swap3A_406 : vector<1x1x16xf32> to vector<16xf32>
        %swap3A_408 = vector.shape_cast %get3A_399 : vector<16xf32> to vector<1x1x16xf32>
        tpu.vector_store %arg7[%swap3A_403, %swap3A_404, %swap3A_405], %swap3A_408 {strides = array<i32>} : memref<4x64x64xf32, #tpu.memory_space<vmem>>, vector<1x1x16xf32>,
        %add3A_409 = arith.constant 1 : i32
        %add3A_410 = arith.addi %mul3A_308, %add3A_409 : i32
        %get3A_411 = arith.constant 2 : i32
        %get3A_412 = arith.index_cast %get3A_411 : i32 to index
        %get3A_413 = arith.index_cast %add3A_410 : i32 to index
        %get3A_414 = arith.constant 32 : index
        %get3A_415 = tpu.vector_load %arg6[%get3A_412, %get3A_413, %get3A_414] {strides = array<i32>} : memref<4x64x128xf32, #tpu.memory_space<vmem>>, vector<1x1x16xf32>,
        %get3A_416 = vector.shape_cast %get3A_415 : vector<1x1x16xf32> to vector<16xf32>
        %add3A_417 = arith.constant 1 : i32
        %add3A_418 = arith.addi %mul3A_308, %add3A_417 : i32
        %swap3A_419 = arith.constant 2 : i32
        %swap3A_420 = arith.index_cast %swap3A_419 : i32 to index
        %swap3A_421 = arith.index_cast %add3A_418 : i32 to index
        %swap3A_422 = arith.constant 32 : index
        %swap3A_423 = tpu.vector_load %arg7[%swap3A_420, %swap3A_421, %swap3A_422] {strides = array<i32>} : memref<4x64x64xf32, #tpu.memory_space<vmem>>, vector<1x1x16xf32>,
        %swap3A_424 = vector.shape_cast %swap3A_423 : vector<1x1x16xf32> to vector<16xf32>
        %swap3A_425 = vector.shape_cast %get3A_416 : vector<16xf32> to vector<1x1x16xf32>
        tpu.vector_store %arg7[%swap3A_420, %swap3A_421, %swap3A_422], %swap3A_425 {strides = array<i32>} : memref<4x64x64xf32, #tpu.memory_space<vmem>>, vector<1x1x16xf32>,
        %add3A_426 = arith.constant 1 : i32
        %add3A_427 = arith.addi %mul3A_308, %add3A_426 : i32
        %get3A_428 = arith.constant 2 : i32
        %get3A_429 = arith.index_cast %get3A_428 : i32 to index
        %get3A_430 = arith.index_cast %add3A_427 : i32 to index
        %get3A_431 = arith.constant 48 : index
        %get3A_432 = tpu.vector_load %arg6[%get3A_429, %get3A_430, %get3A_431] {strides = array<i32>} : memref<4x64x128xf32, #tpu.memory_space<vmem>>, vector<1x1x16xf32>,
        %get3A_433 = vector.shape_cast %get3A_432 : vector<1x1x16xf32> to vector<16xf32>
        %add3A_434 = arith.constant 1 : i32
        %add3A_435 = arith.addi %mul3A_308, %add3A_434 : i32
        %swap3A_436 = arith.constant 2 : i32
        %swap3A_437 = arith.index_cast %swap3A_436 : i32 to index
        %swap3A_438 = arith.index_cast %add3A_435 : i32 to index
        %swap3A_439 = arith.constant 48 : index
        %swap3A_440 = tpu.vector_load %arg7[%swap3A_437, %swap3A_438, %swap3A_439] {strides = array<i32>} : memref<4x64x64xf32, #tpu.memory_space<vmem>>, vector<1x1x16xf32>,
        %swap3A_441 = vector.shape_cast %swap3A_440 : vector<1x1x16xf32> to vector<16xf32>
        %swap3A_442 = vector.shape_cast %get3A_433 : vector<16xf32> to vector<1x1x16xf32>
        tpu.vector_store %arg7[%swap3A_437, %swap3A_438, %swap3A_439], %swap3A_442 {strides = array<i32>} : memref<4x64x64xf32, #tpu.memory_space<vmem>>, vector<1x1x16xf32>,
        %add3A_443 = arith.constant 2 : i32
        %add3A_444 = arith.addi %mul3A_308, %add3A_443 : i32
        %get3A_445 = arith.constant 2 : i32
        %get3A_446 = arith.index_cast %get3A_445 : i32 to index
        %get3A_447 = arith.index_cast %add3A_444 : i32 to index
        %get3A_448 = arith.constant 0 : index
        %get3A_449 = tpu.vector_load %arg6[%get3A_446, %get3A_447, %get3A_448] {strides = array<i32>} : memref<4x64x128xf32, #tpu.memory_space<vmem>>, vector<1x1x16xf32>,
        %get3A_450 = vector.shape_cast %get3A_449 : vector<1x1x16xf32> to vector<16xf32>
        %add3A_451 = arith.constant 2 : i32
        %add3A_452 = arith.addi %mul3A_308, %add3A_451 : i32
        %swap3A_453 = arith.constant 2 : i32
        %swap3A_454 = arith.index_cast %swap3A_453 : i32 to index
        %swap3A_455 = arith.index_cast %add3A_452 : i32 to index
        %swap3A_456 = arith.constant 0 : index
        %swap3A_457 = tpu.vector_load %arg7[%swap3A_454, %swap3A_455, %swap3A_456] {strides = array<i32>} : memref<4x64x64xf32, #tpu.memory_space<vmem>>, vector<1x1x16xf32>,
        %swap3A_458 = vector.shape_cast %swap3A_457 : vector<1x1x16xf32> to vector<16xf32>
        %swap3A_459 = vector.shape_cast %get3A_450 : vector<16xf32> to vector<1x1x16xf32>
        tpu.vector_store %arg7[%swap3A_454, %swap3A_455, %swap3A_456], %swap3A_459 {strides = array<i32>} : memref<4x64x64xf32, #tpu.memory_space<vmem>>, vector<1x1x16xf32>,
        %add3A_460 = arith.constant 2 : i32
        %add3A_461 = arith.addi %mul3A_308, %add3A_460 : i32
        %get3A_462 = arith.constant 2 : i32
        %get3A_463 = arith.index_cast %get3A_462 : i32 to index
        %get3A_464 = arith.index_cast %add3A_461 : i32 to index
        %get3A_465 = arith.constant 16 : index
        %get3A_466 = tpu.vector_load %arg6[%get3A_463, %get3A_464, %get3A_465] {strides = array<i32>} : memref<4x64x128xf32, #tpu.memory_space<vmem>>, vector<1x1x16xf32>,
        %get3A_467 = vector.shape_cast %get3A_466 : vector<1x1x16xf32> to vector<16xf32>
        %add3A_468 = arith.constant 2 : i32
        %add3A_469 = arith.addi %mul3A_308, %add3A_468 : i32
        %swap3A_470 = arith.constant 2 : i32
        %swap3A_471 = arith.index_cast %swap3A_470 : i32 to index
        %swap3A_472 = arith.index_cast %add3A_469 : i32 to index
        %swap3A_473 = arith.constant 16 : index
        %swap3A_474 = tpu.vector_load %arg7[%swap3A_471, %swap3A_472, %swap3A_473] {strides = array<i32>} : memref<4x64x64xf32, #tpu.memory_space<vmem>>, vector<1x1x16xf32>,
        %swap3A_475 = vector.shape_cast %swap3A_474 : vector<1x1x16xf32> to vector<16xf32>
        %swap3A_476 = vector.shape_cast %get3A_467 : vector<16xf32> to vector<1x1x16xf32>
        tpu.vector_store %arg7[%swap3A_471, %swap3A_472, %swap3A_473], %swap3A_476 {strides = array<i32>} : memref<4x64x64xf32, #tpu.memory_space<vmem>>, vector<1x1x16xf32>,
        %add3A_477 = arith.constant 2 : i32
        %add3A_478 = arith.addi %mul3A_308, %add3A_477 : i32
        %get3A_479 = arith.constant 2 : i32
        %get3A_480 = arith.index_cast %get3A_479 : i32 to index
        %get3A_481 = arith.index_cast %add3A_478 : i32 to index
        %get3A_482 = arith.constant 32 : index
        %get3A_483 = tpu.vector_load %arg6[%get3A_480, %get3A_481, %get3A_482] {strides = array<i32>} : memref<4x64x128xf32, #tpu.memory_space<vmem>>, vector<1x1x16xf32>,
        %get3A_484 = vector.shape_cast %get3A_483 : vector<1x1x16xf32> to vector<16xf32>
        %add3A_485 = arith.constant 2 : i32
        %add3A_486 = arith.addi %mul3A_308, %add3A_485 : i32
        %swap3A_487 = arith.constant 2 : i32
        %swap3A_488 = arith.index_cast %swap3A_487 : i32 to index
        %swap3A_489 = arith.index_cast %add3A_486 : i32 to index
        %swap3A_490 = arith.constant 32 : index
        %swap3A_491 = tpu.vector_load %arg7[%swap3A_488, %swap3A_489, %swap3A_490] {strides = array<i32>} : memref<4x64x64xf32, #tpu.memory_space<vmem>>, vector<1x1x16xf32>,
        %swap3A_492 = vector.shape_cast %swap3A_491 : vector<1x1x16xf32> to vector<16xf32>
        %swap3A_493 = vector.shape_cast %get3A_484 : vector<16xf32> to vector<1x1x16xf32>
        tpu.vector_store %arg7[%swap3A_488, %swap3A_489, %swap3A_490], %swap3A_493 {strides = array<i32>} : memref<4x64x64xf32, #tpu.memory_space<vmem>>, vector<1x1x16xf32>,
        %add3A_494 = arith.constant 2 : i32
        %add3A_495 = arith.addi %mul3A_308, %add3A_494 : i32
        %get3A_496 = arith.constant 2 : i32
        %get3A_497 = arith.index_cast %get3A_496 : i32 to index
        %get3A_498 = arith.index_cast %add3A_495 : i32 to index
        %get3A_499 = arith.constant 48 : index
        %get3A_500 = tpu.vector_load %arg6[%get3A_497, %get3A_498, %get3A_499] {strides = array<i32>} : memref<4x64x128xf32, #tpu.memory_space<vmem>>, vector<1x1x16xf32>,
        %get3A_501 = vector.shape_cast %get3A_500 : vector<1x1x16xf32> to vector<16xf32>
        %add3A_502 = arith.constant 2 : i32
        %add3A_503 = arith.addi %mul3A_308, %add3A_502 : i32
        %swap3A_504 = arith.constant 2 : i32
        %swap3A_505 = arith.index_cast %swap3A_504 : i32 to index
        %swap3A_506 = arith.index_cast %add3A_503 : i32 to index
        %swap3A_507 = arith.constant 48 : index
        %swap3A_508 = tpu.vector_load %arg7[%swap3A_505, %swap3A_506, %swap3A_507] {strides = array<i32>} : memref<4x64x64xf32, #tpu.memory_space<vmem>>, vector<1x1x16xf32>,
        %swap3A_509 = vector.shape_cast %swap3A_508 : vector<1x1x16xf32> to vector<16xf32>
        %swap3A_510 = vector.shape_cast %get3A_501 : vector<16xf32> to vector<1x1x16xf32>
        tpu.vector_store %arg7[%swap3A_505, %swap3A_506, %swap3A_507], %swap3A_510 {strides = array<i32>} : memref<4x64x64xf32, #tpu.memory_space<vmem>>, vector<1x1x16xf32>,
        %add3A_511 = arith.constant 3 : i32
        %add3A_512 = arith.addi %mul3A_308, %add3A_511 : i32
        %get3A_513 = arith.constant 2 : i32
        %get3A_514 = arith.index_cast %get3A_513 : i32 to index
        %get3A_515 = arith.index_cast %add3A_512 : i32 to index
        %get3A_516 = arith.constant 0 : index
        %get3A_517 = tpu.vector_load %arg6[%get3A_514, %get3A_515, %get3A_516] {strides = array<i32>} : memref<4x64x128xf32, #tpu.memory_space<vmem>>, vector<1x1x16xf32>,
        %get3A_518 = vector.shape_cast %get3A_517 : vector<1x1x16xf32> to vector<16xf32>
        %add3A_519 = arith.constant 3 : i32
        %add3A_520 = arith.addi %mul3A_308, %add3A_519 : i32
        %swap3A_521 = arith.constant 2 : i32
        %swap3A_522 = arith.index_cast %swap3A_521 : i32 to index
        %swap3A_523 = arith.index_cast %add3A_520 : i32 to index
        %swap3A_524 = arith.constant 0 : index
        %swap3A_525 = tpu.vector_load %arg7[%swap3A_522, %swap3A_523, %swap3A_524] {strides = array<i32>} : memref<4x64x64xf32, #tpu.memory_space<vmem>>, vector<1x1x16xf32>,
        %swap3A_526 = vector.shape_cast %swap3A_525 : vector<1x1x16xf32> to vector<16xf32>
        %swap3A_527 = vector.shape_cast %get3A_518 : vector<16xf32> to vector<1x1x16xf32>
        tpu.vector_store %arg7[%swap3A_522, %swap3A_523, %swap3A_524], %swap3A_527 {strides = array<i32>} : memref<4x64x64xf32, #tpu.memory_space<vmem>>, vector<1x1x16xf32>,
        %add3A_528 = arith.constant 3 : i32
        %add3A_529 = arith.addi %mul3A_308, %add3A_528 : i32
        %get3A_530 = arith.constant 2 : i32
        %get3A_531 = arith.index_cast %get3A_530 : i32 to index
        %get3A_532 = arith.index_cast %add3A_529 : i32 to index
        %get3A_533 = arith.constant 16 : index
        %get3A_534 = tpu.vector_load %arg6[%get3A_531, %get3A_532, %get3A_533] {strides = array<i32>} : memref<4x64x128xf32, #tpu.memory_space<vmem>>, vector<1x1x16xf32>,
        %get3A_535 = vector.shape_cast %get3A_534 : vector<1x1x16xf32> to vector<16xf32>
        %add3A_536 = arith.constant 3 : i32
        %add3A_537 = arith.addi %mul3A_308, %add3A_536 : i32
        %swap3A_538 = arith.constant 2 : i32
        %swap3A_539 = arith.index_cast %swap3A_538 : i32 to index
        %swap3A_540 = arith.index_cast %add3A_537 : i32 to index
        %swap3A_541 = arith.constant 16 : index
        %swap3A_542 = tpu.vector_load %arg7[%swap3A_539, %swap3A_540, %swap3A_541] {strides = array<i32>} : memref<4x64x64xf32, #tpu.memory_space<vmem>>, vector<1x1x16xf32>,
        %swap3A_543 = vector.shape_cast %swap3A_542 : vector<1x1x16xf32> to vector<16xf32>
        %swap3A_544 = vector.shape_cast %get3A_535 : vector<16xf32> to vector<1x1x16xf32>
        tpu.vector_store %arg7[%swap3A_539, %swap3A_540, %swap3A_541], %swap3A_544 {strides = array<i32>} : memref<4x64x64xf32, #tpu.memory_space<vmem>>, vector<1x1x16xf32>,
        %add3A_545 = arith.constant 3 : i32
        %add3A_546 = arith.addi %mul3A_308, %add3A_545 : i32
        %get3A_547 = arith.constant 2 : i32
        %get3A_548 = arith.index_cast %get3A_547 : i32 to index
        %get3A_549 = arith.index_cast %add3A_546 : i32 to index
        %get3A_550 = arith.constant 32 : index
        %get3A_551 = tpu.vector_load %arg6[%get3A_548, %get3A_549, %get3A_550] {strides = array<i32>} : memref<4x64x128xf32, #tpu.memory_space<vmem>>, vector<1x1x16xf32>,
        %get3A_552 = vector.shape_cast %get3A_551 : vector<1x1x16xf32> to vector<16xf32>
        %add3A_553 = arith.constant 3 : i32
        %add3A_554 = arith.addi %mul3A_308, %add3A_553 : i32
        %swap3A_555 = arith.constant 2 : i32
        %swap3A_556 = arith.index_cast %swap3A_555 : i32 to index
        %swap3A_557 = arith.index_cast %add3A_554 : i32 to index
        %swap3A_558 = arith.constant 32 : index
        %swap3A_559 = tpu.vector_load %arg7[%swap3A_556, %swap3A_557, %swap3A_558] {strides = array<i32>} : memref<4x64x64xf32, #tpu.memory_space<vmem>>, vector<1x1x16xf32>,
        %swap3A_560 = vector.shape_cast %swap3A_559 : vector<1x1x16xf32> to vector<16xf32>
        %swap3A_561 = vector.shape_cast %get3A_552 : vector<16xf32> to vector<1x1x16xf32>
        tpu.vector_store %arg7[%swap3A_556, %swap3A_557, %swap3A_558], %swap3A_561 {strides = array<i32>} : memref<4x64x64xf32, #tpu.memory_space<vmem>>, vector<1x1x16xf32>,
        %add3A_562 = arith.constant 3 : i32
        %add3A_563 = arith.addi %mul3A_308, %add3A_562 : i32
        %get3A_564 = arith.constant 2 : i32
        %get3A_565 = arith.index_cast %get3A_564 : i32 to index
        %get3A_566 = arith.index_cast %add3A_563 : i32 to index
        %get3A_567 = arith.constant 48 : index
        %get3A_568 = tpu.vector_load %arg6[%get3A_565, %get3A_566, %get3A_567] {strides = array<i32>} : memref<4x64x128xf32, #tpu.memory_space<vmem>>, vector<1x1x16xf32>,
        %get3A_569 = vector.shape_cast %get3A_568 : vector<1x1x16xf32> to vector<16xf32>
        %add3A_570 = arith.constant 3 : i32
        %add3A_571 = arith.addi %mul3A_308, %add3A_570 : i32
        %swap3A_572 = arith.constant 2 : i32
        %swap3A_573 = arith.index_cast %swap3A_572 : i32 to index
        %swap3A_574 = arith.index_cast %add3A_571 : i32 to index
        %swap3A_575 = arith.constant 48 : index
        %swap3A_576 = tpu.vector_load %arg7[%swap3A_573, %swap3A_574, %swap3A_575] {strides = array<i32>} : memref<4x64x64xf32, #tpu.memory_space<vmem>>, vector<1x1x16xf32>,
        %swap3A_577 = vector.shape_cast %swap3A_576 : vector<1x1x16xf32> to vector<16xf32>
        %swap3A_578 = vector.shape_cast %get3A_569 : vector<16xf32> to vector<1x1x16xf32>
        tpu.vector_store %arg7[%swap3A_573, %swap3A_574, %swap3A_575], %swap3A_578 {strides = array<i32>} : memref<4x64x64xf32, #tpu.memory_space<vmem>>, vector<1x1x16xf32>,
        %add3A_579 = arith.constant 4 : i32
        %add3A_580 = arith.addi %mul3A_308, %add3A_579 : i32
        %get3A_581 = arith.constant 2 : i32
        %get3A_582 = arith.index_cast %get3A_581 : i32 to index
        %get3A_583 = arith.index_cast %add3A_580 : i32 to index
        %get3A_584 = arith.constant 0 : index
        %get3A_585 = tpu.vector_load %arg6[%get3A_582, %get3A_583, %get3A_584] {strides = array<i32>} : memref<4x64x128xf32, #tpu.memory_space<vmem>>, vector<1x1x16xf32>,
        %get3A_586 = vector.shape_cast %get3A_585 : vector<1x1x16xf32> to vector<16xf32>
        %add3A_587 = arith.constant 4 : i32
        %add3A_588 = arith.addi %mul3A_308, %add3A_587 : i32
        %swap3A_589 = arith.constant 2 : i32
        %swap3A_590 = arith.index_cast %swap3A_589 : i32 to index
        %swap3A_591 = arith.index_cast %add3A_588 : i32 to index
        %swap3A_592 = arith.constant 0 : index
        %swap3A_593 = tpu.vector_load %arg7[%swap3A_590, %swap3A_591, %swap3A_592] {strides = array<i32>} : memref<4x64x64xf32, #tpu.memory_space<vmem>>, vector<1x1x16xf32>,
        %swap3A_594 = vector.shape_cast %swap3A_593 : vector<1x1x16xf32> to vector<16xf32>
        %swap3A_595 = vector.shape_cast %get3A_586 : vector<16xf32> to vector<1x1x16xf32>
        tpu.vector_store %arg7[%swap3A_590, %swap3A_591, %swap3A_592], %swap3A_595 {strides = array<i32>} : memref<4x64x64xf32, #tpu.memory_space<vmem>>, vector<1x1x16xf32>,
        %add3A_596 = arith.constant 4 : i32
        %add3A_597 = arith.addi %mul3A_308, %add3A_596 : i32
        %get3A_598 = arith.constant 2 : i32
        %get3A_599 = arith.index_cast %get3A_598 : i32 to index
        %get3A_600 = arith.index_cast %add3A_597 : i32 to index
        %get3A_601 = arith.constant 16 : index
        %get3A_602 = tpu.vector_load %arg6[%get3A_599, %get3A_600, %get3A_601] {strides = array<i32>} : memref<4x64x128xf32, #tpu.memory_space<vmem>>, vector<1x1x16xf32>,
        %get3A_603 = vector.shape_cast %get3A_602 : vector<1x1x16xf32> to vector<16xf32>
        %add3A_604 = arith.constant 4 : i32
        %add3A_605 = arith.addi %mul3A_308, %add3A_604 : i32
        %swap3A_606 = arith.constant 2 : i32
        %swap3A_607 = arith.index_cast %swap3A_606 : i32 to index
        %swap3A_608 = arith.index_cast %add3A_605 : i32 to index
        %swap3A_609 = arith.constant 16 : index
        %swap3A_610 = tpu.vector_load %arg7[%swap3A_607, %swap3A_608, %swap3A_609] {strides = array<i32>} : memref<4x64x64xf32, #tpu.memory_space<vmem>>, vector<1x1x16xf32>,
        %swap3A_611 = vector.shape_cast %swap3A_610 : vector<1x1x16xf32> to vector<16xf32>
        %swap3A_612 = vector.shape_cast %get3A_603 : vector<16xf32> to vector<1x1x16xf32>
        tpu.vector_store %arg7[%swap3A_607, %swap3A_608, %swap3A_609], %swap3A_612 {strides = array<i32>} : memref<4x64x64xf32, #tpu.memory_space<vmem>>, vector<1x1x16xf32>,
        %add3A_613 = arith.constant 4 : i32
        %add3A_614 = arith.addi %mul3A_308, %add3A_613 : i32
        %get3A_615 = arith.constant 2 : i32
        %get3A_616 = arith.index_cast %get3A_615 : i32 to index
        %get3A_617 = arith.index_cast %add3A_614 : i32 to index
        %get3A_618 = arith.constant 32 : index
        %get3A_619 = tpu.vector_load %arg6[%get3A_616, %get3A_617, %get3A_618] {strides = array<i32>} : memref<4x64x128xf32, #tpu.memory_space<vmem>>, vector<1x1x16xf32>,
        %get3A_620 = vector.shape_cast %get3A_619 : vector<1x1x16xf32> to vector<16xf32>
        %add3A_621 = arith.constant 4 : i32
        %add3A_622 = arith.addi %mul3A_308, %add3A_621 : i32
        %swap3A_623 = arith.constant 2 : i32
        %swap3A_624 = arith.index_cast %swap3A_623 : i32 to index
        %swap3A_625 = arith.index_cast %add3A_622 : i32 to index
        %swap3A_626 = arith.constant 32 : index
        %swap3A_627 = tpu.vector_load %arg7[%swap3A_624, %swap3A_625, %swap3A_626] {strides = array<i32>} : memref<4x64x64xf32, #tpu.memory_space<vmem>>, vector<1x1x16xf32>,
        %swap3A_628 = vector.shape_cast %swap3A_627 : vector<1x1x16xf32> to vector<16xf32>
        %swap3A_629 = vector.shape_cast %get3A_620 : vector<16xf32> to vector<1x1x16xf32>
        tpu.vector_store %arg7[%swap3A_624, %swap3A_625, %swap3A_626], %swap3A_629 {strides = array<i32>} : memref<4x64x64xf32, #tpu.memory_space<vmem>>, vector<1x1x16xf32>,
        %add3A_630 = arith.constant 4 : i32
        %add3A_631 = arith.addi %mul3A_308, %add3A_630 : i32
        %get3A_632 = arith.constant 2 : i32
        %get3A_633 = arith.index_cast %get3A_632 : i32 to index
        %get3A_634 = arith.index_cast %add3A_631 : i32 to index
        %get3A_635 = arith.constant 48 : index
        %get3A_636 = tpu.vector_load %arg6[%get3A_633, %get3A_634, %get3A_635] {strides = array<i32>} : memref<4x64x128xf32, #tpu.memory_space<vmem>>, vector<1x1x16xf32>,
        %get3A_637 = vector.shape_cast %get3A_636 : vector<1x1x16xf32> to vector<16xf32>
        %add3A_638 = arith.constant 4 : i32
        %add3A_639 = arith.addi %mul3A_308, %add3A_638 : i32
        %swap3A_640 = arith.constant 2 : i32
        %swap3A_641 = arith.index_cast %swap3A_640 : i32 to index
        %swap3A_642 = arith.index_cast %add3A_639 : i32 to index
        %swap3A_643 = arith.constant 48 : index
        %swap3A_644 = tpu.vector_load %arg7[%swap3A_641, %swap3A_642, %swap3A_643] {strides = array<i32>} : memref<4x64x64xf32, #tpu.memory_space<vmem>>, vector<1x1x16xf32>,
        %swap3A_645 = vector.shape_cast %swap3A_644 : vector<1x1x16xf32> to vector<16xf32>
        %swap3A_646 = vector.shape_cast %get3A_637 : vector<16xf32> to vector<1x1x16xf32>
        tpu.vector_store %arg7[%swap3A_641, %swap3A_642, %swap3A_643], %swap3A_646 {strides = array<i32>} : memref<4x64x64xf32, #tpu.memory_space<vmem>>, vector<1x1x16xf32>,
        %add3A_647 = arith.constant 5 : i32
        %add3A_648 = arith.addi %mul3A_308, %add3A_647 : i32
        %get3A_649 = arith.constant 2 : i32
        %get3A_650 = arith.index_cast %get3A_649 : i32 to index
        %get3A_651 = arith.index_cast %add3A_648 : i32 to index
        %get3A_652 = arith.constant 0 : index
        %get3A_653 = tpu.vector_load %arg6[%get3A_650, %get3A_651, %get3A_652] {strides = array<i32>} : memref<4x64x128xf32, #tpu.memory_space<vmem>>, vector<1x1x16xf32>,
        %get3A_654 = vector.shape_cast %get3A_653 : vector<1x1x16xf32> to vector<16xf32>
        %add3A_655 = arith.constant 5 : i32
        %add3A_656 = arith.addi %mul3A_308, %add3A_655 : i32
        %swap3A_657 = arith.constant 2 : i32
        %swap3A_658 = arith.index_cast %swap3A_657 : i32 to index
        %swap3A_659 = arith.index_cast %add3A_656 : i32 to index
        %swap3A_660 = arith.constant 0 : index
        %swap3A_661 = tpu.vector_load %arg7[%swap3A_658, %swap3A_659, %swap3A_660] {strides = array<i32>} : memref<4x64x64xf32, #tpu.memory_space<vmem>>, vector<1x1x16xf32>,
        %swap3A_662 = vector.shape_cast %swap3A_661 : vector<1x1x16xf32> to vector<16xf32>
        %swap3A_663 = vector.shape_cast %get3A_654 : vector<16xf32> to vector<1x1x16xf32>
        tpu.vector_store %arg7[%swap3A_658, %swap3A_659, %swap3A_660], %swap3A_663 {strides = array<i32>} : memref<4x64x64xf32, #tpu.memory_space<vmem>>, vector<1x1x16xf32>,
        %add3A_664 = arith.constant 5 : i32
        %add3A_665 = arith.addi %mul3A_308, %add3A_664 : i32
        %get3A_666 = arith.constant 2 : i32
        %get3A_667 = arith.index_cast %get3A_666 : i32 to index
        %get3A_668 = arith.index_cast %add3A_665 : i32 to index
        %get3A_669 = arith.constant 16 : index
        %get3A_670 = tpu.vector_load %arg6[%get3A_667, %get3A_668, %get3A_669] {strides = array<i32>} : memref<4x64x128xf32, #tpu.memory_space<vmem>>, vector<1x1x16xf32>,
        %get3A_671 = vector.shape_cast %get3A_670 : vector<1x1x16xf32> to vector<16xf32>
        %add3A_672 = arith.constant 5 : i32
        %add3A_673 = arith.addi %mul3A_308, %add3A_672 : i32
        %swap3A_674 = arith.constant 2 : i32
        %swap3A_675 = arith.index_cast %swap3A_674 : i32 to index
        %swap3A_676 = arith.index_cast %add3A_673 : i32 to index
        %swap3A_677 = arith.constant 16 : index
        %swap3A_678 = tpu.vector_load %arg7[%swap3A_675, %swap3A_676, %swap3A_677] {strides = array<i32>} : memref<4x64x64xf32, #tpu.memory_space<vmem>>, vector<1x1x16xf32>,
        %swap3A_679 = vector.shape_cast %swap3A_678 : vector<1x1x16xf32> to vector<16xf32>
        %swap3A_680 = vector.shape_cast %get3A_671 : vector<16xf32> to vector<1x1x16xf32>
        tpu.vector_store %arg7[%swap3A_675, %swap3A_676, %swap3A_677], %swap3A_680 {strides = array<i32>} : memref<4x64x64xf32, #tpu.memory_space<vmem>>, vector<1x1x16xf32>,
        %add3A_681 = arith.constant 5 : i32
        %add3A_682 = arith.addi %mul3A_308, %add3A_681 : i32
        %get3A_683 = arith.constant 2 : i32
        %get3A_684 = arith.index_cast %get3A_683 : i32 to index
        %get3A_685 = arith.index_cast %add3A_682 : i32 to index
        %get3A_686 = arith.constant 32 : index
        %get3A_687 = tpu.vector_load %arg6[%get3A_684, %get3A_685, %get3A_686] {strides = array<i32>} : memref<4x64x128xf32, #tpu.memory_space<vmem>>, vector<1x1x16xf32>,
        %get3A_688 = vector.shape_cast %get3A_687 : vector<1x1x16xf32> to vector<16xf32>
        %add3A_689 = arith.constant 5 : i32
        %add3A_690 = arith.addi %mul3A_308, %add3A_689 : i32
        %swap3A_691 = arith.constant 2 : i32
        %swap3A_692 = arith.index_cast %swap3A_691 : i32 to index
        %swap3A_693 = arith.index_cast %add3A_690 : i32 to index
        %swap3A_694 = arith.constant 32 : index
        %swap3A_695 = tpu.vector_load %arg7[%swap3A_692, %swap3A_693, %swap3A_694] {strides = array<i32>} : memref<4x64x64xf32, #tpu.memory_space<vmem>>, vector<1x1x16xf32>,
        %swap3A_696 = vector.shape_cast %swap3A_695 : vector<1x1x16xf32> to vector<16xf32>
        %swap3A_697 = vector.shape_cast %get3A_688 : vector<16xf32> to vector<1x1x16xf32>
        tpu.vector_store %arg7[%swap3A_692, %swap3A_693, %swap3A_694], %swap3A_697 {strides = array<i32>} : memref<4x64x64xf32, #tpu.memory_space<vmem>>, vector<1x1x16xf32>,
        %add3A_698 = arith.constant 5 : i32
        %add3A_699 = arith.addi %mul3A_308, %add3A_698 : i32
        %get3A_700 = arith.constant 2 : i32
        %get3A_701 = arith.index_cast %get3A_700 : i32 to index
        %get3A_702 = arith.index_cast %add3A_699 : i32 to index
        %get3A_703 = arith.constant 48 : index
        %get3A_704 = tpu.vector_load %arg6[%get3A_701, %get3A_702, %get3A_703] {strides = array<i32>} : memref<4x64x128xf32, #tpu.memory_space<vmem>>, vector<1x1x16xf32>,
        %get3A_705 = vector.shape_cast %get3A_704 : vector<1x1x16xf32> to vector<16xf32>
        %add3A_706 = arith.constant 5 : i32
        %add3A_707 = arith.addi %mul3A_308, %add3A_706 : i32
        %swap3A_708 = arith.constant 2 : i32
        %swap3A_709 = arith.index_cast %swap3A_708 : i32 to index
        %swap3A_710 = arith.index_cast %add3A_707 : i32 to index
        %swap3A_711 = arith.constant 48 : index
        %swap3A_712 = tpu.vector_load %arg7[%swap3A_709, %swap3A_710, %swap3A_711] {strides = array<i32>} : memref<4x64x64xf32, #tpu.memory_space<vmem>>, vector<1x1x16xf32>,
        %swap3A_713 = vector.shape_cast %swap3A_712 : vector<1x1x16xf32> to vector<16xf32>
        %swap3A_714 = vector.shape_cast %get3A_705 : vector<16xf32> to vector<1x1x16xf32>
        tpu.vector_store %arg7[%swap3A_709, %swap3A_710, %swap3A_711], %swap3A_714 {strides = array<i32>} : memref<4x64x64xf32, #tpu.memory_space<vmem>>, vector<1x1x16xf32>,
        %add3A_715 = arith.constant 6 : i32
        %add3A_716 = arith.addi %mul3A_308, %add3A_715 : i32
        %get3A_717 = arith.constant 2 : i32
        %get3A_718 = arith.index_cast %get3A_717 : i32 to index
        %get3A_719 = arith.index_cast %add3A_716 : i32 to index
        %get3A_720 = arith.constant 0 : index
        %get3A_721 = tpu.vector_load %arg6[%get3A_718, %get3A_719, %get3A_720] {strides = array<i32>} : memref<4x64x128xf32, #tpu.memory_space<vmem>>, vector<1x1x16xf32>,
        %get3A_722 = vector.shape_cast %get3A_721 : vector<1x1x16xf32> to vector<16xf32>
        %add3A_723 = arith.constant 6 : i32
        %add3A_724 = arith.addi %mul3A_308, %add3A_723 : i32
        %swap3A_725 = arith.constant 2 : i32
        %swap3A_726 = arith.index_cast %swap3A_725 : i32 to index
        %swap3A_727 = arith.index_cast %add3A_724 : i32 to index
        %swap3A_728 = arith.constant 0 : index
        %swap3A_729 = tpu.vector_load %arg7[%swap3A_726, %swap3A_727, %swap3A_728] {strides = array<i32>} : memref<4x64x64xf32, #tpu.memory_space<vmem>>, vector<1x1x16xf32>,
        %swap3A_730 = vector.shape_cast %swap3A_729 : vector<1x1x16xf32> to vector<16xf32>
        %swap3A_731 = vector.shape_cast %get3A_722 : vector<16xf32> to vector<1x1x16xf32>
        tpu.vector_store %arg7[%swap3A_726, %swap3A_727, %swap3A_728], %swap3A_731 {strides = array<i32>} : memref<4x64x64xf32, #tpu.memory_space<vmem>>, vector<1x1x16xf32>,
        %add3A_732 = arith.constant 6 : i32
        %add3A_733 = arith.addi %mul3A_308, %add3A_732 : i32
        %get3A_734 = arith.constant 2 : i32
        %get3A_735 = arith.index_cast %get3A_734 : i32 to index
        %get3A_736 = arith.index_cast %add3A_733 : i32 to index
        %get3A_737 = arith.constant 16 : index
        %get3A_738 = tpu.vector_load %arg6[%get3A_735, %get3A_736, %get3A_737] {strides = array<i32>} : memref<4x64x128xf32, #tpu.memory_space<vmem>>, vector<1x1x16xf32>,
        %get3A_739 = vector.shape_cast %get3A_738 : vector<1x1x16xf32> to vector<16xf32>
        %add3A_740 = arith.constant 6 : i32
        %add3A_741 = arith.addi %mul3A_308, %add3A_740 : i32
        %swap3A_742 = arith.constant 2 : i32
        %swap3A_743 = arith.index_cast %swap3A_742 : i32 to index
        %swap3A_744 = arith.index_cast %add3A_741 : i32 to index
        %swap3A_745 = arith.constant 16 : index
        %swap3A_746 = tpu.vector_load %arg7[%swap3A_743, %swap3A_744, %swap3A_745] {strides = array<i32>} : memref<4x64x64xf32, #tpu.memory_space<vmem>>, vector<1x1x16xf32>,
        %swap3A_747 = vector.shape_cast %swap3A_746 : vector<1x1x16xf32> to vector<16xf32>
        %swap3A_748 = vector.shape_cast %get3A_739 : vector<16xf32> to vector<1x1x16xf32>
        tpu.vector_store %arg7[%swap3A_743, %swap3A_744, %swap3A_745], %swap3A_748 {strides = array<i32>} : memref<4x64x64xf32, #tpu.memory_space<vmem>>, vector<1x1x16xf32>,
        %add3A_749 = arith.constant 6 : i32
        %add3A_750 = arith.addi %mul3A_308, %add3A_749 : i32
        %get3A_751 = arith.constant 2 : i32
        %get3A_752 = arith.index_cast %get3A_751 : i32 to index
        %get3A_753 = arith.index_cast %add3A_750 : i32 to index
        %get3A_754 = arith.constant 32 : index
        %get3A_755 = tpu.vector_load %arg6[%get3A_752, %get3A_753, %get3A_754] {strides = array<i32>} : memref<4x64x128xf32, #tpu.memory_space<vmem>>, vector<1x1x16xf32>,
        %get3A_756 = vector.shape_cast %get3A_755 : vector<1x1x16xf32> to vector<16xf32>
        %add3A_757 = arith.constant 6 : i32
        %add3A_758 = arith.addi %mul3A_308, %add3A_757 : i32
        %swap3A_759 = arith.constant 2 : i32
        %swap3A_760 = arith.index_cast %swap3A_759 : i32 to index
        %swap3A_761 = arith.index_cast %add3A_758 : i32 to index
        %swap3A_762 = arith.constant 32 : index
        %swap3A_763 = tpu.vector_load %arg7[%swap3A_760, %swap3A_761, %swap3A_762] {strides = array<i32>} : memref<4x64x64xf32, #tpu.memory_space<vmem>>, vector<1x1x16xf32>,
        %swap3A_764 = vector.shape_cast %swap3A_763 : vector<1x1x16xf32> to vector<16xf32>
        %swap3A_765 = vector.shape_cast %get3A_756 : vector<16xf32> to vector<1x1x16xf32>
        tpu.vector_store %arg7[%swap3A_760, %swap3A_761, %swap3A_762], %swap3A_765 {strides = array<i32>} : memref<4x64x64xf32, #tpu.memory_space<vmem>>, vector<1x1x16xf32>,
        %add3A_766 = arith.constant 6 : i32
        %add3A_767 = arith.addi %mul3A_308, %add3A_766 : i32
        %get3A_768 = arith.constant 2 : i32
        %get3A_769 = arith.index_cast %get3A_768 : i32 to index
        %get3A_770 = arith.index_cast %add3A_767 : i32 to index
        %get3A_771 = arith.constant 48 : index
        %get3A_772 = tpu.vector_load %arg6[%get3A_769, %get3A_770, %get3A_771] {strides = array<i32>} : memref<4x64x128xf32, #tpu.memory_space<vmem>>, vector<1x1x16xf32>,
        %get3A_773 = vector.shape_cast %get3A_772 : vector<1x1x16xf32> to vector<16xf32>
        %add3A_774 = arith.constant 6 : i32
        %add3A_775 = arith.addi %mul3A_308, %add3A_774 : i32
        %swap3A_776 = arith.constant 2 : i32
        %swap3A_777 = arith.index_cast %swap3A_776 : i32 to index
        %swap3A_778 = arith.index_cast %add3A_775 : i32 to index
        %swap3A_779 = arith.constant 48 : index
        %swap3A_780 = tpu.vector_load %arg7[%swap3A_777, %swap3A_778, %swap3A_779] {strides = array<i32>} : memref<4x64x64xf32, #tpu.memory_space<vmem>>, vector<1x1x16xf32>,
        %swap3A_781 = vector.shape_cast %swap3A_780 : vector<1x1x16xf32> to vector<16xf32>
        %swap3A_782 = vector.shape_cast %get3A_773 : vector<16xf32> to vector<1x1x16xf32>
        tpu.vector_store %arg7[%swap3A_777, %swap3A_778, %swap3A_779], %swap3A_782 {strides = array<i32>} : memref<4x64x64xf32, #tpu.memory_space<vmem>>, vector<1x1x16xf32>,
        %add3A_783 = arith.constant 7 : i32
        %add3A_784 = arith.addi %mul3A_308, %add3A_783 : i32
        %get3A_785 = arith.constant 2 : i32
        %get3A_786 = arith.index_cast %get3A_785 : i32 to index
        %get3A_787 = arith.index_cast %add3A_784 : i32 to index
        %get3A_788 = arith.constant 0 : index
        %get3A_789 = tpu.vector_load %arg6[%get3A_786, %get3A_787, %get3A_788] {strides = array<i32>} : memref<4x64x128xf32, #tpu.memory_space<vmem>>, vector<1x1x16xf32>,
        %get3A_790 = vector.shape_cast %get3A_789 : vector<1x1x16xf32> to vector<16xf32>
        %add3A_791 = arith.constant 7 : i32
        %add3A_792 = arith.addi %mul3A_308, %add3A_791 : i32
        %swap3A_793 = arith.constant 2 : i32
        %swap3A_794 = arith.index_cast %swap3A_793 : i32 to index
        %swap3A_795 = arith.index_cast %add3A_792 : i32 to index
        %swap3A_796 = arith.constant 0 : index
        %swap3A_797 = tpu.vector_load %arg7[%swap3A_794, %swap3A_795, %swap3A_796] {strides = array<i32>} : memref<4x64x64xf32, #tpu.memory_space<vmem>>, vector<1x1x16xf32>,
        %swap3A_798 = vector.shape_cast %swap3A_797 : vector<1x1x16xf32> to vector<16xf32>
        %swap3A_799 = vector.shape_cast %get3A_790 : vector<16xf32> to vector<1x1x16xf32>
        tpu.vector_store %arg7[%swap3A_794, %swap3A_795, %swap3A_796], %swap3A_799 {strides = array<i32>} : memref<4x64x64xf32, #tpu.memory_space<vmem>>, vector<1x1x16xf32>,
        %add3A_800 = arith.constant 7 : i32
        %add3A_801 = arith.addi %mul3A_308, %add3A_800 : i32
        %get3A_802 = arith.constant 2 : i32
        %get3A_803 = arith.index_cast %get3A_802 : i32 to index
        %get3A_804 = arith.index_cast %add3A_801 : i32 to index
        %get3A_805 = arith.constant 16 : index
        %get3A_806 = tpu.vector_load %arg6[%get3A_803, %get3A_804, %get3A_805] {strides = array<i32>} : memref<4x64x128xf32, #tpu.memory_space<vmem>>, vector<1x1x16xf32>,
        %get3A_807 = vector.shape_cast %get3A_806 : vector<1x1x16xf32> to vector<16xf32>
        %add3A_808 = arith.constant 7 : i32
        %add3A_809 = arith.addi %mul3A_308, %add3A_808 : i32
        %swap3A_810 = arith.constant 2 : i32
        %swap3A_811 = arith.index_cast %swap3A_810 : i32 to index
        %swap3A_812 = arith.index_cast %add3A_809 : i32 to index
        %swap3A_813 = arith.constant 16 : index
        %swap3A_814 = tpu.vector_load %arg7[%swap3A_811, %swap3A_812, %swap3A_813] {strides = array<i32>} : memref<4x64x64xf32, #tpu.memory_space<vmem>>, vector<1x1x16xf32>,
        %swap3A_815 = vector.shape_cast %swap3A_814 : vector<1x1x16xf32> to vector<16xf32>
        %swap3A_816 = vector.shape_cast %get3A_807 : vector<16xf32> to vector<1x1x16xf32>
        tpu.vector_store %arg7[%swap3A_811, %swap3A_812, %swap3A_813], %swap3A_816 {strides = array<i32>} : memref<4x64x64xf32, #tpu.memory_space<vmem>>, vector<1x1x16xf32>,
        %add3A_817 = arith.constant 7 : i32
        %add3A_818 = arith.addi %mul3A_308, %add3A_817 : i32
        %get3A_819 = arith.constant 2 : i32
        %get3A_820 = arith.index_cast %get3A_819 : i32 to index
        %get3A_821 = arith.index_cast %add3A_818 : i32 to index
        %get3A_822 = arith.constant 32 : index
        %get3A_823 = tpu.vector_load %arg6[%get3A_820, %get3A_821, %get3A_822] {strides = array<i32>} : memref<4x64x128xf32, #tpu.memory_space<vmem>>, vector<1x1x16xf32>,
        %get3A_824 = vector.shape_cast %get3A_823 : vector<1x1x16xf32> to vector<16xf32>
        %add3A_825 = arith.constant 7 : i32
        %add3A_826 = arith.addi %mul3A_308, %add3A_825 : i32
        %swap3A_827 = arith.constant 2 : i32
        %swap3A_828 = arith.index_cast %swap3A_827 : i32 to index
        %swap3A_829 = arith.index_cast %add3A_826 : i32 to index
        %swap3A_830 = arith.constant 32 : index
        %swap3A_831 = tpu.vector_load %arg7[%swap3A_828, %swap3A_829, %swap3A_830] {strides = array<i32>} : memref<4x64x64xf32, #tpu.memory_space<vmem>>, vector<1x1x16xf32>,
        %swap3A_832 = vector.shape_cast %swap3A_831 : vector<1x1x16xf32> to vector<16xf32>
        %swap3A_833 = vector.shape_cast %get3A_824 : vector<16xf32> to vector<1x1x16xf32>
        tpu.vector_store %arg7[%swap3A_828, %swap3A_829, %swap3A_830], %swap3A_833 {strides = array<i32>} : memref<4x64x64xf32, #tpu.memory_space<vmem>>, vector<1x1x16xf32>,
        %add3A_834 = arith.constant 7 : i32
        %add3A_835 = arith.addi %mul3A_308, %add3A_834 : i32
        %get3A_836 = arith.constant 2 : i32
        %get3A_837 = arith.index_cast %get3A_836 : i32 to index
        %get3A_838 = arith.index_cast %add3A_835 : i32 to index
        %get3A_839 = arith.constant 48 : index
        %get3A_840 = tpu.vector_load %arg6[%get3A_837, %get3A_838, %get3A_839] {strides = array<i32>} : memref<4x64x128xf32, #tpu.memory_space<vmem>>, vector<1x1x16xf32>,
        %get3A_841 = vector.shape_cast %get3A_840 : vector<1x1x16xf32> to vector<16xf32>
        %add3A_842 = arith.constant 7 : i32
        %add3A_843 = arith.addi %mul3A_308, %add3A_842 : i32
        %swap3A_844 = arith.constant 2 : i32
        %swap3A_845 = arith.index_cast %swap3A_844 : i32 to index
        %swap3A_846 = arith.index_cast %add3A_843 : i32 to index
        %swap3A_847 = arith.constant 48 : index
        %swap3A_848 = tpu.vector_load %arg7[%swap3A_845, %swap3A_846, %swap3A_847] {strides = array<i32>} : memref<4x64x64xf32, #tpu.memory_space<vmem>>, vector<1x1x16xf32>,
        %swap3A_849 = vector.shape_cast %swap3A_848 : vector<1x1x16xf32> to vector<16xf32>
        %swap3A_850 = vector.shape_cast %get3A_841 : vector<16xf32> to vector<1x1x16xf32>
        tpu.vector_store %arg7[%swap3A_845, %swap3A_846, %swap3A_847], %swap3A_850 {strides = array<i32>} : memref<4x64x64xf32, #tpu.memory_space<vmem>>, vector<1x1x16xf32>,
      }
      %scan3A_215 = arith.constant 8 : i32
      %add3A_216 = arith.constant 2 : i32
      %add3A_217 = arith.addi %mul3A_116, %add3A_216 : i32
      %add3A_218 = arith.addi %mul3A_2, %add3A_217 : i32
      %mul3A_219 = arith.constant 64 : i32
      %mul3A_220 = arith.muli %add3A_218, %mul3A_219 : i32
      %dma_start3A_221 = arith.constant 2 : i32
      %dma_start3A_222 = arith.constant 0 : i32
      %dma_start3A_223 = arith.constant 0 : i32
      %dma_start3A_224 = tpu.memref_slice %arg7[%dma_start3A_221, %dma_start3A_222, %dma_start3A_223] : memref<4x64x64xf32, #tpu.memory_space<vmem>> -> memref<1x64x64xf32, #tpu.memory_space<vmem>>
      %dma_start3A_225 = tpu.memref_squeeze %dma_start3A_224 : memref<1x64x64xf32, #tpu.memory_space<vmem>> -> memref<64x64xf32, #tpu.memory_space<vmem>>
      %dma_start3A_226 = arith.constant 0 : i32
      %dma_start3A_227 = tpu.memref_slice %arg4[%mul3A_220, %dma_start3A_226] : memref<819200x64xf32, #tpu.memory_space<hbm>> -> memref<64x64xf32, #tpu.memory_space<hbm>>
      %dma_start3A_228 = arith.constant 0 : i32
      %dma_start3A_229 = tpu.memref_slice %arg4[%mul3A_220, %dma_start3A_228] : memref<819200x64xf32, #tpu.memory_space<hbm>> -> memref<64x64xf32, #tpu.memory_space<hbm>>
      %dma_start3A_230 = arith.constant 0 : i32
      %dma_start3A_231 = arith.constant 0 : i32
      %dma_start3A_232 = tpu.memref_slice %arg7[%dma_start3A_221, %dma_start3A_230, %dma_start3A_231] : memref<4x64x64xf32, #tpu.memory_space<vmem>> -> memref<1x64x64xf32, #tpu.memory_space<vmem>>
      %dma_start3A_233 = tpu.memref_squeeze %dma_start3A_232 : memref<1x64x64xf32, #tpu.memory_space<vmem>> -> memref<64x64xf32, #tpu.memory_space<vmem>>
      tpu.enqueue_dma source(%dma_start3A_233 : memref<64x64xf32, #tpu.memory_space<vmem>>) target(%dma_start3A_229 : memref<64x64xf32, #tpu.memory_space<hbm>>) target_semaphore(%arg14 : memref<!tpu.dma_semaphore, #tpu.memory_space<semaphore_mem>>)
      %dma_wait3A_234 = arith.constant 3 : i32
      %dma_wait3A_235 = arith.constant 0 : i32
      %dma_wait3A_236 = arith.constant 0 : i32
      %dma_wait3A_237 = tpu.memref_slice %arg6[%dma_wait3A_234, %dma_wait3A_235, %dma_wait3A_236] : memref<4x64x128xf32, #tpu.memory_space<vmem>> -> memref<1x64x128xf32, #tpu.memory_space<vmem>>
      %dma_wait3A_238 = tpu.memref_squeeze %dma_wait3A_237 : memref<1x64x128xf32, #tpu.memory_space<vmem>> -> memref<64x128xf32, #tpu.memory_space<vmem>>
      %dma_wait3A_239 = arith.constant 0 : i32
      %dma_wait3A_240 = arith.constant 0 : i32
      %dma_wait3A_241 = tpu.memref_slice %arg3[%dma_wait3A_239, %dma_wait3A_240] : memref<1000000x128xf32, #tpu.memory_space<hbm>> -> memref<64x128xf32, #tpu.memory_space<hbm>>
      %dma_wait3A_242 = arith.constant 0 : i32
      %dma_wait3A_243 = arith.constant 0 : i32
      %dma_wait3A_244 = tpu.memref_slice %arg6[%dma_wait3A_234, %dma_wait3A_242, %dma_wait3A_243] : memref<4x64x128xf32, #tpu.memory_space<vmem>> -> memref<1x64x128xf32, #tpu.memory_space<vmem>>
      %dma_wait3A_245 = tpu.memref_squeeze %dma_wait3A_244 : memref<1x64x128xf32, #tpu.memory_space<vmem>> -> memref<64x128xf32, #tpu.memory_space<vmem>>
      %dma_wait3A_246 = arith.constant 0 : i32
      %dma_wait3A_247 = arith.constant 0 : i32
      %dma_wait3A_248 = tpu.memref_slice %arg3[%dma_wait3A_246, %dma_wait3A_247] : memref<1000000x128xf32, #tpu.memory_space<hbm>> -> memref<64x128xf32, #tpu.memory_space<hbm>>
      tpu.wait_dma2 semaphore(%arg11 : memref<!tpu.dma_semaphore, #tpu.memory_space<semaphore_mem>>) src(%dma_wait3A_248 : memref<64x128xf32, #tpu.memory_space<hbm>>) dst(%dma_wait3A_245 : memref<64x128xf32, #tpu.memory_space<vmem>>)
      %scan3A_249 = arith.constant 0 : i32
      %scan3A_250 = arith.constant 0 : i32
      %scan3A_251 = arith.constant 8 : i32
      %scan3A_252 = arith.addi %scan3A_250, %scan3A_251 : i32
      %scan3A_253 = arith.constant 1 : i32
      scf.for %scan3A_306 = %scan3A_250 to %scan3A_252 step %scan3A_253  : i32 {
        %mul3A_307 = arith.constant 8 : i32
        %mul3A_308 = arith.muli %scan3A_306, %mul3A_307 : i32
        %add3A_309 = arith.constant 0 : i32
        %add3A_310 = arith.addi %mul3A_308, %add3A_309 : i32
        %get3A = arith.constant 3 : i32
        %get3A_311 = arith.index_cast %get3A : i32 to index
        %get3A_312 = arith.index_cast %add3A_310 : i32 to index
        %get3A_313 = arith.constant 0 : index
        %get3A_314 = tpu.vector_load %arg6[%get3A_311, %get3A_312, %get3A_313] {strides = array<i32>} : memref<4x64x128xf32, #tpu.memory_space<vmem>>, vector<1x1x16xf32>,
        %get3A_315 = vector.shape_cast %get3A_314 : vector<1x1x16xf32> to vector<16xf32>
        %add3A_316 = arith.constant 0 : i32
        %add3A_317 = arith.addi %mul3A_308, %add3A_316 : i32
        %swap3A = arith.constant 3 : i32
        %swap3A_318 = arith.index_cast %swap3A : i32 to index
        %swap3A_319 = arith.index_cast %add3A_317 : i32 to index
        %swap3A_320 = arith.constant 0 : index
        %swap3A_321 = tpu.vector_load %arg7[%swap3A_318, %swap3A_319, %swap3A_320] {strides = array<i32>} : memref<4x64x64xf32, #tpu.memory_space<vmem>>, vector<1x1x16xf32>,
        %swap3A_322 = vector.shape_cast %swap3A_321 : vector<1x1x16xf32> to vector<16xf32>
        %swap3A_323 = vector.shape_cast %get3A_315 : vector<16xf32> to vector<1x1x16xf32>
        tpu.vector_store %arg7[%swap3A_318, %swap3A_319, %swap3A_320], %swap3A_323 {strides = array<i32>} : memref<4x64x64xf32, #tpu.memory_space<vmem>>, vector<1x1x16xf32>,
        %add3A_324 = arith.constant 0 : i32
        %add3A_325 = arith.addi %mul3A_308, %add3A_324 : i32
        %get3A_326 = arith.constant 3 : i32
        %get3A_327 = arith.index_cast %get3A_326 : i32 to index
        %get3A_328 = arith.index_cast %add3A_325 : i32 to index
        %get3A_329 = arith.constant 16 : index
        %get3A_330 = tpu.vector_load %arg6[%get3A_327, %get3A_328, %get3A_329] {strides = array<i32>} : memref<4x64x128xf32, #tpu.memory_space<vmem>>, vector<1x1x16xf32>,
        %get3A_331 = vector.shape_cast %get3A_330 : vector<1x1x16xf32> to vector<16xf32>
        %add3A_332 = arith.constant 0 : i32
        %add3A_333 = arith.addi %mul3A_308, %add3A_332 : i32
        %swap3A_334 = arith.constant 3 : i32
        %swap3A_335 = arith.index_cast %swap3A_334 : i32 to index
        %swap3A_336 = arith.index_cast %add3A_333 : i32 to index
        %swap3A_337 = arith.constant 16 : index
        %swap3A_338 = tpu.vector_load %arg7[%swap3A_335, %swap3A_336, %swap3A_337] {strides = array<i32>} : memref<4x64x64xf32, #tpu.memory_space<vmem>>, vector<1x1x16xf32>,
        %swap3A_339 = vector.shape_cast %swap3A_338 : vector<1x1x16xf32> to vector<16xf32>
        %swap3A_340 = vector.shape_cast %get3A_331 : vector<16xf32> to vector<1x1x16xf32>
        tpu.vector_store %arg7[%swap3A_335, %swap3A_336, %swap3A_337], %swap3A_340 {strides = array<i32>} : memref<4x64x64xf32, #tpu.memory_space<vmem>>, vector<1x1x16xf32>,
        %add3A_341 = arith.constant 0 : i32
        %add3A_342 = arith.addi %mul3A_308, %add3A_341 : i32
        %get3A_343 = arith.constant 3 : i32
        %get3A_344 = arith.index_cast %get3A_343 : i32 to index
        %get3A_345 = arith.index_cast %add3A_342 : i32 to index
        %get3A_346 = arith.constant 32 : index
        %get3A_347 = tpu.vector_load %arg6[%get3A_344, %get3A_345, %get3A_346] {strides = array<i32>} : memref<4x64x128xf32, #tpu.memory_space<vmem>>, vector<1x1x16xf32>,
        %get3A_348 = vector.shape_cast %get3A_347 : vector<1x1x16xf32> to vector<16xf32>
        %add3A_349 = arith.constant 0 : i32
        %add3A_350 = arith.addi %mul3A_308, %add3A_349 : i32
        %swap3A_351 = arith.constant 3 : i32
        %swap3A_352 = arith.index_cast %swap3A_351 : i32 to index
        %swap3A_353 = arith.index_cast %add3A_350 : i32 to index
        %swap3A_354 = arith.constant 32 : index
        %swap3A_355 = tpu.vector_load %arg7[%swap3A_352, %swap3A_353, %swap3A_354] {strides = array<i32>} : memref<4x64x64xf32, #tpu.memory_space<vmem>>, vector<1x1x16xf32>,
        %swap3A_356 = vector.shape_cast %swap3A_355 : vector<1x1x16xf32> to vector<16xf32>
        %swap3A_357 = vector.shape_cast %get3A_348 : vector<16xf32> to vector<1x1x16xf32>
        tpu.vector_store %arg7[%swap3A_352, %swap3A_353, %swap3A_354], %swap3A_357 {strides = array<i32>} : memref<4x64x64xf32, #tpu.memory_space<vmem>>, vector<1x1x16xf32>,
        %add3A_358 = arith.constant 0 : i32
        %add3A_359 = arith.addi %mul3A_308, %add3A_358 : i32
        %get3A_360 = arith.constant 3 : i32
        %get3A_361 = arith.index_cast %get3A_360 : i32 to index
        %get3A_362 = arith.index_cast %add3A_359 : i32 to index
        %get3A_363 = arith.constant 48 : index
        %get3A_364 = tpu.vector_load %arg6[%get3A_361, %get3A_362, %get3A_363] {strides = array<i32>} : memref<4x64x128xf32, #tpu.memory_space<vmem>>, vector<1x1x16xf32>,
        %get3A_365 = vector.shape_cast %get3A_364 : vector<1x1x16xf32> to vector<16xf32>
        %add3A_366 = arith.constant 0 : i32
        %add3A_367 = arith.addi %mul3A_308, %add3A_366 : i32
        %swap3A_368 = arith.constant 3 : i32
        %swap3A_369 = arith.index_cast %swap3A_368 : i32 to index
        %swap3A_370 = arith.index_cast %add3A_367 : i32 to index
        %swap3A_371 = arith.constant 48 : index
        %swap3A_372 = tpu.vector_load %arg7[%swap3A_369, %swap3A_370, %swap3A_371] {strides = array<i32>} : memref<4x64x64xf32, #tpu.memory_space<vmem>>, vector<1x1x16xf32>,
        %swap3A_373 = vector.shape_cast %swap3A_372 : vector<1x1x16xf32> to vector<16xf32>
        %swap3A_374 = vector.shape_cast %get3A_365 : vector<16xf32> to vector<1x1x16xf32>
        tpu.vector_store %arg7[%swap3A_369, %swap3A_370, %swap3A_371], %swap3A_374 {strides = array<i32>} : memref<4x64x64xf32, #tpu.memory_space<vmem>>, vector<1x1x16xf32>,
        %add3A_375 = arith.constant 1 : i32
        %add3A_376 = arith.addi %mul3A_308, %add3A_375 : i32
        %get3A_377 = arith.constant 3 : i32
        %get3A_378 = arith.index_cast %get3A_377 : i32 to index
        %get3A_379 = arith.index_cast %add3A_376 : i32 to index
        %get3A_380 = arith.constant 0 : index
        %get3A_381 = tpu.vector_load %arg6[%get3A_378, %get3A_379, %get3A_380] {strides = array<i32>} : memref<4x64x128xf32, #tpu.memory_space<vmem>>, vector<1x1x16xf32>,
        %get3A_382 = vector.shape_cast %get3A_381 : vector<1x1x16xf32> to vector<16xf32>
        %add3A_383 = arith.constant 1 : i32
        %add3A_384 = arith.addi %mul3A_308, %add3A_383 : i32
        %swap3A_385 = arith.constant 3 : i32
        %swap3A_386 = arith.index_cast %swap3A_385 : i32 to index
        %swap3A_387 = arith.index_cast %add3A_384 : i32 to index
        %swap3A_388 = arith.constant 0 : index
        %swap3A_389 = tpu.vector_load %arg7[%swap3A_386, %swap3A_387, %swap3A_388] {strides = array<i32>} : memref<4x64x64xf32, #tpu.memory_space<vmem>>, vector<1x1x16xf32>,
        %swap3A_390 = vector.shape_cast %swap3A_389 : vector<1x1x16xf32> to vector<16xf32>
        %swap3A_391 = vector.shape_cast %get3A_382 : vector<16xf32> to vector<1x1x16xf32>
        tpu.vector_store %arg7[%swap3A_386, %swap3A_387, %swap3A_388], %swap3A_391 {strides = array<i32>} : memref<4x64x64xf32, #tpu.memory_space<vmem>>, vector<1x1x16xf32>,
        %add3A_392 = arith.constant 1 : i32
        %add3A_393 = arith.addi %mul3A_308, %add3A_392 : i32
        %get3A_394 = arith.constant 3 : i32
        %get3A_395 = arith.index_cast %get3A_394 : i32 to index
        %get3A_396 = arith.index_cast %add3A_393 : i32 to index
        %get3A_397 = arith.constant 16 : index
        %get3A_398 = tpu.vector_load %arg6[%get3A_395, %get3A_396, %get3A_397] {strides = array<i32>} : memref<4x64x128xf32, #tpu.memory_space<vmem>>, vector<1x1x16xf32>,
        %get3A_399 = vector.shape_cast %get3A_398 : vector<1x1x16xf32> to vector<16xf32>
        %add3A_400 = arith.constant 1 : i32
        %add3A_401 = arith.addi %mul3A_308, %add3A_400 : i32
        %swap3A_402 = arith.constant 3 : i32
        %swap3A_403 = arith.index_cast %swap3A_402 : i32 to index
        %swap3A_404 = arith.index_cast %add3A_401 : i32 to index
        %swap3A_405 = arith.constant 16 : index
        %swap3A_406 = tpu.vector_load %arg7[%swap3A_403, %swap3A_404, %swap3A_405] {strides = array<i32>} : memref<4x64x64xf32, #tpu.memory_space<vmem>>, vector<1x1x16xf32>,
        %swap3A_407 = vector.shape_cast %swap3A_406 : vector<1x1x16xf32> to vector<16xf32>
        %swap3A_408 = vector.shape_cast %get3A_399 : vector<16xf32> to vector<1x1x16xf32>
        tpu.vector_store %arg7[%swap3A_403, %swap3A_404, %swap3A_405], %swap3A_408 {strides = array<i32>} : memref<4x64x64xf32, #tpu.memory_space<vmem>>, vector<1x1x16xf32>,
        %add3A_409 = arith.constant 1 : i32
        %add3A_410 = arith.addi %mul3A_308, %add3A_409 : i32
        %get3A_411 = arith.constant 3 : i32
        %get3A_412 = arith.index_cast %get3A_411 : i32 to index
        %get3A_413 = arith.index_cast %add3A_410 : i32 to index
        %get3A_414 = arith.constant 32 : index
        %get3A_415 = tpu.vector_load %arg6[%get3A_412, %get3A_413, %get3A_414] {strides = array<i32>} : memref<4x64x128xf32, #tpu.memory_space<vmem>>, vector<1x1x16xf32>,
        %get3A_416 = vector.shape_cast %get3A_415 : vector<1x1x16xf32> to vector<16xf32>
        %add3A_417 = arith.constant 1 : i32
        %add3A_418 = arith.addi %mul3A_308, %add3A_417 : i32
        %swap3A_419 = arith.constant 3 : i32
        %swap3A_420 = arith.index_cast %swap3A_419 : i32 to index
        %swap3A_421 = arith.index_cast %add3A_418 : i32 to index
        %swap3A_422 = arith.constant 32 : index
        %swap3A_423 = tpu.vector_load %arg7[%swap3A_420, %swap3A_421, %swap3A_422] {strides = array<i32>} : memref<4x64x64xf32, #tpu.memory_space<vmem>>, vector<1x1x16xf32>,
        %swap3A_424 = vector.shape_cast %swap3A_423 : vector<1x1x16xf32> to vector<16xf32>
        %swap3A_425 = vector.shape_cast %get3A_416 : vector<16xf32> to vector<1x1x16xf32>
        tpu.vector_store %arg7[%swap3A_420, %swap3A_421, %swap3A_422], %swap3A_425 {strides = array<i32>} : memref<4x64x64xf32, #tpu.memory_space<vmem>>, vector<1x1x16xf32>,
        %add3A_426 = arith.constant 1 : i32
        %add3A_427 = arith.addi %mul3A_308, %add3A_426 : i32
        %get3A_428 = arith.constant 3 : i32
        %get3A_429 = arith.index_cast %get3A_428 : i32 to index
        %get3A_430 = arith.index_cast %add3A_427 : i32 to index
        %get3A_431 = arith.constant 48 : index
        %get3A_432 = tpu.vector_load %arg6[%get3A_429, %get3A_430, %get3A_431] {strides = array<i32>} : memref<4x64x128xf32, #tpu.memory_space<vmem>>, vector<1x1x16xf32>,
        %get3A_433 = vector.shape_cast %get3A_432 : vector<1x1x16xf32> to vector<16xf32>
        %add3A_434 = arith.constant 1 : i32
        %add3A_435 = arith.addi %mul3A_308, %add3A_434 : i32
        %swap3A_436 = arith.constant 3 : i32
        %swap3A_437 = arith.index_cast %swap3A_436 : i32 to index
        %swap3A_438 = arith.index_cast %add3A_435 : i32 to index
        %swap3A_439 = arith.constant 48 : index
        %swap3A_440 = tpu.vector_load %arg7[%swap3A_437, %swap3A_438, %swap3A_439] {strides = array<i32>} : memref<4x64x64xf32, #tpu.memory_space<vmem>>, vector<1x1x16xf32>,
        %swap3A_441 = vector.shape_cast %swap3A_440 : vector<1x1x16xf32> to vector<16xf32>
        %swap3A_442 = vector.shape_cast %get3A_433 : vector<16xf32> to vector<1x1x16xf32>
        tpu.vector_store %arg7[%swap3A_437, %swap3A_438, %swap3A_439], %swap3A_442 {strides = array<i32>} : memref<4x64x64xf32, #tpu.memory_space<vmem>>, vector<1x1x16xf32>,
        %add3A_443 = arith.constant 2 : i32
        %add3A_444 = arith.addi %mul3A_308, %add3A_443 : i32
        %get3A_445 = arith.constant 3 : i32
        %get3A_446 = arith.index_cast %get3A_445 : i32 to index
        %get3A_447 = arith.index_cast %add3A_444 : i32 to index
        %get3A_448 = arith.constant 0 : index
        %get3A_449 = tpu.vector_load %arg6[%get3A_446, %get3A_447, %get3A_448] {strides = array<i32>} : memref<4x64x128xf32, #tpu.memory_space<vmem>>, vector<1x1x16xf32>,
        %get3A_450 = vector.shape_cast %get3A_449 : vector<1x1x16xf32> to vector<16xf32>
        %add3A_451 = arith.constant 2 : i32
        %add3A_452 = arith.addi %mul3A_308, %add3A_451 : i32
        %swap3A_453 = arith.constant 3 : i32
        %swap3A_454 = arith.index_cast %swap3A_453 : i32 to index
        %swap3A_455 = arith.index_cast %add3A_452 : i32 to index
        %swap3A_456 = arith.constant 0 : index
        %swap3A_457 = tpu.vector_load %arg7[%swap3A_454, %swap3A_455, %swap3A_456] {strides = array<i32>} : memref<4x64x64xf32, #tpu.memory_space<vmem>>, vector<1x1x16xf32>,
        %swap3A_458 = vector.shape_cast %swap3A_457 : vector<1x1x16xf32> to vector<16xf32>
        %swap3A_459 = vector.shape_cast %get3A_450 : vector<16xf32> to vector<1x1x16xf32>
        tpu.vector_store %arg7[%swap3A_454, %swap3A_455, %swap3A_456], %swap3A_459 {strides = array<i32>} : memref<4x64x64xf32, #tpu.memory_space<vmem>>, vector<1x1x16xf32>,
        %add3A_460 = arith.constant 2 : i32
        %add3A_461 = arith.addi %mul3A_308, %add3A_460 : i32
        %get3A_462 = arith.constant 3 : i32
        %get3A_463 = arith.index_cast %get3A_462 : i32 to index
        %get3A_464 = arith.index_cast %add3A_461 : i32 to index
        %get3A_465 = arith.constant 16 : index
        %get3A_466 = tpu.vector_load %arg6[%get3A_463, %get3A_464, %get3A_465] {strides = array<i32>} : memref<4x64x128xf32, #tpu.memory_space<vmem>>, vector<1x1x16xf32>,
        %get3A_467 = vector.shape_cast %get3A_466 : vector<1x1x16xf32> to vector<16xf32>
        %add3A_468 = arith.constant 2 : i32
        %add3A_469 = arith.addi %mul3A_308, %add3A_468 : i32
        %swap3A_470 = arith.constant 3 : i32
        %swap3A_471 = arith.index_cast %swap3A_470 : i32 to index
        %swap3A_472 = arith.index_cast %add3A_469 : i32 to index
        %swap3A_473 = arith.constant 16 : index
        %swap3A_474 = tpu.vector_load %arg7[%swap3A_471, %swap3A_472, %swap3A_473] {strides = array<i32>} : memref<4x64x64xf32, #tpu.memory_space<vmem>>, vector<1x1x16xf32>,
        %swap3A_475 = vector.shape_cast %swap3A_474 : vector<1x1x16xf32> to vector<16xf32>
        %swap3A_476 = vector.shape_cast %get3A_467 : vector<16xf32> to vector<1x1x16xf32>
        tpu.vector_store %arg7[%swap3A_471, %swap3A_472, %swap3A_473], %swap3A_476 {strides = array<i32>} : memref<4x64x64xf32, #tpu.memory_space<vmem>>, vector<1x1x16xf32>,
        %add3A_477 = arith.constant 2 : i32
        %add3A_478 = arith.addi %mul3A_308, %add3A_477 : i32
        %get3A_479 = arith.constant 3 : i32
        %get3A_480 = arith.index_cast %get3A_479 : i32 to index
        %get3A_481 = arith.index_cast %add3A_478 : i32 to index
        %get3A_482 = arith.constant 32 : index
        %get3A_483 = tpu.vector_load %arg6[%get3A_480, %get3A_481, %get3A_482] {strides = array<i32>} : memref<4x64x128xf32, #tpu.memory_space<vmem>>, vector<1x1x16xf32>,
        %get3A_484 = vector.shape_cast %get3A_483 : vector<1x1x16xf32> to vector<16xf32>
        %add3A_485 = arith.constant 2 : i32
        %add3A_486 = arith.addi %mul3A_308, %add3A_485 : i32
        %swap3A_487 = arith.constant 3 : i32
        %swap3A_488 = arith.index_cast %swap3A_487 : i32 to index
        %swap3A_489 = arith.index_cast %add3A_486 : i32 to index
        %swap3A_490 = arith.constant 32 : index
        %swap3A_491 = tpu.vector_load %arg7[%swap3A_488, %swap3A_489, %swap3A_490] {strides = array<i32>} : memref<4x64x64xf32, #tpu.memory_space<vmem>>, vector<1x1x16xf32>,
        %swap3A_492 = vector.shape_cast %swap3A_491 : vector<1x1x16xf32> to vector<16xf32>
        %swap3A_493 = vector.shape_cast %get3A_484 : vector<16xf32> to vector<1x1x16xf32>
        tpu.vector_store %arg7[%swap3A_488, %swap3A_489, %swap3A_490], %swap3A_493 {strides = array<i32>} : memref<4x64x64xf32, #tpu.memory_space<vmem>>, vector<1x1x16xf32>,
        %add3A_494 = arith.constant 2 : i32
        %add3A_495 = arith.addi %mul3A_308, %add3A_494 : i32
        %get3A_496 = arith.constant 3 : i32
        %get3A_497 = arith.index_cast %get3A_496 : i32 to index
        %get3A_498 = arith.index_cast %add3A_495 : i32 to index
        %get3A_499 = arith.constant 48 : index
        %get3A_500 = tpu.vector_load %arg6[%get3A_497, %get3A_498, %get3A_499] {strides = array<i32>} : memref<4x64x128xf32, #tpu.memory_space<vmem>>, vector<1x1x16xf32>,
        %get3A_501 = vector.shape_cast %get3A_500 : vector<1x1x16xf32> to vector<16xf32>
        %add3A_502 = arith.constant 2 : i32
        %add3A_503 = arith.addi %mul3A_308, %add3A_502 : i32
        %swap3A_504 = arith.constant 3 : i32
        %swap3A_505 = arith.index_cast %swap3A_504 : i32 to index
        %swap3A_506 = arith.index_cast %add3A_503 : i32 to index
        %swap3A_507 = arith.constant 48 : index
        %swap3A_508 = tpu.vector_load %arg7[%swap3A_505, %swap3A_506, %swap3A_507] {strides = array<i32>} : memref<4x64x64xf32, #tpu.memory_space<vmem>>, vector<1x1x16xf32>,
        %swap3A_509 = vector.shape_cast %swap3A_508 : vector<1x1x16xf32> to vector<16xf32>
        %swap3A_510 = vector.shape_cast %get3A_501 : vector<16xf32> to vector<1x1x16xf32>
        tpu.vector_store %arg7[%swap3A_505, %swap3A_506, %swap3A_507], %swap3A_510 {strides = array<i32>} : memref<4x64x64xf32, #tpu.memory_space<vmem>>, vector<1x1x16xf32>,
        %add3A_511 = arith.constant 3 : i32
        %add3A_512 = arith.addi %mul3A_308, %add3A_511 : i32
        %get3A_513 = arith.constant 3 : i32
        %get3A_514 = arith.index_cast %get3A_513 : i32 to index
        %get3A_515 = arith.index_cast %add3A_512 : i32 to index
        %get3A_516 = arith.constant 0 : index
        %get3A_517 = tpu.vector_load %arg6[%get3A_514, %get3A_515, %get3A_516] {strides = array<i32>} : memref<4x64x128xf32, #tpu.memory_space<vmem>>, vector<1x1x16xf32>,
        %get3A_518 = vector.shape_cast %get3A_517 : vector<1x1x16xf32> to vector<16xf32>
        %add3A_519 = arith.constant 3 : i32
        %add3A_520 = arith.addi %mul3A_308, %add3A_519 : i32
        %swap3A_521 = arith.constant 3 : i32
        %swap3A_522 = arith.index_cast %swap3A_521 : i32 to index
        %swap3A_523 = arith.index_cast %add3A_520 : i32 to index
        %swap3A_524 = arith.constant 0 : index
        %swap3A_525 = tpu.vector_load %arg7[%swap3A_522, %swap3A_523, %swap3A_524] {strides = array<i32>} : memref<4x64x64xf32, #tpu.memory_space<vmem>>, vector<1x1x16xf32>,
        %swap3A_526 = vector.shape_cast %swap3A_525 : vector<1x1x16xf32> to vector<16xf32>
        %swap3A_527 = vector.shape_cast %get3A_518 : vector<16xf32> to vector<1x1x16xf32>
        tpu.vector_store %arg7[%swap3A_522, %swap3A_523, %swap3A_524], %swap3A_527 {strides = array<i32>} : memref<4x64x64xf32, #tpu.memory_space<vmem>>, vector<1x1x16xf32>,
        %add3A_528 = arith.constant 3 : i32
        %add3A_529 = arith.addi %mul3A_308, %add3A_528 : i32
        %get3A_530 = arith.constant 3 : i32
        %get3A_531 = arith.index_cast %get3A_530 : i32 to index
        %get3A_532 = arith.index_cast %add3A_529 : i32 to index
        %get3A_533 = arith.constant 16 : index
        %get3A_534 = tpu.vector_load %arg6[%get3A_531, %get3A_532, %get3A_533] {strides = array<i32>} : memref<4x64x128xf32, #tpu.memory_space<vmem>>, vector<1x1x16xf32>,
        %get3A_535 = vector.shape_cast %get3A_534 : vector<1x1x16xf32> to vector<16xf32>
        %add3A_536 = arith.constant 3 : i32
        %add3A_537 = arith.addi %mul3A_308, %add3A_536 : i32
        %swap3A_538 = arith.constant 3 : i32
        %swap3A_539 = arith.index_cast %swap3A_538 : i32 to index
        %swap3A_540 = arith.index_cast %add3A_537 : i32 to index
        %swap3A_541 = arith.constant 16 : index
        %swap3A_542 = tpu.vector_load %arg7[%swap3A_539, %swap3A_540, %swap3A_541] {strides = array<i32>} : memref<4x64x64xf32, #tpu.memory_space<vmem>>, vector<1x1x16xf32>,
        %swap3A_543 = vector.shape_cast %swap3A_542 : vector<1x1x16xf32> to vector<16xf32>
        %swap3A_544 = vector.shape_cast %get3A_535 : vector<16xf32> to vector<1x1x16xf32>
        tpu.vector_store %arg7[%swap3A_539, %swap3A_540, %swap3A_541], %swap3A_544 {strides = array<i32>} : memref<4x64x64xf32, #tpu.memory_space<vmem>>, vector<1x1x16xf32>,
        %add3A_545 = arith.constant 3 : i32
        %add3A_546 = arith.addi %mul3A_308, %add3A_545 : i32
        %get3A_547 = arith.constant 3 : i32
        %get3A_548 = arith.index_cast %get3A_547 : i32 to index
        %get3A_549 = arith.index_cast %add3A_546 : i32 to index
        %get3A_550 = arith.constant 32 : index
        %get3A_551 = tpu.vector_load %arg6[%get3A_548, %get3A_549, %get3A_550] {strides = array<i32>} : memref<4x64x128xf32, #tpu.memory_space<vmem>>, vector<1x1x16xf32>,
        %get3A_552 = vector.shape_cast %get3A_551 : vector<1x1x16xf32> to vector<16xf32>
        %add3A_553 = arith.constant 3 : i32
        %add3A_554 = arith.addi %mul3A_308, %add3A_553 : i32
        %swap3A_555 = arith.constant 3 : i32
        %swap3A_556 = arith.index_cast %swap3A_555 : i32 to index
        %swap3A_557 = arith.index_cast %add3A_554 : i32 to index
        %swap3A_558 = arith.constant 32 : index
        %swap3A_559 = tpu.vector_load %arg7[%swap3A_556, %swap3A_557, %swap3A_558] {strides = array<i32>} : memref<4x64x64xf32, #tpu.memory_space<vmem>>, vector<1x1x16xf32>,
        %swap3A_560 = vector.shape_cast %swap3A_559 : vector<1x1x16xf32> to vector<16xf32>
        %swap3A_561 = vector.shape_cast %get3A_552 : vector<16xf32> to vector<1x1x16xf32>
        tpu.vector_store %arg7[%swap3A_556, %swap3A_557, %swap3A_558], %swap3A_561 {strides = array<i32>} : memref<4x64x64xf32, #tpu.memory_space<vmem>>, vector<1x1x16xf32>,
        %add3A_562 = arith.constant 3 : i32
        %add3A_563 = arith.addi %mul3A_308, %add3A_562 : i32
        %get3A_564 = arith.constant 3 : i32
        %get3A_565 = arith.index_cast %get3A_564 : i32 to index
        %get3A_566 = arith.index_cast %add3A_563 : i32 to index
        %get3A_567 = arith.constant 48 : index
        %get3A_568 = tpu.vector_load %arg6[%get3A_565, %get3A_566, %get3A_567] {strides = array<i32>} : memref<4x64x128xf32, #tpu.memory_space<vmem>>, vector<1x1x16xf32>,
        %get3A_569 = vector.shape_cast %get3A_568 : vector<1x1x16xf32> to vector<16xf32>
        %add3A_570 = arith.constant 3 : i32
        %add3A_571 = arith.addi %mul3A_308, %add3A_570 : i32
        %swap3A_572 = arith.constant 3 : i32
        %swap3A_573 = arith.index_cast %swap3A_572 : i32 to index
        %swap3A_574 = arith.index_cast %add3A_571 : i32 to index
        %swap3A_575 = arith.constant 48 : index
        %swap3A_576 = tpu.vector_load %arg7[%swap3A_573, %swap3A_574, %swap3A_575] {strides = array<i32>} : memref<4x64x64xf32, #tpu.memory_space<vmem>>, vector<1x1x16xf32>,
        %swap3A_577 = vector.shape_cast %swap3A_576 : vector<1x1x16xf32> to vector<16xf32>
        %swap3A_578 = vector.shape_cast %get3A_569 : vector<16xf32> to vector<1x1x16xf32>
        tpu.vector_store %arg7[%swap3A_573, %swap3A_574, %swap3A_575], %swap3A_578 {strides = array<i32>} : memref<4x64x64xf32, #tpu.memory_space<vmem>>, vector<1x1x16xf32>,
        %add3A_579 = arith.constant 4 : i32
        %add3A_580 = arith.addi %mul3A_308, %add3A_579 : i32
        %get3A_581 = arith.constant 3 : i32
        %get3A_582 = arith.index_cast %get3A_581 : i32 to index
        %get3A_583 = arith.index_cast %add3A_580 : i32 to index
        %get3A_584 = arith.constant 0 : index
        %get3A_585 = tpu.vector_load %arg6[%get3A_582, %get3A_583, %get3A_584] {strides = array<i32>} : memref<4x64x128xf32, #tpu.memory_space<vmem>>, vector<1x1x16xf32>,
        %get3A_586 = vector.shape_cast %get3A_585 : vector<1x1x16xf32> to vector<16xf32>
        %add3A_587 = arith.constant 4 : i32
        %add3A_588 = arith.addi %mul3A_308, %add3A_587 : i32
        %swap3A_589 = arith.constant 3 : i32
        %swap3A_590 = arith.index_cast %swap3A_589 : i32 to index
        %swap3A_591 = arith.index_cast %add3A_588 : i32 to index
        %swap3A_592 = arith.constant 0 : index
        %swap3A_593 = tpu.vector_load %arg7[%swap3A_590, %swap3A_591, %swap3A_592] {strides = array<i32>} : memref<4x64x64xf32, #tpu.memory_space<vmem>>, vector<1x1x16xf32>,
        %swap3A_594 = vector.shape_cast %swap3A_593 : vector<1x1x16xf32> to vector<16xf32>
        %swap3A_595 = vector.shape_cast %get3A_586 : vector<16xf32> to vector<1x1x16xf32>
        tpu.vector_store %arg7[%swap3A_590, %swap3A_591, %swap3A_592], %swap3A_595 {strides = array<i32>} : memref<4x64x64xf32, #tpu.memory_space<vmem>>, vector<1x1x16xf32>,
        %add3A_596 = arith.constant 4 : i32
        %add3A_597 = arith.addi %mul3A_308, %add3A_596 : i32
        %get3A_598 = arith.constant 3 : i32
        %get3A_599 = arith.index_cast %get3A_598 : i32 to index
        %get3A_600 = arith.index_cast %add3A_597 : i32 to index
        %get3A_601 = arith.constant 16 : index
        %get3A_602 = tpu.vector_load %arg6[%get3A_599, %get3A_600, %get3A_601] {strides = array<i32>} : memref<4x64x128xf32, #tpu.memory_space<vmem>>, vector<1x1x16xf32>,
        %get3A_603 = vector.shape_cast %get3A_602 : vector<1x1x16xf32> to vector<16xf32>
        %add3A_604 = arith.constant 4 : i32
        %add3A_605 = arith.addi %mul3A_308, %add3A_604 : i32
        %swap3A_606 = arith.constant 3 : i32
        %swap3A_607 = arith.index_cast %swap3A_606 : i32 to index
        %swap3A_608 = arith.index_cast %add3A_605 : i32 to index
        %swap3A_609 = arith.constant 16 : index
        %swap3A_610 = tpu.vector_load %arg7[%swap3A_607, %swap3A_608, %swap3A_609] {strides = array<i32>} : memref<4x64x64xf32, #tpu.memory_space<vmem>>, vector<1x1x16xf32>,
        %swap3A_611 = vector.shape_cast %swap3A_610 : vector<1x1x16xf32> to vector<16xf32>
        %swap3A_612 = vector.shape_cast %get3A_603 : vector<16xf32> to vector<1x1x16xf32>
        tpu.vector_store %arg7[%swap3A_607, %swap3A_608, %swap3A_609], %swap3A_612 {strides = array<i32>} : memref<4x64x64xf32, #tpu.memory_space<vmem>>, vector<1x1x16xf32>,
        %add3A_613 = arith.constant 4 : i32
        %add3A_614 = arith.addi %mul3A_308, %add3A_613 : i32
        %get3A_615 = arith.constant 3 : i32
        %get3A_616 = arith.index_cast %get3A_615 : i32 to index
        %get3A_617 = arith.index_cast %add3A_614 : i32 to index
        %get3A_618 = arith.constant 32 : index
        %get3A_619 = tpu.vector_load %arg6[%get3A_616, %get3A_617, %get3A_618] {strides = array<i32>} : memref<4x64x128xf32, #tpu.memory_space<vmem>>, vector<1x1x16xf32>,
        %get3A_620 = vector.shape_cast %get3A_619 : vector<1x1x16xf32> to vector<16xf32>
        %add3A_621 = arith.constant 4 : i32
        %add3A_622 = arith.addi %mul3A_308, %add3A_621 : i32
        %swap3A_623 = arith.constant 3 : i32
        %swap3A_624 = arith.index_cast %swap3A_623 : i32 to index
        %swap3A_625 = arith.index_cast %add3A_622 : i32 to index
        %swap3A_626 = arith.constant 32 : index
        %swap3A_627 = tpu.vector_load %arg7[%swap3A_624, %swap3A_625, %swap3A_626] {strides = array<i32>} : memref<4x64x64xf32, #tpu.memory_space<vmem>>, vector<1x1x16xf32>,
        %swap3A_628 = vector.shape_cast %swap3A_627 : vector<1x1x16xf32> to vector<16xf32>
        %swap3A_629 = vector.shape_cast %get3A_620 : vector<16xf32> to vector<1x1x16xf32>
        tpu.vector_store %arg7[%swap3A_624, %swap3A_625, %swap3A_626], %swap3A_629 {strides = array<i32>} : memref<4x64x64xf32, #tpu.memory_space<vmem>>, vector<1x1x16xf32>,
        %add3A_630 = arith.constant 4 : i32
        %add3A_631 = arith.addi %mul3A_308, %add3A_630 : i32
        %get3A_632 = arith.constant 3 : i32
        %get3A_633 = arith.index_cast %get3A_632 : i32 to index
        %get3A_634 = arith.index_cast %add3A_631 : i32 to index
        %get3A_635 = arith.constant 48 : index
        %get3A_636 = tpu.vector_load %arg6[%get3A_633, %get3A_634, %get3A_635] {strides = array<i32>} : memref<4x64x128xf32, #tpu.memory_space<vmem>>, vector<1x1x16xf32>,
        %get3A_637 = vector.shape_cast %get3A_636 : vector<1x1x16xf32> to vector<16xf32>
        %add3A_638 = arith.constant 4 : i32
        %add3A_639 = arith.addi %mul3A_308, %add3A_638 : i32
        %swap3A_640 = arith.constant 3 : i32
        %swap3A_641 = arith.index_cast %swap3A_640 : i32 to index
        %swap3A_642 = arith.index_cast %add3A_639 : i32 to index
        %swap3A_643 = arith.constant 48 : index
        %swap3A_644 = tpu.vector_load %arg7[%swap3A_641, %swap3A_642, %swap3A_643] {strides = array<i32>} : memref<4x64x64xf32, #tpu.memory_space<vmem>>, vector<1x1x16xf32>,
        %swap3A_645 = vector.shape_cast %swap3A_644 : vector<1x1x16xf32> to vector<16xf32>
        %swap3A_646 = vector.shape_cast %get3A_637 : vector<16xf32> to vector<1x1x16xf32>
        tpu.vector_store %arg7[%swap3A_641, %swap3A_642, %swap3A_643], %swap3A_646 {strides = array<i32>} : memref<4x64x64xf32, #tpu.memory_space<vmem>>, vector<1x1x16xf32>,
        %add3A_647 = arith.constant 5 : i32
        %add3A_648 = arith.addi %mul3A_308, %add3A_647 : i32
        %get3A_649 = arith.constant 3 : i32
        %get3A_650 = arith.index_cast %get3A_649 : i32 to index
        %get3A_651 = arith.index_cast %add3A_648 : i32 to index
        %get3A_652 = arith.constant 0 : index
        %get3A_653 = tpu.vector_load %arg6[%get3A_650, %get3A_651, %get3A_652] {strides = array<i32>} : memref<4x64x128xf32, #tpu.memory_space<vmem>>, vector<1x1x16xf32>,
        %get3A_654 = vector.shape_cast %get3A_653 : vector<1x1x16xf32> to vector<16xf32>
        %add3A_655 = arith.constant 5 : i32
        %add3A_656 = arith.addi %mul3A_308, %add3A_655 : i32
        %swap3A_657 = arith.constant 3 : i32
        %swap3A_658 = arith.index_cast %swap3A_657 : i32 to index
        %swap3A_659 = arith.index_cast %add3A_656 : i32 to index
        %swap3A_660 = arith.constant 0 : index
        %swap3A_661 = tpu.vector_load %arg7[%swap3A_658, %swap3A_659, %swap3A_660] {strides = array<i32>} : memref<4x64x64xf32, #tpu.memory_space<vmem>>, vector<1x1x16xf32>,
        %swap3A_662 = vector.shape_cast %swap3A_661 : vector<1x1x16xf32> to vector<16xf32>
        %swap3A_663 = vector.shape_cast %get3A_654 : vector<16xf32> to vector<1x1x16xf32>
        tpu.vector_store %arg7[%swap3A_658, %swap3A_659, %swap3A_660], %swap3A_663 {strides = array<i32>} : memref<4x64x64xf32, #tpu.memory_space<vmem>>, vector<1x1x16xf32>,
        %add3A_664 = arith.constant 5 : i32
        %add3A_665 = arith.addi %mul3A_308, %add3A_664 : i32
        %get3A_666 = arith.constant 3 : i32
        %get3A_667 = arith.index_cast %get3A_666 : i32 to index
        %get3A_668 = arith.index_cast %add3A_665 : i32 to index
        %get3A_669 = arith.constant 16 : index
        %get3A_670 = tpu.vector_load %arg6[%get3A_667, %get3A_668, %get3A_669] {strides = array<i32>} : memref<4x64x128xf32, #tpu.memory_space<vmem>>, vector<1x1x16xf32>,
        %get3A_671 = vector.shape_cast %get3A_670 : vector<1x1x16xf32> to vector<16xf32>
        %add3A_672 = arith.constant 5 : i32
        %add3A_673 = arith.addi %mul3A_308, %add3A_672 : i32
        %swap3A_674 = arith.constant 3 : i32
        %swap3A_675 = arith.index_cast %swap3A_674 : i32 to index
        %swap3A_676 = arith.index_cast %add3A_673 : i32 to index
        %swap3A_677 = arith.constant 16 : index
        %swap3A_678 = tpu.vector_load %arg7[%swap3A_675, %swap3A_676, %swap3A_677] {strides = array<i32>} : memref<4x64x64xf32, #tpu.memory_space<vmem>>, vector<1x1x16xf32>,
        %swap3A_679 = vector.shape_cast %swap3A_678 : vector<1x1x16xf32> to vector<16xf32>
        %swap3A_680 = vector.shape_cast %get3A_671 : vector<16xf32> to vector<1x1x16xf32>
        tpu.vector_store %arg7[%swap3A_675, %swap3A_676, %swap3A_677], %swap3A_680 {strides = array<i32>} : memref<4x64x64xf32, #tpu.memory_space<vmem>>, vector<1x1x16xf32>,
        %add3A_681 = arith.constant 5 : i32
        %add3A_682 = arith.addi %mul3A_308, %add3A_681 : i32
        %get3A_683 = arith.constant 3 : i32
        %get3A_684 = arith.index_cast %get3A_683 : i32 to index
        %get3A_685 = arith.index_cast %add3A_682 : i32 to index
        %get3A_686 = arith.constant 32 : index
        %get3A_687 = tpu.vector_load %arg6[%get3A_684, %get3A_685, %get3A_686] {strides = array<i32>} : memref<4x64x128xf32, #tpu.memory_space<vmem>>, vector<1x1x16xf32>,
        %get3A_688 = vector.shape_cast %get3A_687 : vector<1x1x16xf32> to vector<16xf32>
        %add3A_689 = arith.constant 5 : i32
        %add3A_690 = arith.addi %mul3A_308, %add3A_689 : i32
        %swap3A_691 = arith.constant 3 : i32
        %swap3A_692 = arith.index_cast %swap3A_691 : i32 to index
        %swap3A_693 = arith.index_cast %add3A_690 : i32 to index
        %swap3A_694 = arith.constant 32 : index
        %swap3A_695 = tpu.vector_load %arg7[%swap3A_692, %swap3A_693, %swap3A_694] {strides = array<i32>} : memref<4x64x64xf32, #tpu.memory_space<vmem>>, vector<1x1x16xf32>,
        %swap3A_696 = vector.shape_cast %swap3A_695 : vector<1x1x16xf32> to vector<16xf32>
        %swap3A_697 = vector.shape_cast %get3A_688 : vector<16xf32> to vector<1x1x16xf32>
        tpu.vector_store %arg7[%swap3A_692, %swap3A_693, %swap3A_694], %swap3A_697 {strides = array<i32>} : memref<4x64x64xf32, #tpu.memory_space<vmem>>, vector<1x1x16xf32>,
        %add3A_698 = arith.constant 5 : i32
        %add3A_699 = arith.addi %mul3A_308, %add3A_698 : i32
        %get3A_700 = arith.constant 3 : i32
        %get3A_701 = arith.index_cast %get3A_700 : i32 to index
        %get3A_702 = arith.index_cast %add3A_699 : i32 to index
        %get3A_703 = arith.constant 48 : index
        %get3A_704 = tpu.vector_load %arg6[%get3A_701, %get3A_702, %get3A_703] {strides = array<i32>} : memref<4x64x128xf32, #tpu.memory_space<vmem>>, vector<1x1x16xf32>,
        %get3A_705 = vector.shape_cast %get3A_704 : vector<1x1x16xf32> to vector<16xf32>
        %add3A_706 = arith.constant 5 : i32
        %add3A_707 = arith.addi %mul3A_308, %add3A_706 : i32
        %swap3A_708 = arith.constant 3 : i32
        %swap3A_709 = arith.index_cast %swap3A_708 : i32 to index
        %swap3A_710 = arith.index_cast %add3A_707 : i32 to index
        %swap3A_711 = arith.constant 48 : index
        %swap3A_712 = tpu.vector_load %arg7[%swap3A_709, %swap3A_710, %swap3A_711] {strides = array<i32>} : memref<4x64x64xf32, #tpu.memory_space<vmem>>, vector<1x1x16xf32>,
        %swap3A_713 = vector.shape_cast %swap3A_712 : vector<1x1x16xf32> to vector<16xf32>
        %swap3A_714 = vector.shape_cast %get3A_705 : vector<16xf32> to vector<1x1x16xf32>
        tpu.vector_store %arg7[%swap3A_709, %swap3A_710, %swap3A_711], %swap3A_714 {strides = array<i32>} : memref<4x64x64xf32, #tpu.memory_space<vmem>>, vector<1x1x16xf32>,
        %add3A_715 = arith.constant 6 : i32
        %add3A_716 = arith.addi %mul3A_308, %add3A_715 : i32
        %get3A_717 = arith.constant 3 : i32
        %get3A_718 = arith.index_cast %get3A_717 : i32 to index
        %get3A_719 = arith.index_cast %add3A_716 : i32 to index
        %get3A_720 = arith.constant 0 : index
        %get3A_721 = tpu.vector_load %arg6[%get3A_718, %get3A_719, %get3A_720] {strides = array<i32>} : memref<4x64x128xf32, #tpu.memory_space<vmem>>, vector<1x1x16xf32>,
        %get3A_722 = vector.shape_cast %get3A_721 : vector<1x1x16xf32> to vector<16xf32>
        %add3A_723 = arith.constant 6 : i32
        %add3A_724 = arith.addi %mul3A_308, %add3A_723 : i32
        %swap3A_725 = arith.constant 3 : i32
        %swap3A_726 = arith.index_cast %swap3A_725 : i32 to index
        %swap3A_727 = arith.index_cast %add3A_724 : i32 to index
        %swap3A_728 = arith.constant 0 : index
        %swap3A_729 = tpu.vector_load %arg7[%swap3A_726, %swap3A_727, %swap3A_728] {strides = array<i32>} : memref<4x64x64xf32, #tpu.memory_space<vmem>>, vector<1x1x16xf32>,
        %swap3A_730 = vector.shape_cast %swap3A_729 : vector<1x1x16xf32> to vector<16xf32>
        %swap3A_731 = vector.shape_cast %get3A_722 : vector<16xf32> to vector<1x1x16xf32>
        tpu.vector_store %arg7[%swap3A_726, %swap3A_727, %swap3A_728], %swap3A_731 {strides = array<i32>} : memref<4x64x64xf32, #tpu.memory_space<vmem>>, vector<1x1x16xf32>,
        %add3A_732 = arith.constant 6 : i32
        %add3A_733 = arith.addi %mul3A_308, %add3A_732 : i32
        %get3A_734 = arith.constant 3 : i32
        %get3A_735 = arith.index_cast %get3A_734 : i32 to index
        %get3A_736 = arith.index_cast %add3A_733 : i32 to index
        %get3A_737 = arith.constant 16 : index
        %get3A_738 = tpu.vector_load %arg6[%get3A_735, %get3A_736, %get3A_737] {strides = array<i32>} : memref<4x64x128xf32, #tpu.memory_space<vmem>>, vector<1x1x16xf32>,
        %get3A_739 = vector.shape_cast %get3A_738 : vector<1x1x16xf32> to vector<16xf32>
        %add3A_740 = arith.constant 6 : i32
        %add3A_741 = arith.addi %mul3A_308, %add3A_740 : i32
        %swap3A_742 = arith.constant 3 : i32
        %swap3A_743 = arith.index_cast %swap3A_742 : i32 to index
        %swap3A_744 = arith.index_cast %add3A_741 : i32 to index
        %swap3A_745 = arith.constant 16 : index
        %swap3A_746 = tpu.vector_load %arg7[%swap3A_743, %swap3A_744, %swap3A_745] {strides = array<i32>} : memref<4x64x64xf32, #tpu.memory_space<vmem>>, vector<1x1x16xf32>,
        %swap3A_747 = vector.shape_cast %swap3A_746 : vector<1x1x16xf32> to vector<16xf32>
        %swap3A_748 = vector.shape_cast %get3A_739 : vector<16xf32> to vector<1x1x16xf32>
        tpu.vector_store %arg7[%swap3A_743, %swap3A_744, %swap3A_745], %swap3A_748 {strides = array<i32>} : memref<4x64x64xf32, #tpu.memory_space<vmem>>, vector<1x1x16xf32>,
        %add3A_749 = arith.constant 6 : i32
        %add3A_750 = arith.addi %mul3A_308, %add3A_749 : i32
        %get3A_751 = arith.constant 3 : i32
        %get3A_752 = arith.index_cast %get3A_751 : i32 to index
        %get3A_753 = arith.index_cast %add3A_750 : i32 to index
        %get3A_754 = arith.constant 32 : index
        %get3A_755 = tpu.vector_load %arg6[%get3A_752, %get3A_753, %get3A_754] {strides = array<i32>} : memref<4x64x128xf32, #tpu.memory_space<vmem>>, vector<1x1x16xf32>,
        %get3A_756 = vector.shape_cast %get3A_755 : vector<1x1x16xf32> to vector<16xf32>
        %add3A_757 = arith.constant 6 : i32
        %add3A_758 = arith.addi %mul3A_308, %add3A_757 : i32
        %swap3A_759 = arith.constant 3 : i32
        %swap3A_760 = arith.index_cast %swap3A_759 : i32 to index
        %swap3A_761 = arith.index_cast %add3A_758 : i32 to index
        %swap3A_762 = arith.constant 32 : index
        %swap3A_763 = tpu.vector_load %arg7[%swap3A_760, %swap3A_761, %swap3A_762] {strides = array<i32>} : memref<4x64x64xf32, #tpu.memory_space<vmem>>, vector<1x1x16xf32>,
        %swap3A_764 = vector.shape_cast %swap3A_763 : vector<1x1x16xf32> to vector<16xf32>
        %swap3A_765 = vector.shape_cast %get3A_756 : vector<16xf32> to vector<1x1x16xf32>
        tpu.vector_store %arg7[%swap3A_760, %swap3A_761, %swap3A_762], %swap3A_765 {strides = array<i32>} : memref<4x64x64xf32, #tpu.memory_space<vmem>>, vector<1x1x16xf32>,
        %add3A_766 = arith.constant 6 : i32
        %add3A_767 = arith.addi %mul3A_308, %add3A_766 : i32
        %get3A_768 = arith.constant 3 : i32
        %get3A_769 = arith.index_cast %get3A_768 : i32 to index
        %get3A_770 = arith.index_cast %add3A_767 : i32 to index
        %get3A_771 = arith.constant 48 : index
        %get3A_772 = tpu.vector_load %arg6[%get3A_769, %get3A_770, %get3A_771] {strides = array<i32>} : memref<4x64x128xf32, #tpu.memory_space<vmem>>, vector<1x1x16xf32>,
        %get3A_773 = vector.shape_cast %get3A_772 : vector<1x1x16xf32> to vector<16xf32>
        %add3A_774 = arith.constant 6 : i32
        %add3A_775 = arith.addi %mul3A_308, %add3A_774 : i32
        %swap3A_776 = arith.constant 3 : i32
        %swap3A_777 = arith.index_cast %swap3A_776 : i32 to index
        %swap3A_778 = arith.index_cast %add3A_775 : i32 to index
        %swap3A_779 = arith.constant 48 : index
        %swap3A_780 = tpu.vector_load %arg7[%swap3A_777, %swap3A_778, %swap3A_779] {strides = array<i32>} : memref<4x64x64xf32, #tpu.memory_space<vmem>>, vector<1x1x16xf32>,
        %swap3A_781 = vector.shape_cast %swap3A_780 : vector<1x1x16xf32> to vector<16xf32>
        %swap3A_782 = vector.shape_cast %get3A_773 : vector<16xf32> to vector<1x1x16xf32>
        tpu.vector_store %arg7[%swap3A_777, %swap3A_778, %swap3A_779], %swap3A_782 {strides = array<i32>} : memref<4x64x64xf32, #tpu.memory_space<vmem>>, vector<1x1x16xf32>,
        %add3A_783 = arith.constant 7 : i32
        %add3A_784 = arith.addi %mul3A_308, %add3A_783 : i32
        %get3A_785 = arith.constant 3 : i32
        %get3A_786 = arith.index_cast %get3A_785 : i32 to index
        %get3A_787 = arith.index_cast %add3A_784 : i32 to index
        %get3A_788 = arith.constant 0 : index
        %get3A_789 = tpu.vector_load %arg6[%get3A_786, %get3A_787, %get3A_788] {strides = array<i32>} : memref<4x64x128xf32, #tpu.memory_space<vmem>>, vector<1x1x16xf32>,
        %get3A_790 = vector.shape_cast %get3A_789 : vector<1x1x16xf32> to vector<16xf32>
        %add3A_791 = arith.constant 7 : i32
        %add3A_792 = arith.addi %mul3A_308, %add3A_791 : i32
        %swap3A_793 = arith.constant 3 : i32
        %swap3A_794 = arith.index_cast %swap3A_793 : i32 to index
        %swap3A_795 = arith.index_cast %add3A_792 : i32 to index
        %swap3A_796 = arith.constant 0 : index
        %swap3A_797 = tpu.vector_load %arg7[%swap3A_794, %swap3A_795, %swap3A_796] {strides = array<i32>} : memref<4x64x64xf32, #tpu.memory_space<vmem>>, vector<1x1x16xf32>,
        %swap3A_798 = vector.shape_cast %swap3A_797 : vector<1x1x16xf32> to vector<16xf32>
        %swap3A_799 = vector.shape_cast %get3A_790 : vector<16xf32> to vector<1x1x16xf32>
        tpu.vector_store %arg7[%swap3A_794, %swap3A_795, %swap3A_796], %swap3A_799 {strides = array<i32>} : memref<4x64x64xf32, #tpu.memory_space<vmem>>, vector<1x1x16xf32>,
        %add3A_800 = arith.constant 7 : i32
        %add3A_801 = arith.addi %mul3A_308, %add3A_800 : i32
        %get3A_802 = arith.constant 3 : i32
        %get3A_803 = arith.index_cast %get3A_802 : i32 to index
        %get3A_804 = arith.index_cast %add3A_801 : i32 to index
        %get3A_805 = arith.constant 16 : index
        %get3A_806 = tpu.vector_load %arg6[%get3A_803, %get3A_804, %get3A_805] {strides = array<i32>} : memref<4x64x128xf32, #tpu.memory_space<vmem>>, vector<1x1x16xf32>,
        %get3A_807 = vector.shape_cast %get3A_806 : vector<1x1x16xf32> to vector<16xf32>
        %add3A_808 = arith.constant 7 : i32
        %add3A_809 = arith.addi %mul3A_308, %add3A_808 : i32
        %swap3A_810 = arith.constant 3 : i32
        %swap3A_811 = arith.index_cast %swap3A_810 : i32 to index
        %swap3A_812 = arith.index_cast %add3A_809 : i32 to index
        %swap3A_813 = arith.constant 16 : index
        %swap3A_814 = tpu.vector_load %arg7[%swap3A_811, %swap3A_812, %swap3A_813] {strides = array<i32>} : memref<4x64x64xf32, #tpu.memory_space<vmem>>, vector<1x1x16xf32>,
        %swap3A_815 = vector.shape_cast %swap3A_814 : vector<1x1x16xf32> to vector<16xf32>
        %swap3A_816 = vector.shape_cast %get3A_807 : vector<16xf32> to vector<1x1x16xf32>
        tpu.vector_store %arg7[%swap3A_811, %swap3A_812, %swap3A_813], %swap3A_816 {strides = array<i32>} : memref<4x64x64xf32, #tpu.memory_space<vmem>>, vector<1x1x16xf32>,
        %add3A_817 = arith.constant 7 : i32
        %add3A_818 = arith.addi %mul3A_308, %add3A_817 : i32
        %get3A_819 = arith.constant 3 : i32
        %get3A_820 = arith.index_cast %get3A_819 : i32 to index
        %get3A_821 = arith.index_cast %add3A_818 : i32 to index
        %get3A_822 = arith.constant 32 : index
        %get3A_823 = tpu.vector_load %arg6[%get3A_820, %get3A_821, %get3A_822] {strides = array<i32>} : memref<4x64x128xf32, #tpu.memory_space<vmem>>, vector<1x1x16xf32>,
        %get3A_824 = vector.shape_cast %get3A_823 : vector<1x1x16xf32> to vector<16xf32>
        %add3A_825 = arith.constant 7 : i32
        %add3A_826 = arith.addi %mul3A_308, %add3A_825 : i32
        %swap3A_827 = arith.constant 3 : i32
        %swap3A_828 = arith.index_cast %swap3A_827 : i32 to index
        %swap3A_829 = arith.index_cast %add3A_826 : i32 to index
        %swap3A_830 = arith.constant 32 : index
        %swap3A_831 = tpu.vector_load %arg7[%swap3A_828, %swap3A_829, %swap3A_830] {strides = array<i32>} : memref<4x64x64xf32, #tpu.memory_space<vmem>>, vector<1x1x16xf32>,
        %swap3A_832 = vector.shape_cast %swap3A_831 : vector<1x1x16xf32> to vector<16xf32>
        %swap3A_833 = vector.shape_cast %get3A_824 : vector<16xf32> to vector<1x1x16xf32>
        tpu.vector_store %arg7[%swap3A_828, %swap3A_829, %swap3A_830], %swap3A_833 {strides = array<i32>} : memref<4x64x64xf32, #tpu.memory_space<vmem>>, vector<1x1x16xf32>,
        %add3A_834 = arith.constant 7 : i32
        %add3A_835 = arith.addi %mul3A_308, %add3A_834 : i32
        %get3A_836 = arith.constant 3 : i32
        %get3A_837 = arith.index_cast %get3A_836 : i32 to index
        %get3A_838 = arith.index_cast %add3A_835 : i32 to index
        %get3A_839 = arith.constant 48 : index
        %get3A_840 = tpu.vector_load %arg6[%get3A_837, %get3A_838, %get3A_839] {strides = array<i32>} : memref<4x64x128xf32, #tpu.memory_space<vmem>>, vector<1x1x16xf32>,
        %get3A_841 = vector.shape_cast %get3A_840 : vector<1x1x16xf32> to vector<16xf32>
        %add3A_842 = arith.constant 7 : i32
        %add3A_843 = arith.addi %mul3A_308, %add3A_842 : i32
        %swap3A_844 = arith.constant 3 : i32
        %swap3A_845 = arith.index_cast %swap3A_844 : i32 to index
        %swap3A_846 = arith.index_cast %add3A_843 : i32 to index
        %swap3A_847 = arith.constant 48 : index
        %swap3A_848 = tpu.vector_load %arg7[%swap3A_845, %swap3A_846, %swap3A_847] {strides = array<i32>} : memref<4x64x64xf32, #tpu.memory_space<vmem>>, vector<1x1x16xf32>,
        %swap3A_849 = vector.shape_cast %swap3A_848 : vector<1x1x16xf32> to vector<16xf32>
        %swap3A_850 = vector.shape_cast %get3A_841 : vector<16xf32> to vector<1x1x16xf32>
        tpu.vector_store %arg7[%swap3A_845, %swap3A_846, %swap3A_847], %swap3A_850 {strides = array<i32>} : memref<4x64x64xf32, #tpu.memory_space<vmem>>, vector<1x1x16xf32>,
      }
      %scan3A_254 = arith.constant 8 : i32
      %add3A_255 = arith.constant 3 : i32
      %add3A_256 = arith.addi %mul3A_116, %add3A_255 : i32
      %add3A_257 = arith.addi %mul3A_2, %add3A_256 : i32
      %mul3A_258 = arith.constant 64 : i32
      %mul3A_259 = arith.muli %add3A_257, %mul3A_258 : i32
      %dma_start3A_260 = arith.constant 3 : i32
      %dma_start3A_261 = arith.constant 0 : i32
      %dma_start3A_262 = arith.constant 0 : i32
      %dma_start3A_263 = tpu.memref_slice %arg7[%dma_start3A_260, %dma_start3A_261, %dma_start3A_262] : memref<4x64x64xf32, #tpu.memory_space<vmem>> -> memref<1x64x64xf32, #tpu.memory_space<vmem>>
      %dma_start3A_264 = tpu.memref_squeeze %dma_start3A_263 : memref<1x64x64xf32, #tpu.memory_space<vmem>> -> memref<64x64xf32, #tpu.memory_space<vmem>>
      %dma_start3A_265 = arith.constant 0 : i32
      %dma_start3A_266 = tpu.memref_slice %arg4[%mul3A_259, %dma_start3A_265] : memref<819200x64xf32, #tpu.memory_space<hbm>> -> memref<64x64xf32, #tpu.memory_space<hbm>>
      %dma_start3A_267 = arith.constant 0 : i32
      %dma_start3A_268 = tpu.memref_slice %arg4[%mul3A_259, %dma_start3A_267] : memref<819200x64xf32, #tpu.memory_space<hbm>> -> memref<64x64xf32, #tpu.memory_space<hbm>>
      %dma_start3A_269 = arith.constant 0 : i32
      %dma_start3A_270 = arith.constant 0 : i32
      %dma_start3A_271 = tpu.memref_slice %arg7[%dma_start3A_260, %dma_start3A_269, %dma_start3A_270] : memref<4x64x64xf32, #tpu.memory_space<vmem>> -> memref<1x64x64xf32, #tpu.memory_space<vmem>>
      %dma_start3A_272 = tpu.memref_squeeze %dma_start3A_271 : memref<1x64x64xf32, #tpu.memory_space<vmem>> -> memref<64x64xf32, #tpu.memory_space<vmem>>
      tpu.enqueue_dma source(%dma_start3A_272 : memref<64x64xf32, #tpu.memory_space<vmem>>) target(%dma_start3A_268 : memref<64x64xf32, #tpu.memory_space<hbm>>) target_semaphore(%arg15 : memref<!tpu.dma_semaphore, #tpu.memory_space<semaphore_mem>>)
      %add3A_273 = arith.constant 0 : i32
      %add3A_274 = arith.addi %mul3A_116, %add3A_273 : i32
      %add3A_275 = arith.constant 4 : i32
      %add3A_276 = arith.addi %add3A_274, %add3A_275 : i32
      %lt3A = arith.constant 400 : i32
      %lt3A_277 = arith.cmpi slt, %add3A_276, %lt3A : i32
      %convert_element_type3A = arith.extui %lt3A_277 : i1 to i32
      %cond3A = arith.constant 0 : i32
      %cond3A_278 = arith.cmpi ne, %convert_element_type3A, %cond3A : i32
      scf.if %cond3A_278 {
        %dma_wait3A_306 = arith.constant 0 : i32
        %dma_wait3A_307 = arith.constant 0 : i32
        %dma_wait3A_308 = arith.constant 0 : i32
        %dma_wait3A_309 = tpu.memref_slice %arg7[%dma_wait3A_306, %dma_wait3A_307, %dma_wait3A_308] : memref<4x64x64xf32, #tpu.memory_space<vmem>> -> memref<1x64x64xf32, #tpu.memory_space<vmem>>
        %dma_wait3A_310 = tpu.memref_squeeze %dma_wait3A_309 : memref<1x64x64xf32, #tpu.memory_space<vmem>> -> memref<64x64xf32, #tpu.memory_space<vmem>>
        %dma_wait3A_311 = arith.constant 0 : i32
        %dma_wait3A_312 = arith.constant 0 : i32
        %dma_wait3A_313 = tpu.memref_slice %arg4[%dma_wait3A_311, %dma_wait3A_312] : memref<819200x64xf32, #tpu.memory_space<hbm>> -> memref<64x64xf32, #tpu.memory_space<hbm>>
        %dma_wait3A_314 = arith.constant 0 : i32
        %dma_wait3A_315 = arith.constant 0 : i32
        %dma_wait3A_316 = tpu.memref_slice %arg4[%dma_wait3A_314, %dma_wait3A_315] : memref<819200x64xf32, #tpu.memory_space<hbm>> -> memref<64x64xf32, #tpu.memory_space<hbm>>
        %dma_wait3A_317 = arith.constant 0 : i32
        %dma_wait3A_318 = arith.constant 0 : i32
        %dma_wait3A_319 = tpu.memref_slice %arg7[%dma_wait3A_306, %dma_wait3A_317, %dma_wait3A_318] : memref<4x64x64xf32, #tpu.memory_space<vmem>> -> memref<1x64x64xf32, #tpu.memory_space<vmem>>
        %dma_wait3A_320 = tpu.memref_squeeze %dma_wait3A_319 : memref<1x64x64xf32, #tpu.memory_space<vmem>> -> memref<64x64xf32, #tpu.memory_space<vmem>>
        tpu.wait_dma2 semaphore(%arg12 : memref<!tpu.dma_semaphore, #tpu.memory_space<semaphore_mem>>) src(%dma_wait3A_320 : memref<64x64xf32, #tpu.memory_space<vmem>>) dst(%dma_wait3A_316 : memref<64x64xf32, #tpu.memory_space<hbm>>)
        %dma_start3A_321 = arith.constant 0 : i32
        %dma_start3A_322 = arith.constant 0 : i32
        %dma_start3A_323 = arith.constant 0 : i32
        %dma_start3A_324 = tpu.memref_slice %arg6[%dma_start3A_321, %dma_start3A_322, %dma_start3A_323] : memref<4x64x128xf32, #tpu.memory_space<vmem>> -> memref<1x64x128xf32, #tpu.memory_space<vmem>>
        %dma_start3A_325 = tpu.memref_squeeze %dma_start3A_324 : memref<1x64x128xf32, #tpu.memory_space<vmem>> -> memref<64x128xf32, #tpu.memory_space<vmem>>
        %dma_start3A_326 = arith.constant 0 : i32
        %dma_start3A_327 = tpu.memref_slice %arg5[%add3A_276, %dma_start3A_326] : memref<400x64xi32, #tpu.memory_space<vmem>> -> memref<1x64xi32, #tpu.memory_space<vmem>>
        %dma_start3A_328 = tpu.memref_squeeze %dma_start3A_327 : memref<1x64xi32, #tpu.memory_space<vmem>> -> memref<64xi32, #tpu.memory_space<vmem>>
        %dma_start3A_329 = arith.constant 0 : i32
        %dma_start3A_330 = arith.constant 0 : i32
        %dma_start3A_331 = tpu.memref_slice %arg3[%dma_start3A_329, %dma_start3A_330] : memref<1000000x128xf32, #tpu.memory_space<hbm>> -> memref<1000000x128xf32, #tpu.memory_space<hbm>>
        tpu.enqueue_indirect_dma source(%dma_start3A_331 : memref<1000000x128xf32, #tpu.memory_space<hbm>>) target(%dma_start3A_325 : memref<64x128xf32, #tpu.memory_space<vmem>>) offsets(%dma_start3A_328 : memref<64xi32, #tpu.memory_space<vmem>>) semaphore(%arg8 : memref<!tpu.dma_semaphore, #tpu.memory_space<semaphore_mem>>)
      } else {
      }
      %add3A_279 = arith.constant 1 : i32
      %add3A_280 = arith.addi %mul3A_116, %add3A_279 : i32
      %add3A_281 = arith.constant 4 : i32
      %add3A_282 = arith.addi %add3A_280, %add3A_281 : i32
      %lt3A_283 = arith.constant 400 : i32
      %lt3A_284 = arith.cmpi slt, %add3A_282, %lt3A_283 : i32
      %convert_element_type3A_285 = arith.extui %lt3A_284 : i1 to i32
      %cond3A_286 = arith.constant 0 : i32
      %cond3A_287 = arith.cmpi ne, %convert_element_type3A_285, %cond3A_286 : i32
      scf.if %cond3A_287 {
        %dma_wait3A_306 = arith.constant 1 : i32
        %dma_wait3A_307 = arith.constant 0 : i32
        %dma_wait3A_308 = arith.constant 0 : i32
        %dma_wait3A_309 = tpu.memref_slice %arg7[%dma_wait3A_306, %dma_wait3A_307, %dma_wait3A_308] : memref<4x64x64xf32, #tpu.memory_space<vmem>> -> memref<1x64x64xf32, #tpu.memory_space<vmem>>
        %dma_wait3A_310 = tpu.memref_squeeze %dma_wait3A_309 : memref<1x64x64xf32, #tpu.memory_space<vmem>> -> memref<64x64xf32, #tpu.memory_space<vmem>>
        %dma_wait3A_311 = arith.constant 0 : i32
        %dma_wait3A_312 = arith.constant 0 : i32
        %dma_wait3A_313 = tpu.memref_slice %arg4[%dma_wait3A_311, %dma_wait3A_312] : memref<819200x64xf32, #tpu.memory_space<hbm>> -> memref<64x64xf32, #tpu.memory_space<hbm>>
        %dma_wait3A_314 = arith.constant 0 : i32
        %dma_wait3A_315 = arith.constant 0 : i32
        %dma_wait3A_316 = tpu.memref_slice %arg4[%dma_wait3A_314, %dma_wait3A_315] : memref<819200x64xf32, #tpu.memory_space<hbm>> -> memref<64x64xf32, #tpu.memory_space<hbm>>
        %dma_wait3A_317 = arith.constant 0 : i32
        %dma_wait3A_318 = arith.constant 0 : i32
        %dma_wait3A_319 = tpu.memref_slice %arg7[%dma_wait3A_306, %dma_wait3A_317, %dma_wait3A_318] : memref<4x64x64xf32, #tpu.memory_space<vmem>> -> memref<1x64x64xf32, #tpu.memory_space<vmem>>
        %dma_wait3A_320 = tpu.memref_squeeze %dma_wait3A_319 : memref<1x64x64xf32, #tpu.memory_space<vmem>> -> memref<64x64xf32, #tpu.memory_space<vmem>>
        tpu.wait_dma2 semaphore(%arg13 : memref<!tpu.dma_semaphore, #tpu.memory_space<semaphore_mem>>) src(%dma_wait3A_320 : memref<64x64xf32, #tpu.memory_space<vmem>>) dst(%dma_wait3A_316 : memref<64x64xf32, #tpu.memory_space<hbm>>)
        %dma_start3A_321 = arith.constant 1 : i32
        %dma_start3A_322 = arith.constant 0 : i32
        %dma_start3A_323 = arith.constant 0 : i32
        %dma_start3A_324 = tpu.memref_slice %arg6[%dma_start3A_321, %dma_start3A_322, %dma_start3A_323] : memref<4x64x128xf32, #tpu.memory_space<vmem>> -> memref<1x64x128xf32, #tpu.memory_space<vmem>>
        %dma_start3A_325 = tpu.memref_squeeze %dma_start3A_324 : memref<1x64x128xf32, #tpu.memory_space<vmem>> -> memref<64x128xf32, #tpu.memory_space<vmem>>
        %dma_start3A_326 = arith.constant 0 : i32
        %dma_start3A_327 = tpu.memref_slice %arg5[%add3A_282, %dma_start3A_326] : memref<400x64xi32, #tpu.memory_space<vmem>> -> memref<1x64xi32, #tpu.memory_space<vmem>>
        %dma_start3A_328 = tpu.memref_squeeze %dma_start3A_327 : memref<1x64xi32, #tpu.memory_space<vmem>> -> memref<64xi32, #tpu.memory_space<vmem>>
        %dma_start3A_329 = arith.constant 0 : i32
        %dma_start3A_330 = arith.constant 0 : i32
        %dma_start3A_331 = tpu.memref_slice %arg3[%dma_start3A_329, %dma_start3A_330] : memref<1000000x128xf32, #tpu.memory_space<hbm>> -> memref<1000000x128xf32, #tpu.memory_space<hbm>>
        tpu.enqueue_indirect_dma source(%dma_start3A_331 : memref<1000000x128xf32, #tpu.memory_space<hbm>>) target(%dma_start3A_325 : memref<64x128xf32, #tpu.memory_space<vmem>>) offsets(%dma_start3A_328 : memref<64xi32, #tpu.memory_space<vmem>>) semaphore(%arg9 : memref<!tpu.dma_semaphore, #tpu.memory_space<semaphore_mem>>)
      } else {
      }
      %add3A_288 = arith.constant 2 : i32
      %add3A_289 = arith.addi %mul3A_116, %add3A_288 : i32
      %add3A_290 = arith.constant 4 : i32
      %add3A_291 = arith.addi %add3A_289, %add3A_290 : i32
      %lt3A_292 = arith.constant 400 : i32
      %lt3A_293 = arith.cmpi slt, %add3A_291, %lt3A_292 : i32
      %convert_element_type3A_294 = arith.extui %lt3A_293 : i1 to i32
      %cond3A_295 = arith.constant 0 : i32
      %cond3A_296 = arith.cmpi ne, %convert_element_type3A_294, %cond3A_295 : i32
      scf.if %cond3A_296 {
        %dma_wait3A_306 = arith.constant 2 : i32
        %dma_wait3A_307 = arith.constant 0 : i32
        %dma_wait3A_308 = arith.constant 0 : i32
        %dma_wait3A_309 = tpu.memref_slice %arg7[%dma_wait3A_306, %dma_wait3A_307, %dma_wait3A_308] : memref<4x64x64xf32, #tpu.memory_space<vmem>> -> memref<1x64x64xf32, #tpu.memory_space<vmem>>
        %dma_wait3A_310 = tpu.memref_squeeze %dma_wait3A_309 : memref<1x64x64xf32, #tpu.memory_space<vmem>> -> memref<64x64xf32, #tpu.memory_space<vmem>>
        %dma_wait3A_311 = arith.constant 0 : i32
        %dma_wait3A_312 = arith.constant 0 : i32
        %dma_wait3A_313 = tpu.memref_slice %arg4[%dma_wait3A_311, %dma_wait3A_312] : memref<819200x64xf32, #tpu.memory_space<hbm>> -> memref<64x64xf32, #tpu.memory_space<hbm>>
        %dma_wait3A_314 = arith.constant 0 : i32
        %dma_wait3A_315 = arith.constant 0 : i32
        %dma_wait3A_316 = tpu.memref_slice %arg4[%dma_wait3A_314, %dma_wait3A_315] : memref<819200x64xf32, #tpu.memory_space<hbm>> -> memref<64x64xf32, #tpu.memory_space<hbm>>
        %dma_wait3A_317 = arith.constant 0 : i32
        %dma_wait3A_318 = arith.constant 0 : i32
        %dma_wait3A_319 = tpu.memref_slice %arg7[%dma_wait3A_306, %dma_wait3A_317, %dma_wait3A_318] : memref<4x64x64xf32, #tpu.memory_space<vmem>> -> memref<1x64x64xf32, #tpu.memory_space<vmem>>
        %dma_wait3A_320 = tpu.memref_squeeze %dma_wait3A_319 : memref<1x64x64xf32, #tpu.memory_space<vmem>> -> memref<64x64xf32, #tpu.memory_space<vmem>>
        tpu.wait_dma2 semaphore(%arg14 : memref<!tpu.dma_semaphore, #tpu.memory_space<semaphore_mem>>) src(%dma_wait3A_320 : memref<64x64xf32, #tpu.memory_space<vmem>>) dst(%dma_wait3A_316 : memref<64x64xf32, #tpu.memory_space<hbm>>)
        %dma_start3A_321 = arith.constant 2 : i32
        %dma_start3A_322 = arith.constant 0 : i32
        %dma_start3A_323 = arith.constant 0 : i32
        %dma_start3A_324 = tpu.memref_slice %arg6[%dma_start3A_321, %dma_start3A_322, %dma_start3A_323] : memref<4x64x128xf32, #tpu.memory_space<vmem>> -> memref<1x64x128xf32, #tpu.memory_space<vmem>>
        %dma_start3A_325 = tpu.memref_squeeze %dma_start3A_324 : memref<1x64x128xf32, #tpu.memory_space<vmem>> -> memref<64x128xf32, #tpu.memory_space<vmem>>
        %dma_start3A_326 = arith.constant 0 : i32
        %dma_start3A_327 = tpu.memref_slice %arg5[%add3A_291, %dma_start3A_326] : memref<400x64xi32, #tpu.memory_space<vmem>> -> memref<1x64xi32, #tpu.memory_space<vmem>>
        %dma_start3A_328 = tpu.memref_squeeze %dma_start3A_327 : memref<1x64xi32, #tpu.memory_space<vmem>> -> memref<64xi32, #tpu.memory_space<vmem>>
        %dma_start3A_329 = arith.constant 0 : i32
        %dma_start3A_330 = arith.constant 0 : i32
        %dma_start3A_331 = tpu.memref_slice %arg3[%dma_start3A_329, %dma_start3A_330] : memref<1000000x128xf32, #tpu.memory_space<hbm>> -> memref<1000000x128xf32, #tpu.memory_space<hbm>>
        tpu.enqueue_indirect_dma source(%dma_start3A_331 : memref<1000000x128xf32, #tpu.memory_space<hbm>>) target(%dma_start3A_325 : memref<64x128xf32, #tpu.memory_space<vmem>>) offsets(%dma_start3A_328 : memref<64xi32, #tpu.memory_space<vmem>>) semaphore(%arg10 : memref<!tpu.dma_semaphore, #tpu.memory_space<semaphore_mem>>)
      } else {
      }
      %add3A_297 = arith.constant 3 : i32
      %add3A_298 = arith.addi %mul3A_116, %add3A_297 : i32
      %add3A_299 = arith.constant 4 : i32
      %add3A_300 = arith.addi %add3A_298, %add3A_299 : i32
      %lt3A_301 = arith.constant 400 : i32
      %lt3A_302 = arith.cmpi slt, %add3A_300, %lt3A_301 : i32
      %convert_element_type3A_303 = arith.extui %lt3A_302 : i1 to i32
      %cond3A_304 = arith.constant 0 : i32
      %cond3A_305 = arith.cmpi ne, %convert_element_type3A_303, %cond3A_304 : i32
      scf.if %cond3A_305 {
        %dma_wait3A_306 = arith.constant 3 : i32
        %dma_wait3A_307 = arith.constant 0 : i32
        %dma_wait3A_308 = arith.constant 0 : i32
        %dma_wait3A_309 = tpu.memref_slice %arg7[%dma_wait3A_306, %dma_wait3A_307, %dma_wait3A_308] : memref<4x64x64xf32, #tpu.memory_space<vmem>> -> memref<1x64x64xf32, #tpu.memory_space<vmem>>
        %dma_wait3A_310 = tpu.memref_squeeze %dma_wait3A_309 : memref<1x64x64xf32, #tpu.memory_space<vmem>> -> memref<64x64xf32, #tpu.memory_space<vmem>>
        %dma_wait3A_311 = arith.constant 0 : i32
        %dma_wait3A_312 = arith.constant 0 : i32
        %dma_wait3A_313 = tpu.memref_slice %arg4[%dma_wait3A_311, %dma_wait3A_312] : memref<819200x64xf32, #tpu.memory_space<hbm>> -> memref<64x64xf32, #tpu.memory_space<hbm>>
        %dma_wait3A_314 = arith.constant 0 : i32
        %dma_wait3A_315 = arith.constant 0 : i32
        %dma_wait3A_316 = tpu.memref_slice %arg4[%dma_wait3A_314, %dma_wait3A_315] : memref<819200x64xf32, #tpu.memory_space<hbm>> -> memref<64x64xf32, #tpu.memory_space<hbm>>
        %dma_wait3A_317 = arith.constant 0 : i32
        %dma_wait3A_318 = arith.constant 0 : i32
        %dma_wait3A_319 = tpu.memref_slice %arg7[%dma_wait3A_306, %dma_wait3A_317, %dma_wait3A_318] : memref<4x64x64xf32, #tpu.memory_space<vmem>> -> memref<1x64x64xf32, #tpu.memory_space<vmem>>
        %dma_wait3A_320 = tpu.memref_squeeze %dma_wait3A_319 : memref<1x64x64xf32, #tpu.memory_space<vmem>> -> memref<64x64xf32, #tpu.memory_space<vmem>>
        tpu.wait_dma2 semaphore(%arg15 : memref<!tpu.dma_semaphore, #tpu.memory_space<semaphore_mem>>) src(%dma_wait3A_320 : memref<64x64xf32, #tpu.memory_space<vmem>>) dst(%dma_wait3A_316 : memref<64x64xf32, #tpu.memory_space<hbm>>)
        %dma_start3A_321 = arith.constant 3 : i32
        %dma_start3A_322 = arith.constant 0 : i32
        %dma_start3A_323 = arith.constant 0 : i32
        %dma_start3A_324 = tpu.memref_slice %arg6[%dma_start3A_321, %dma_start3A_322, %dma_start3A_323] : memref<4x64x128xf32, #tpu.memory_space<vmem>> -> memref<1x64x128xf32, #tpu.memory_space<vmem>>
        %dma_start3A_325 = tpu.memref_squeeze %dma_start3A_324 : memref<1x64x128xf32, #tpu.memory_space<vmem>> -> memref<64x128xf32, #tpu.memory_space<vmem>>
        %dma_start3A_326 = arith.constant 0 : i32
        %dma_start3A_327 = tpu.memref_slice %arg5[%add3A_300, %dma_start3A_326] : memref<400x64xi32, #tpu.memory_space<vmem>> -> memref<1x64xi32, #tpu.memory_space<vmem>>
        %dma_start3A_328 = tpu.memref_squeeze %dma_start3A_327 : memref<1x64xi32, #tpu.memory_space<vmem>> -> memref<64xi32, #tpu.memory_space<vmem>>
        %dma_start3A_329 = arith.constant 0 : i32
        %dma_start3A_330 = arith.constant 0 : i32
        %dma_start3A_331 = tpu.memref_slice %arg3[%dma_start3A_329, %dma_start3A_330] : memref<1000000x128xf32, #tpu.memory_space<hbm>> -> memref<1000000x128xf32, #tpu.memory_space<hbm>>
        tpu.enqueue_indirect_dma source(%dma_start3A_331 : memref<1000000x128xf32, #tpu.memory_space<hbm>>) target(%dma_start3A_325 : memref<64x128xf32, #tpu.memory_space<vmem>>) offsets(%dma_start3A_328 : memref<64xi32, #tpu.memory_space<vmem>>) semaphore(%arg11 : memref<!tpu.dma_semaphore, #tpu.memory_space<semaphore_mem>>)
      } else {
      }
    }
    %scan3A_54 = arith.constant 100 : i32
    %dma_wait3A = arith.constant 0 : i32
    %dma_wait3A_55 = arith.constant 0 : i32
    %dma_wait3A_56 = arith.constant 0 : i32
    %dma_wait3A_57 = tpu.memref_slice %arg7[%dma_wait3A, %dma_wait3A_55, %dma_wait3A_56] : memref<4x64x64xf32, #tpu.memory_space<vmem>> -> memref<1x64x64xf32, #tpu.memory_space<vmem>>
    %dma_wait3A_58 = tpu.memref_squeeze %dma_wait3A_57 : memref<1x64x64xf32, #tpu.memory_space<vmem>> -> memref<64x64xf32, #tpu.memory_space<vmem>>
    %dma_wait3A_59 = arith.constant 0 : i32
    %dma_wait3A_60 = arith.constant 0 : i32
    %dma_wait3A_61 = tpu.memref_slice %arg4[%dma_wait3A_59, %dma_wait3A_60] : memref<819200x64xf32, #tpu.memory_space<hbm>> -> memref<64x64xf32, #tpu.memory_space<hbm>>
    %dma_wait3A_62 = arith.constant 0 : i32
    %dma_wait3A_63 = arith.constant 0 : i32
    %dma_wait3A_64 = tpu.memref_slice %arg4[%dma_wait3A_62, %dma_wait3A_63] : memref<819200x64xf32, #tpu.memory_space<hbm>> -> memref<64x64xf32, #tpu.memory_space<hbm>>
    %dma_wait3A_65 = arith.constant 0 : i32
    %dma_wait3A_66 = arith.constant 0 : i32
    %dma_wait3A_67 = tpu.memref_slice %arg7[%dma_wait3A, %dma_wait3A_65, %dma_wait3A_66] : memref<4x64x64xf32, #tpu.memory_space<vmem>> -> memref<1x64x64xf32, #tpu.memory_space<vmem>>
    %dma_wait3A_68 = tpu.memref_squeeze %dma_wait3A_67 : memref<1x64x64xf32, #tpu.memory_space<vmem>> -> memref<64x64xf32, #tpu.memory_space<vmem>>
    tpu.wait_dma2 semaphore(%arg12 : memref<!tpu.dma_semaphore, #tpu.memory_space<semaphore_mem>>) src(%dma_wait3A_68 : memref<64x64xf32, #tpu.memory_space<vmem>>) dst(%dma_wait3A_64 : memref<64x64xf32, #tpu.memory_space<hbm>>)
    %dma_wait3A_69 = arith.constant 1 : i32
    %dma_wait3A_70 = arith.constant 0 : i32
    %dma_wait3A_71 = arith.constant 0 : i32
    %dma_wait3A_72 = tpu.memref_slice %arg7[%dma_wait3A_69, %dma_wait3A_70, %dma_wait3A_71] : memref<4x64x64xf32, #tpu.memory_space<vmem>> -> memref<1x64x64xf32, #tpu.memory_space<vmem>>
    %dma_wait3A_73 = tpu.memref_squeeze %dma_wait3A_72 : memref<1x64x64xf32, #tpu.memory_space<vmem>> -> memref<64x64xf32, #tpu.memory_space<vmem>>
    %dma_wait3A_74 = arith.constant 0 : i32
    %dma_wait3A_75 = arith.constant 0 : i32
    %dma_wait3A_76 = tpu.memref_slice %arg4[%dma_wait3A_74, %dma_wait3A_75] : memref<819200x64xf32, #tpu.memory_space<hbm>> -> memref<64x64xf32, #tpu.memory_space<hbm>>
    %dma_wait3A_77 = arith.constant 0 : i32
    %dma_wait3A_78 = arith.constant 0 : i32
    %dma_wait3A_79 = tpu.memref_slice %arg4[%dma_wait3A_77, %dma_wait3A_78] : memref<819200x64xf32, #tpu.memory_space<hbm>> -> memref<64x64xf32, #tpu.memory_space<hbm>>
    %dma_wait3A_80 = arith.constant 0 : i32
    %dma_wait3A_81 = arith.constant 0 : i32
    %dma_wait3A_82 = tpu.memref_slice %arg7[%dma_wait3A_69, %dma_wait3A_80, %dma_wait3A_81] : memref<4x64x64xf32, #tpu.memory_space<vmem>> -> memref<1x64x64xf32, #tpu.memory_space<vmem>>
    %dma_wait3A_83 = tpu.memref_squeeze %dma_wait3A_82 : memref<1x64x64xf32, #tpu.memory_space<vmem>> -> memref<64x64xf32, #tpu.memory_space<vmem>>
    tpu.wait_dma2 semaphore(%arg13 : memref<!tpu.dma_semaphore, #tpu.memory_space<semaphore_mem>>) src(%dma_wait3A_83 : memref<64x64xf32, #tpu.memory_space<vmem>>) dst(%dma_wait3A_79 : memref<64x64xf32, #tpu.memory_space<hbm>>)
    %dma_wait3A_84 = arith.constant 2 : i32
    %dma_wait3A_85 = arith.constant 0 : i32
    %dma_wait3A_86 = arith.constant 0 : i32
    %dma_wait3A_87 = tpu.memref_slice %arg7[%dma_wait3A_84, %dma_wait3A_85, %dma_wait3A_86] : memref<4x64x64xf32, #tpu.memory_space<vmem>> -> memref<1x64x64xf32, #tpu.memory_space<vmem>>
    %dma_wait3A_88 = tpu.memref_squeeze %dma_wait3A_87 : memref<1x64x64xf32, #tpu.memory_space<vmem>> -> memref<64x64xf32, #tpu.memory_space<vmem>>
    %dma_wait3A_89 = arith.constant 0 : i32
    %dma_wait3A_90 = arith.constant 0 : i32
    %dma_wait3A_91 = tpu.memref_slice %arg4[%dma_wait3A_89, %dma_wait3A_90] : memref<819200x64xf32, #tpu.memory_space<hbm>> -> memref<64x64xf32, #tpu.memory_space<hbm>>
    %dma_wait3A_92 = arith.constant 0 : i32
    %dma_wait3A_93 = arith.constant 0 : i32
    %dma_wait3A_94 = tpu.memref_slice %arg4[%dma_wait3A_92, %dma_wait3A_93] : memref<819200x64xf32, #tpu.memory_space<hbm>> -> memref<64x64xf32, #tpu.memory_space<hbm>>
    %dma_wait3A_95 = arith.constant 0 : i32
    %dma_wait3A_96 = arith.constant 0 : i32
    %dma_wait3A_97 = tpu.memref_slice %arg7[%dma_wait3A_84, %dma_wait3A_95, %dma_wait3A_96] : memref<4x64x64xf32, #tpu.memory_space<vmem>> -> memref<1x64x64xf32, #tpu.memory_space<vmem>>
    %dma_wait3A_98 = tpu.memref_squeeze %dma_wait3A_97 : memref<1x64x64xf32, #tpu.memory_space<vmem>> -> memref<64x64xf32, #tpu.memory_space<vmem>>
    tpu.wait_dma2 semaphore(%arg14 : memref<!tpu.dma_semaphore, #tpu.memory_space<semaphore_mem>>) src(%dma_wait3A_98 : memref<64x64xf32, #tpu.memory_space<vmem>>) dst(%dma_wait3A_94 : memref<64x64xf32, #tpu.memory_space<hbm>>)
    %dma_wait3A_99 = arith.constant 3 : i32
    %dma_wait3A_100 = arith.constant 0 : i32
    %dma_wait3A_101 = arith.constant 0 : i32
    %dma_wait3A_102 = tpu.memref_slice %arg7[%dma_wait3A_99, %dma_wait3A_100, %dma_wait3A_101] : memref<4x64x64xf32, #tpu.memory_space<vmem>> -> memref<1x64x64xf32, #tpu.memory_space<vmem>>
    %dma_wait3A_103 = tpu.memref_squeeze %dma_wait3A_102 : memref<1x64x64xf32, #tpu.memory_space<vmem>> -> memref<64x64xf32, #tpu.memory_space<vmem>>
    %dma_wait3A_104 = arith.constant 0 : i32
    %dma_wait3A_105 = arith.constant 0 : i32
    %dma_wait3A_106 = tpu.memref_slice %arg4[%dma_wait3A_104, %dma_wait3A_105] : memref<819200x64xf32, #tpu.memory_space<hbm>> -> memref<64x64xf32, #tpu.memory_space<hbm>>
    %dma_wait3A_107 = arith.constant 0 : i32
    %dma_wait3A_108 = arith.constant 0 : i32
    %dma_wait3A_109 = tpu.memref_slice %arg4[%dma_wait3A_107, %dma_wait3A_108] : memref<819200x64xf32, #tpu.memory_space<hbm>> -> memref<64x64xf32, #tpu.memory_space<hbm>>
    %dma_wait3A_110 = arith.constant 0 : i32
    %dma_wait3A_111 = arith.constant 0 : i32
    %dma_wait3A_112 = tpu.memref_slice %arg7[%dma_wait3A_99, %dma_wait3A_110, %dma_wait3A_111] : memref<4x64x64xf32, #tpu.memory_space<vmem>> -> memref<1x64x64xf32, #tpu.memory_space<vmem>>
    %dma_wait3A_113 = tpu.memref_squeeze %dma_wait3A_112 : memref<1x64x64xf32, #tpu.memory_space<vmem>> -> memref<64x64xf32, #tpu.memory_space<vmem>>
    tpu.wait_dma2 semaphore(%arg15 : memref<!tpu.dma_semaphore, #tpu.memory_space<semaphore_mem>>) src(%dma_wait3A_113 : memref<64x64xf32, #tpu.memory_space<vmem>>) dst(%dma_wait3A_109 : memref<64x64xf32, #tpu.memory_space<hbm>>)
    return
  }
}

</mosaic_0001>

<sc_bundles>
// kernel: kernel.3.cloned.1.call-start
scs
__scs_entry_jumppad:
0x0: {  	(pc) =	sbr.rel $0x88, $3  }
0x1: {  	(tag) =	ssettag $0x0;
	lr =	simm.s32 $0x1  }
0x2: {  	[smem:$0x3F9F] =	sst lr;
	_ =	strace $0xD0000000  }
0x3: {  	_ = 	snop  }
0x4: {  	_ = 	snop  }
0x5: {  	_ = 	snop  }
0x6: {  	_ = 	snop  }
0x7: {  	_ = 	snop  }
__scs_overlays_trampoline_lowered:
0x8: {  	[smem:$0x3FAE] =	sst s0  }
0x9: {  	[smem:$0x3FAF] =	sst s1  }
0xa: {  	[smem:$0x3FB0] =	sst s2  }
0xb: {  	[smem:$0x3FB1] =	sst s3  }
0xc: {  	[smem:$0x3FB2] =	sst s4  }
0xd: {  	[smem:$0x3FB3] =	sst s5  }
0xe: {  	[smem:$0x3FB4] =	sst s6  }
0xf: {  	[smem:$0x3FB5] =	sst s7  }
0x10: {  	[smem:$0x3FB6] =	sst s8  }
0x11: {  	[smem:$0x3FB7] =	sst s9;
	s0 =	simm.s32 @!p0 $0x0  }
0x12: {  	s1 =	sld [smem:$0x3F9D];
	s0 =	simm.s32 @p0 $0x1  }
0x13: {  	[smem:$0x3FB8] =	sst s0;
	s0 =	simm.s32 @!p1 $0x0  }
0x14: {  	s2 =	sld [smem:$0x3F9C];
	s0 =	simm.s32 @p1 $0x1  }
0x15: {  	[smem:$0x3FB9] =	sst s0;
	s0 =	simm.s32 @!p2 $0x0  }
0x16: {  	s3 =	sld [smem:$0x3FDB];
	s0 =	simm.s32 @p2 $0x1  }
0x17: {  	s4 =	simm.s32 $0x1BF5;
	[smem:$0x3FBB] =	sst s0  }
0x18: {  	s0 =	sld [smem:$0x3F9E];
	_ =	swait.ge [sflag:s4], $0x0  }
0x19: {  	s7 =	sld [smem:$0x3F9F]  }
0x1a: {  	s8 =	sadd.s32 $0xFFFFE003, lr  }
0x1b: {  	s9 =	sadd.s32 $0xFFFFFEF7, lr;
	s5 =	simm.s32 $0xFFFFFFFF;
	p2 =	slt.u32 s8, $0xFFFFF086  }
0x1c: {  	p1 =	slt.u32 s9, $0xF7A;
	s5 =	simm.s32 @!p2 $0x0  }
0x1d: {  	s5 =	simm.s32 @p1 $0x1;
	p0 =	seq.s32 s7, s2  }
0x1e: {  	s7 =	smul.u32 @!p0 $0xF7A, s2;
	p2 =	seq.s32 @!p0 s5, $0x0  }
0x1f: {  	s9 =	smul.u32 $0xF7A, s1;
	s8 =	simm.s32 @!p0 $0x1BF5;
	p2 =	por !p2, p0  }
0x20: {  	[sflag:s8] =	ssyncset.s32 @!p0 $0xFFFFF086;
	s6 =	sadd.s32 @!p0 s3, s7;
	s7 =	simm.s32 @!p0 $0x108  }
0x21: {  	s3 =	sadd.s32 s3, s9;
	s6 =	sadd.s32 @!p0 $0x88, s6;
	s7 =	simm.s32 @p2 $0x1082  }
0x22: {  	[simem:s7], [sflag:s8] =	dma.local @!p0 [hbm:s6], $0xF7A  }
0x23: {  	s9 =	sor.u32 $0xD0000000, s2;
	s6 =	simm.s32 $0x108;
	_ =	swait.ge @!p0 [sflag:s8], $0x0  }
0x24: {  	s3 =	sadd.s32 $0x88, s3;
	s6 =	simm.s32 @!p1 $0x1082;
	[sflag:s4] =	ssyncset.s32 $0xFFFFF086  }
0x25: {  	[simem:s6], [sflag:s4] =	dma.local [hbm:s3], $0xF7A  }
0x26: {  	[smem:$0x3F9F] =	sst s1;
	(tag) =	ssettag s2;
	_ =	strace s9  }
0x27: {  	s1 =	sld [smem:$0x3FAF]  }
0x28: {  	s2 =	sld [smem:$0x3FB0]  }
0x29: {  	s4 =	sld [smem:$0x3FB2]  }
0x2a: {  	p0 =	seq.s32 s5, $0x0;
	s5 =	sld [smem:$0x3FB3]  }
0x2b: {  	s6 =	sld [smem:$0x3FB4]  }
0x2c: {  	s7 =	sld [smem:$0x3FB5]  }
0x2d: {  	s3 =	simm.s32 $0x108;
	s8 =	sld [smem:$0x3FB6]  }
0x2e: {  	s3 =	simm.s32 @!p0 $0x1082;
	s9 =	sld [smem:$0x3FB7]  }
0x2f: {  	lr =	sadd.s32 s0, s3;
	s0 =	sld [smem:$0x3FAE]  }
0x30: {  	s3 =	sld [smem:$0x3FB1]  }
0x31: {  	[smem:$0x3FBA] =	sst s10  }
0x32: {  	s10 =	sld [smem:$0x3FB8];
	_ =	sdelay $0x3  }
0x33: {  	p0 =	seq.s32 s10, $0x1;
	s10 =	sld [smem:$0x3FBA];
	_ =	sdelay $0x3  }
0x34: {  	[smem:$0x3FBA] =	sst s10  }
0x35: {  	s10 =	sld [smem:$0x3FB9];
	_ =	sdelay $0x3  }
0x36: {  	p1 =	seq.s32 s10, $0x1;
	s10 =	sld [smem:$0x3FBA];
	_ =	sdelay $0x3  }
0x37: {  	[smem:$0x3FBA] =	sst s10  }
0x38: {  	s10 =	sld [smem:$0x3FBB]  }
0x39: {  	_ = 	snop;
	(pc) =	sbr.ind lr, $3  }
0x3a: {  	_ = 	snop  }
0x3b: {  	_ = 	snop  }
0x3c: {  	p2 =	seq.s32 s10, $0x1;
	s10 =	sld [smem:$0x3FBA]  }
0x3d: {  	_ =	shalt  }
0x3e: {  	_ =	shalt  }
0x3f: {  	_ =	shalt  }
0x40: {  	_ =	shalt  }
0x41: {  	_ =	shalt  }
0x42: {  	_ =	shalt  }
0x43: {  	_ =	shalt  }
0x44: {  	_ =	shalt  }
0x45: {  	_ =	shalt  }
0x46: {  	_ =	shalt  }
0x47: {  	_ =	shalt  }
0x48: {  	_ =	shalt  }
0x49: {  	_ =	shalt  }
0x4a: {  	_ =	shalt  }
0x4b: {  	_ =	shalt  }
0x4c: {  	_ =	shalt  }
0x4d: {  	_ =	shalt  }
0x4e: {  	_ =	shalt  }
0x4f: {  	_ =	shalt  }
0x50: {  	_ =	shalt  }
0x51: {  	_ =	shalt  }
0x52: {  	_ =	shalt  }
0x53: {  	_ =	shalt  }
0x54: {  	_ =	shalt  }
0x55: {  	_ =	shalt  }
0x56: {  	_ =	shalt  }
0x57: {  	_ =	shalt  }
0x58: {  	_ =	shalt  }
0x59: {  	_ =	shalt  }
0x5a: {  	_ =	shalt  }
0x5b: {  	_ =	shalt  }
0x5c: {  	_ =	shalt  }
0x5d: {  	_ =	shalt  }
0x5e: {  	_ =	shalt  }
0x5f: {  	_ =	shalt  }
0x60: {  	_ =	shalt  }
0x61: {  	_ =	shalt  }
0x62: {  	_ =	shalt  }
0x63: {  	_ =	shalt  }
0x64: {  	_ =	shalt  }
0x65: {  	_ =	shalt  }
0x66: {  	_ =	shalt  }
0x67: {  	_ =	shalt  }
0x68: {  	_ =	shalt  }
0x69: {  	_ =	shalt  }
0x6a: {  	_ =	shalt  }
0x6b: {  	_ =	shalt  }
0x6c: {  	_ =	shalt  }
0x6d: {  	_ =	shalt  }
0x6e: {  	_ =	shalt  }
0x6f: {  	_ =	shalt  }
0x70: {  	_ =	shalt  }
0x71: {  	_ =	shalt  }
0x72: {  	_ =	shalt  }
0x73: {  	_ =	shalt  }
0x74: {  	_ =	shalt  }
0x75: {  	_ =	shalt  }
0x76: {  	_ =	shalt  }
0x77: {  	_ =	shalt  }
0x78: {  	_ =	shalt  }
0x79: {  	_ =	shalt  }
0x7a: {  	_ =	shalt  }
0x7b: {  	_ =	shalt  }
0x7c: {  	_ =	shalt  }
0x7d: {  	_ =	shalt  }
0x7e: {  	_ =	shalt  }
0x7f: {  	_ =	shalt  }
0x80: {  	_ =	shalt  }
0x81: {  	_ =	shalt  }
0x82: {  	_ =	shalt  }
0x83: {  	_ =	shalt  }
0x84: {  	_ =	shalt  }
0x85: {  	_ =	shalt  }
0x86: {  	_ =	shalt  }
0x87: {  	_ =	shalt  }
.Lfunc_end0:
.L_simem_size_0:
called_computation.1_lowered:
.L_overlay_start_0:
0x88: {  	s2 =	sld [smem:$0x3FD9]  }
0x89: {  	s3 =	sld [smem:$0x3FFE];
	_ =	sdelay $0x1  }
0x8a: {  	s1 =	srdreg.scid  }
0x8b: {  	s0 =	sand.u32 $0x1, s1  }
0x8c: {  	s17 =	sshll.u32 s0, $0xA;
	s2 =	sadd.s32 s3, s2  }
0x8d: {  	s2 =	sadd.s32 s2, s17  }
0x8e: {  	[smem:$0x3FC6] =	sst s2  }
0x8f: {  	_ = 	snop  }
0x90: {  	s2 =	sld [smem:$0x3FD0];
	(tm) =	ssettm $0x1  }
0x91: {  	s18 =	sld [smem:$0x3FFB];
	_ =	sdelay $0x3  }
0x92: {  	_ =	strace s18  }
0x93: {  	s3 =	sld [smem:$0x3FFC];
	_ =	sdelay $0x3  }
0x94: {  	_ =	strace s3  }
0x95: {  	s3 =	sld [smem:$0x3FFD];
	_ =	sdelay $0x3  }
0x96: {  	_ =	strace s3  }
0x97: {  	_ =	strace $0x8FFFFFFF  }
0x98: {  	s19 =	sld [smem:$0x3FDB];
	_ =	sdelay $0x1  }
0x99: {  	s4 =	simm.s32 $_scs_section_size  }
0x9a: {  	s5 =	simm.s32 $_size__tile_overlayer_lowered;
	s6 =	simm.s32 $_tile_overlayer_lowered  }
0x9b: {  	s22 =	simm.s32 $0x1BFF;
	s21 =	sshll.u32 s6, $0x1;
	s3 =	sadd.s32 s4, s19  }
0x9c: {  	s7 =	simm.s32 $0x0;
	s20 =	sshll.u32 s5, $0x1;
	s5 =	sadd.s32 s21, s3  }
0x9d: {  	[timem:s7], [sflag:s22] =	dma.local [hbm:s5], s20  }
0x9e: {  	_ =	swait.ge [sflag:s22], s20  }
0x9f: {  	s4 =	ssub.s32 $0x0, s20;
	[sflag:s22] =	ssyncset.done $0x0  }
0xa0: {  	[sflag:s22] =	ssyncadd.s32 s4;
	_ =	sdelay $0x1  }
0xa1: {  	s23 =	simm.s32 $0x1B8B  }
0xa2: {  	_ =	swait.ge [sflag:s23], $0x1  }
0xa3: {  	[sflag:s23] =	ssyncset.done $0x0  }
0xa4: {  	s25 =	simm.s32 $0x1B8E;
	s24 =	sld [smem:$0x3FFE];
	[sflag:s23] =	ssyncadd.s32 $0xFFFFFFFF  }
0xa5: {  	s26 =	simm.s32 $execute0_lowered;
	[smem:$0x3FD2] =	sst s25  }
0xa6: {  	s5 =	sshll.u32 s26, $0x1;
	_ =	strace $0x80000046;
	[dreg:$0x1] =	wrdreg $0xFFFFFFFF  }
0xa7: {  	s28 =	simm.s32 $_size_execute0_lowered;
	s3 =	sadd.s32 s3, s5;
	[dreg:$0x0] =	wrdreg $0x0  }
0xa8: {  	s5 =	sshll.u32 s28, $0x1;
	[dreg:$0x2] =	wrdreg s3  }
0xa9: {  	[dreg:$0x3] =	wrdreg s5  }
0xaa: {  	[dreg:$0x4] =	wrdreg $0xC0  }
0xab: {  	_ =	task [dreg:s7], $0x5FFFF  }
0xac: {  	[dreg:$0x1] =	wrdreg $0xFFFFFFFF  }
0xad: {  	[dreg:$0x0] =	wrdreg $0x60  }
0xae: {  	[dreg:$0x2] =	wrdreg s2  }
0xaf: {  	[dreg:$0x3] =	wrdreg s24  }
0xb0: {  	[dreg:$0x4] =	wrdreg $0x9  }
0xb1: {  	_ =	task.clear_ibuf [dreg:s7], $0x5FFFF;
	_ =	strace $0x90000046  }
0xb2: {  	s29 =	simm.s32 $0x9;
	_ =	strace $0x80000048  }
0xb3: {  	_ =	swait.ge [sflag:s29], $0x1  }
0xb4: {  	[sflag:s29] =	ssyncadd.s32 $0xFFFFFFFF  }
0xb5: {  	_ =	strace $0x90000048  }
0xb6: {  	_ =	sfence  }
0xb7: {  	s30 =	sld [smem:$0x0];
	_ =	sdelay $0x2  }
0xb8: {  	s31 =	sshll.u32 s1, $0xD;
	s1 =	sshrl.u32 s1, $0x2  }
0xb9: {  	s3 =	sand.u32 $0x4000, s31;
	s1 =	sadd.s32 s1, s30  }
0xba: {  	s0 =	sor.u32 s3, s0;
	s1 =	sshll.u32 s1, $0x11  }
0xbb: {  	s0 =	sor.u32 s1, s0  }
0xbc: {  	s0 =	sadd.s32 $0x8F2B, s0  }
0xbd: {  	[sflag:s0] =	ssyncadd.remote.s32 $0x1  }
0xbe: {  	_ =	sfence.sel $0xFFFF  }
0xbf: {  	[dreg:$0x0] =	wrdreg $0xFFFFFFFF;
	(pc) =	sbr.abs _section_cstart, $3  }
0xc0: {  	[dreg:$0x1] =	wrdreg $0xFFFFFFFF  }
0xc1: {  	_ =	task.clear_ibuf [dreg:s7], $0x2FFFF;
	_ =	strace $0x9FFFFFFF  }
0xc2: {  	(tm) =	ssettm $0x7FFFFFFF  }
0xc3: {  	_ =	shalt  }
tec
execute0_lowered:
.L_overlay_start_1:
0x0: {  	(tag) =	ssettag $0x1  }
0x1: {  	s0 =	rddreg [dreg:$0x0];
	s1 =	srdreg.scid  }
0x2: {  	s2 =	stileid.u32;
	s5 =	rddreg [dreg:$0x1];
	s11 =	simm.s32 $0x9  }
0x3: {  	s12 =	simm.s32 $0x40;
	s13 =	simm.s32 $0xC800;
	s15 =	simm.s32 $0xE800  }
0x4: {  	s17 =	simm.s32 $0x10800;
	s19 =	simm.s32 $0x12800;
	s20 =	simm.s32 $0x1  }
0x5: {  	s21 =	simm.s32 $0x14800;
	s22 =	simm.s32 $0x2;
	s23 =	simm.s32 $0x16800  }
0x6: {  	s24 =	simm.s32 $0x3;
	s25 =	simm.s32 $0x18800;
	s28 =	simm.s32 $0x1A800  }
0x7: {  	s29 =	simm.s32 $0x5;
	s1 =	sand.u32 $0x1, s1;
	s3 =	sshll.u32 s2, $0x1  }
0x8: {  	s30 =	simm.s32 $0x6;
	s2 =	simm.s32 $0x0;
	s4 =	sor.u32 s1, s3  }
0x9: {  	s31 =	simm.s32 $0x7;
	[smem:$0x7FF] =	sst s2;
	s3 =	smul.u32 $0x190, s4  }
0xa: {  	s1 =	ssub.s32 $0x2, s1;
	_ =	strace $0x80000047;
	s7 =	smul.u32 $0x1900, s4  }
.Ltmp0:
0xb: {  	s6 =	sshrl.u32 s1, $0x1;
	s4 =	sadd.s32 $0xF42E00, s5;
	(pc) =	sbr.rel .LBB2_1-.Ltmp0, $4  }
0xc: {  	s5 =	sadd.s32 $0xA00, s5;
	s1 =	ssub.s32 s1, s6;
	s0 =	sadd.s32 s0, s7  }
0xd: {  	s7 =	sor.u32 $0x1, s3;
	s8 =	sor.u32 $0x2, s3;
	s9 =	sor.u32 $0x3, s3  }
0xe: {  	s26 =	smax.u32 s1, $0x1;
	s1 =	simm.s32 $0x8;
	[dreg:$0x3] =	wrdreg s0  }
0xf: {  	[dreg:$0x4] =	wrdreg s26;
	s26 =	simm.s32 $0x4;
	s0 =	simm.s32 $0x0  }
.LBB2_12:
0x10: {  	_ =	swait.ge [sflag:s30], $0x2000  }
0x11: {  	[sflag:s30] =	ssyncset.done $0x0  }
0x12: {  	[sflag:s30] =	ssyncadd.s32 $0xFFFFE000  }
0x13: {  	_ =	swait.ge [sflag:s31], $0x2000  }
0x14: {  	[sflag:s31] =	ssyncset.done $0x0  }
0x15: {  	[sflag:s31] =	ssyncadd.s32 $0xFFFFE000  }
0x16: {  	_ =	swait.ge [sflag:s1], $0x2000  }
0x17: {  	s0 =	sadd.s32 $0x1, s0;
	s6 =	rddreg [dreg:$0x4]  }
0x18: {  	p0 =	sne.s32 s0, s6  }
.Ltmp1:
0x19: {  	_ = 	snop;
	(pc) =	sbr.rel @!p0 .LBB2_13-.Ltmp1, $3  }
0x1a: {  	_ =	sdelay $0x1  }
0x1b: {  	[sflag:s1] =	ssyncset.done $0x0  }
0x1c: {  	[sflag:s1] =	ssyncadd.s32 $0xFFFFE000  }
.LBB2_1:
0x1d: {  	s6 =	rddreg [dreg:$0x3]  }
0x1e: {  	[tilespmem:s2], [sflag:$0x9] =	stream.linear.gather [hbm4b:s6+s2], $0xC800, $0x38;
	[tilespmem:$0x1C800] =	vst v63  }
0x1f: {  	_ =	swait.ge [sflag:s11], $0xC800  }
0x20: {  	[sflag:s11] =	ssyncset.done $0x0  }
0x21: {  	[sflag:s11] =	ssyncadd.s32 $0xFFFF3800  }
0x22: {  	[tilespmem:s13], [sflag:$0x1] =	stream.indirect.gather [hbm4b:s4+s12], $0x80, s2, s12, $0xb8;
	[tilespmem:$0x1C800] =	vst v63  }
0x23: {  	s14 =	simm.s32 $0x80  }
0x24: {  	[tilespmem:s15], [sflag:$0x2] =	stream.indirect.gather [hbm4b:s4+s12], $0x80, s14, s12, $0xb8;
	[tilespmem:$0x1C800] =	vst v63  }
0x25: {  	s16 =	simm.s32 $0x100  }
0x26: {  	[tilespmem:s17], [sflag:$0x3] =	stream.indirect.gather [hbm4b:s4+s12], $0x80, s16, s12, $0xb8;
	[tilespmem:$0x1C800] =	vst v63  }
0x27: {  	s18 =	simm.s32 $0x180;
	s14 =	simm.s32 $0x0  }
0x28: {  	[tilespmem:s19], [sflag:$0x4] =	stream.indirect.gather [hbm4b:s4+s12], $0x80, s18, s12, $0xb8;
	[tilespmem:$0x1C800] =	vst v63  }
.LBB2_2:
0x29: {  	_ =	swait.ge [sflag:s20], $0x2000  }
0x2a: {  	[sflag:s20] =	ssyncset.done $0x0  }
0x2b: {  	s16 =	simm.s32 $0x0;
	[sflag:s20] =	ssyncadd.s32 $0xFFFFE000  }
0x2c: {  	v0 =	vld [tilespmem:s16+$0xCBB0]  }
0x2d: {  	v1 =	vld [tilespmem:s16+$0xC800]  }
0x2e: {  	v2 =	vld [tilespmem:s16+$0xC810]  }
0x2f: {  	v3 =	vld [tilespmem:s16+$0xC820]  }
0x30: {  	v4 =	vld [tilespmem:s16+$0xC830]  }
0x31: {  	v5 =	vld [tilespmem:s16+$0xC880];
	[tilespmem:s16+$0x14BB0] =	vst v0  }
0x32: {  	[tilespmem:s16+$0x14800] =	vst v1;
	v0 =	vld [tilespmem:s16+$0xC890]  }
0x33: {  	[tilespmem:s16+$0x14810] =	vst v2;
	v1 =	vld [tilespmem:s16+$0xC8A0]  }
0x34: {  	[tilespmem:s16+$0x14820] =	vst v3;
	v2 =	vld [tilespmem:s16+$0xC8B0]  }
0x35: {  	[tilespmem:s16+$0x14830] =	vst v4;
	v3 =	vld [tilespmem:s16+$0xC900]  }
0x36: {  	[tilespmem:s16+$0x14880] =	vst v5;
	v4 =	vld [tilespmem:s16+$0xC910]  }
0x37: {  	v5 =	vld [tilespmem:s16+$0xCB10];
	[tilespmem:s16+$0x14890] =	vst v0  }
0x38: {  	v0 =	vld [tilespmem:s16+$0xC920];
	[tilespmem:s16+$0x148A0] =	vst v1  }
0x39: {  	v1 =	vld [tilespmem:s16+$0xC930];
	[tilespmem:s16+$0x148B0] =	vst v2  }
0x3a: {  	v2 =	vld [tilespmem:s16+$0xC980];
	[tilespmem:s16+$0x14900] =	vst v3  }
0x3b: {  	v3 =	vld [tilespmem:s16+$0xC990];
	[tilespmem:s16+$0x14910] =	vst v4  }
0x3c: {  	v4 =	vld [tilespmem:s16+$0xC9A0];
	[tilespmem:s16+$0x14B10] =	vst v5  }
0x3d: {  	[tilespmem:s16+$0x14920] =	vst v0;
	v0 =	vld [tilespmem:s16+$0xC9B0]  }
0x3e: {  	[tilespmem:s16+$0x14930] =	vst v1;
	v1 =	vld [tilespmem:s16+$0xCA00]  }
0x3f: {  	[tilespmem:s16+$0x14980] =	vst v2;
	v2 =	vld [tilespmem:s16+$0xCA10]  }
0x40: {  	[tilespmem:s16+$0x14990] =	vst v3;
	v3 =	vld [tilespmem:s16+$0xCA20]  }
0x41: {  	[tilespmem:s16+$0x149A0] =	vst v4;
	v4 =	vld [tilespmem:s16+$0xCA30]  }
0x42: {  	[tilespmem:s16+$0x149B0] =	vst v0;
	v0 =	vld [tilespmem:s16+$0xCA80]  }
0x43: {  	[tilespmem:s16+$0x14A00] =	vst v1;
	v1 =	vld [tilespmem:s16+$0xCA90]  }
0x44: {  	[tilespmem:s16+$0x14A10] =	vst v2;
	v2 =	vld [tilespmem:s16+$0xCAA0]  }
0x45: {  	[tilespmem:s16+$0x14A20] =	vst v3;
	v3 =	vld [tilespmem:s16+$0xCAB0]  }
0x46: {  	[tilespmem:s16+$0x14A30] =	vst v4;
	v4 =	vld [tilespmem:s16+$0xCB00]  }
0x47: {  	[tilespmem:s16+$0x14A80] =	vst v0;
	v0 =	vld [tilespmem:s16+$0xCB20]  }
0x48: {  	[tilespmem:s16+$0x14A90] =	vst v1;
	v1 =	vld [tilespmem:s16+$0xCB30]  }
0x49: {  	[tilespmem:s16+$0x14AA0] =	vst v2;
	v2 =	vld [tilespmem:s16+$0xCB80]  }
0x4a: {  	[tilespmem:s16+$0x14AB0] =	vst v3;
	v3 =	vld [tilespmem:s16+$0xCB90]  }
0x4b: {  	s6 =	simm.s32 $0x400;
	s18 =	simm.s32 $0x2000;
	[tilespmem:s16+$0x14B00] =	vst v4;
	v4 =	vld [tilespmem:s16+$0xCBA0]  }
.LBB2_3:
0x4c: {  	p0 =	sne.s32 s18, $0x7000;
	v5 =	vld [tilespmem:s6+$0xCBB0];
	[tilespmem:s16+$0x14B20] =	vst v0  }
0x4d: {  	v0 =	vld [tilespmem:s6+$0xC800];
	[tilespmem:s16+$0x14B30] =	vst v1  }
0x4e: {  	v1 =	vld [tilespmem:s6+$0xC810];
	[tilespmem:s16+$0x14B80] =	vst v2  }
0x4f: {  	v2 =	vld [tilespmem:s6+$0xC820];
	[tilespmem:s16+$0x14B90] =	vst v3  }
0x50: {  	v3 =	vld [tilespmem:s6+$0xC830];
	[tilespmem:s16+$0x14BA0] =	vst v4;
	s16 =	smov.u32 s6  }
0x51: {  	v4 =	vld [tilespmem:s16+$0xC880];
	[tilespmem:s16+$0x14BB0] =	vst v5  }
0x52: {  	[tilespmem:s16+$0x14800] =	vst v0;
	v0 =	vld [tilespmem:s16+$0xC890]  }
0x53: {  	[tilespmem:s16+$0x14810] =	vst v1;
	v1 =	vld [tilespmem:s16+$0xC8A0]  }
0x54: {  	[tilespmem:s16+$0x14820] =	vst v2;
	v2 =	vld [tilespmem:s16+$0xC8B0]  }
0x55: {  	[tilespmem:s16+$0x14830] =	vst v3;
	v3 =	vld [tilespmem:s16+$0xC900]  }
0x56: {  	[tilespmem:s16+$0x14880] =	vst v4;
	v4 =	vld [tilespmem:s16+$0xC910]  }
0x57: {  	[tilespmem:s16+$0x14890] =	vst v0;
	v0 =	vld [tilespmem:s16+$0xC920]  }
0x58: {  	[tilespmem:s16+$0x148A0] =	vst v1;
	v1 =	vld [tilespmem:s16+$0xC930]  }
0x59: {  	[tilespmem:s16+$0x148B0] =	vst v2;
	v2 =	vld [tilespmem:s16+$0xC980]  }
0x5a: {  	[tilespmem:s16+$0x14900] =	vst v3;
	v3 =	vld [tilespmem:s16+$0xC990]  }
0x5b: {  	[tilespmem:s16+$0x14910] =	vst v4;
	v4 =	vld [tilespmem:s16+$0xC9A0]  }
0x5c: {  	[tilespmem:s16+$0x14920] =	vst v0;
	v0 =	vld [tilespmem:s16+$0xC9B0]  }
0x5d: {  	[tilespmem:s16+$0x14930] =	vst v1;
	v1 =	vld [tilespmem:s16+$0xCA00]  }
0x5e: {  	[tilespmem:s16+$0x14980] =	vst v2;
	v2 =	vld [tilespmem:s16+$0xCA10]  }
0x5f: {  	[tilespmem:s16+$0x14990] =	vst v3;
	v3 =	vld [tilespmem:s16+$0xCA20]  }
0x60: {  	[tilespmem:s16+$0x149A0] =	vst v4;
	v4 =	vld [tilespmem:s16+$0xCA30]  }
0x61: {  	[tilespmem:s16+$0x149B0] =	vst v0;
	v0 =	vld [tilespmem:s16+$0xCA80]  }
0x62: {  	[tilespmem:s16+$0x14A00] =	vst v1;
	v1 =	vld [tilespmem:s16+$0xCA90]  }
0x63: {  	[tilespmem:s16+$0x14A10] =	vst v2;
	v2 =	vld [tilespmem:s16+$0xCAA0]  }
0x64: {  	[tilespmem:s16+$0x14A20] =	vst v3;
	v3 =	vld [tilespmem:s16+$0xCAB0]  }
0x65: {  	[tilespmem:s16+$0x14A30] =	vst v4;
	v4 =	vld [tilespmem:s16+$0xCB00]  }
0x66: {  	[tilespmem:s16+$0x14A80] =	vst v0;
	v5 =	vld [tilespmem:s16+$0xCB10]  }
.Ltmp2:
0x67: {  	[tilespmem:s16+$0x14A90] =	vst v1;
	v0 =	vld [tilespmem:s16+$0xCB20];
	(pc) =	sbr.rel @p0 .LBB2_3-.Ltmp2, $4  }
0x68: {  	[tilespmem:s16+$0x14AA0] =	vst v2;
	v1 =	vld [tilespmem:s16+$0xCB30]  }
0x69: {  	[tilespmem:s16+$0x14AB0] =	vst v3;
	v2 =	vld [tilespmem:s16+$0xCB80]  }
0x6a: {  	[tilespmem:s16+$0x14B00] =	vst v4;
	v3 =	vld [tilespmem:s16+$0xCB90]  }
0x6b: {  	s6 =	sshra.s32 s18, $0x2;
	s18 =	sadd.s32 $0x1000, s18;
	[tilespmem:s16+$0x14B10] =	vst v5;
	v4 =	vld [tilespmem:s16+$0xCBA0]  }
0x6c: {  	v5 =	vld [tilespmem:s6+$0xCBB0];
	[tilespmem:s16+$0x14B20] =	vst v0  }
0x6d: {  	v0 =	vld [tilespmem:s6+$0xC800];
	[tilespmem:s16+$0x14B30] =	vst v1  }
0x6e: {  	v1 =	vld [tilespmem:s6+$0xC810];
	[tilespmem:s16+$0x14B80] =	vst v2  }
0x6f: {  	v2 =	vld [tilespmem:s6+$0xC820];
	[tilespmem:s16+$0x14B90] =	vst v3  }
0x70: {  	v3 =	vld [tilespmem:s6+$0xC830];
	[tilespmem:s16+$0x14BA0] =	vst v4  }
0x71: {  	v4 =	vld [tilespmem:s6+$0xC880];
	[tilespmem:s6+$0x14BB0] =	vst v5  }
0x72: {  	[tilespmem:s6+$0x14800] =	vst v0;
	v0 =	vld [tilespmem:s6+$0xC890]  }
0x73: {  	[tilespmem:s6+$0x14810] =	vst v1;
	v1 =	vld [tilespmem:s6+$0xC8A0]  }
0x74: {  	[tilespmem:s6+$0x14820] =	vst v2;
	v2 =	vld [tilespmem:s6+$0xC8B0]  }
0x75: {  	[tilespmem:s6+$0x14830] =	vst v3;
	v3 =	vld [tilespmem:s6+$0xC900]  }
0x76: {  	[tilespmem:s6+$0x14880] =	vst v4;
	v4 =	vld [tilespmem:s6+$0xC910]  }
0x77: {  	[tilespmem:s6+$0x14890] =	vst v0;
	v0 =	vld [tilespmem:s6+$0xC920]  }
0x78: {  	[tilespmem:s6+$0x148A0] =	vst v1;
	v1 =	vld [tilespmem:s6+$0xC930]  }
0x79: {  	[tilespmem:s6+$0x148B0] =	vst v2;
	v2 =	vld [tilespmem:s6+$0xC980]  }
0x7a: {  	[tilespmem:s6+$0x14900] =	vst v3;
	v3 =	vld [tilespmem:s6+$0xC990]  }
0x7b: {  	[tilespmem:s6+$0x14910] =	vst v4;
	v4 =	vld [tilespmem:s6+$0xC9A0]  }
0x7c: {  	[tilespmem:s6+$0x14920] =	vst v0;
	v0 =	vld [tilespmem:s6+$0xC9B0]  }
0x7d: {  	[tilespmem:s6+$0x14930] =	vst v1;
	v1 =	vld [tilespmem:s6+$0xCA00]  }
0x7e: {  	[tilespmem:s6+$0x14980] =	vst v2;
	v2 =	vld [tilespmem:s6+$0xCA10]  }
0x7f: {  	[tilespmem:s6+$0x14990] =	vst v3;
	v3 =	vld [tilespmem:s6+$0xCA20]  }
0x80: {  	[tilespmem:s6+$0x149A0] =	vst v4;
	v4 =	vld [tilespmem:s6+$0xCA30]  }
0x81: {  	[tilespmem:s6+$0x149B0] =	vst v0;
	v0 =	vld [tilespmem:s6+$0xCA80]  }
0x82: {  	[tilespmem:s6+$0x14A00] =	vst v1;
	v1 =	vld [tilespmem:s6+$0xCA90]  }
0x83: {  	[tilespmem:s6+$0x14A10] =	vst v2;
	v2 =	vld [tilespmem:s6+$0xCAA0]  }
0x84: {  	[tilespmem:s6+$0x14A20] =	vst v3;
	v3 =	vld [tilespmem:s6+$0xCAB0]  }
0x85: {  	[tilespmem:s6+$0x14A30] =	vst v4;
	v4 =	vld [tilespmem:s6+$0xCB00]  }
0x86: {  	[tilespmem:s6+$0x14A80] =	vst v0;
	v0 =	vld [tilespmem:s6+$0xCB10]  }
0x87: {  	[tilespmem:s6+$0x14A90] =	vst v1;
	v1 =	vld [tilespmem:s6+$0xCB20]  }
0x88: {  	[tilespmem:s6+$0x14AA0] =	vst v2;
	v2 =	vld [tilespmem:s6+$0xCB30]  }
0x89: {  	[tilespmem:s6+$0x14AB0] =	vst v3;
	v3 =	vld [tilespmem:s6+$0xCB80]  }
0x8a: {  	[tilespmem:s6+$0x14B00] =	vst v4;
	v4 =	vld [tilespmem:s6+$0xCB90]  }
0x8b: {  	[tilespmem:s6+$0x14B10] =	vst v0;
	v0 =	vld [tilespmem:s6+$0xCBA0]  }
0x8c: {  	[tilespmem:s6+$0x14B20] =	vst v1  }
0x8d: {  	s16 =	sshll.u32 s14, $0x2;
	[tilespmem:s6+$0x14B30] =	vst v2  }
0x8e: {  	s10 =	sadd.s32 s3, s16;
	[tilespmem:s6+$0x14B80] =	vst v3  }
0x8f: {  	s10 =	sshll.u32 s10, $0xA;
	[tilespmem:s6+$0x14B90] =	vst v4  }
0x90: {  	s18 =	simm.s32 $0x0;
	s10 =	sadd.s32 s5, s10;
	[tilespmem:s6+$0x14BA0] =	vst v0  }
0x91: {  	[hbm4b:s10+s18] =	stream.linear.scatter [tilespmem:s21], [sflag:$0x5], $0x2000, $0x38;
	[tilespmem:$0x1C800] =	vst v63  }
0x92: {  	_ =	swait.ge [sflag:s22], $0x2000  }
0x93: {  	[sflag:s22] =	ssyncset.done $0x0  }
0x94: {  	s18 =	simm.s32 $0x0;
	[sflag:s22] =	ssyncadd.s32 $0xFFFFE000  }
0x95: {  	v0 =	vld [tilespmem:s18+$0xEBB0]  }
0x96: {  	v1 =	vld [tilespmem:s18+$0xE800]  }
0x97: {  	v2 =	vld [tilespmem:s18+$0xE810]  }
0x98: {  	v3 =	vld [tilespmem:s18+$0xE820]  }
0x99: {  	v4 =	vld [tilespmem:s18+$0xE830]  }
0x9a: {  	v5 =	vld [tilespmem:s18+$0xE880];
	[tilespmem:s18+$0x16BB0] =	vst v0  }
0x9b: {  	[tilespmem:s18+$0x16800] =	vst v1;
	v0 =	vld [tilespmem:s18+$0xE890]  }
0x9c: {  	[tilespmem:s18+$0x16810] =	vst v2;
	v1 =	vld [tilespmem:s18+$0xE8A0]  }
0x9d: {  	[tilespmem:s18+$0x16820] =	vst v3;
	v2 =	vld [tilespmem:s18+$0xE8B0]  }
0x9e: {  	[tilespmem:s18+$0x16830] =	vst v4;
	v3 =	vld [tilespmem:s18+$0xE900]  }
0x9f: {  	[tilespmem:s18+$0x16880] =	vst v5;
	v4 =	vld [tilespmem:s18+$0xE910]  }
0xa0: {  	v5 =	vld [tilespmem:s18+$0xEB10];
	[tilespmem:s18+$0x16890] =	vst v0  }
0xa1: {  	v0 =	vld [tilespmem:s18+$0xE920];
	[tilespmem:s18+$0x168A0] =	vst v1  }
0xa2: {  	v1 =	vld [tilespmem:s18+$0xE930];
	[tilespmem:s18+$0x168B0] =	vst v2  }
0xa3: {  	v2 =	vld [tilespmem:s18+$0xE980];
	[tilespmem:s18+$0x16900] =	vst v3  }
0xa4: {  	v3 =	vld [tilespmem:s18+$0xE990];
	[tilespmem:s18+$0x16910] =	vst v4  }
0xa5: {  	v4 =	vld [tilespmem:s18+$0xE9A0];
	[tilespmem:s18+$0x16B10] =	vst v5  }
0xa6: {  	[tilespmem:s18+$0x16920] =	vst v0;
	v0 =	vld [tilespmem:s18+$0xE9B0]  }
0xa7: {  	[tilespmem:s18+$0x16930] =	vst v1;
	v1 =	vld [tilespmem:s18+$0xEA00]  }
0xa8: {  	[tilespmem:s18+$0x16980] =	vst v2;
	v2 =	vld [tilespmem:s18+$0xEA10]  }
0xa9: {  	[tilespmem:s18+$0x16990] =	vst v3;
	v3 =	vld [tilespmem:s18+$0xEA20]  }
0xaa: {  	[tilespmem:s18+$0x169A0] =	vst v4;
	v4 =	vld [tilespmem:s18+$0xEA30]  }
0xab: {  	[tilespmem:s18+$0x169B0] =	vst v0;
	v0 =	vld [tilespmem:s18+$0xEA80]  }
0xac: {  	[tilespmem:s18+$0x16A00] =	vst v1;
	v1 =	vld [tilespmem:s18+$0xEA90]  }
0xad: {  	[tilespmem:s18+$0x16A10] =	vst v2;
	v2 =	vld [tilespmem:s18+$0xEAA0]  }
0xae: {  	[tilespmem:s18+$0x16A20] =	vst v3;
	v3 =	vld [tilespmem:s18+$0xEAB0]  }
0xaf: {  	[tilespmem:s18+$0x16A30] =	vst v4;
	v4 =	vld [tilespmem:s18+$0xEB00]  }
0xb0: {  	[tilespmem:s18+$0x16A80] =	vst v0;
	v0 =	vld [tilespmem:s18+$0xEB20]  }
0xb1: {  	[tilespmem:s18+$0x16A90] =	vst v1;
	v1 =	vld [tilespmem:s18+$0xEB30]  }
0xb2: {  	[tilespmem:s18+$0x16AA0] =	vst v2;
	v2 =	vld [tilespmem:s18+$0xEB80]  }
0xb3: {  	[tilespmem:s18+$0x16AB0] =	vst v3;
	v3 =	vld [tilespmem:s18+$0xEB90]  }
0xb4: {  	s6 =	simm.s32 $0x2000;
	s10 =	simm.s32 $0x400;
	[tilespmem:s18+$0x16B00] =	vst v4;
	v4 =	vld [tilespmem:s18+$0xEBA0]  }
.LBB2_5:
0xb5: {  	p0 =	sne.s32 s6, $0x7000;
	v5 =	vld [tilespmem:s10+$0xEBB0];
	[tilespmem:s18+$0x16B20] =	vst v0  }
0xb6: {  	v0 =	vld [tilespmem:s10+$0xE800];
	[tilespmem:s18+$0x16B30] =	vst v1  }
0xb7: {  	v1 =	vld [tilespmem:s10+$0xE810];
	[tilespmem:s18+$0x16B80] =	vst v2  }
0xb8: {  	v2 =	vld [tilespmem:s10+$0xE820];
	[tilespmem:s18+$0x16B90] =	vst v3  }
0xb9: {  	v3 =	vld [tilespmem:s10+$0xE830];
	[tilespmem:s18+$0x16BA0] =	vst v4;
	s18 =	smov.u32 s10  }
0xba: {  	v4 =	vld [tilespmem:s18+$0xE880];
	[tilespmem:s18+$0x16BB0] =	vst v5  }
0xbb: {  	[tilespmem:s18+$0x16800] =	vst v0;
	v0 =	vld [tilespmem:s18+$0xE890]  }
0xbc: {  	[tilespmem:s18+$0x16810] =	vst v1;
	v1 =	vld [tilespmem:s18+$0xE8A0]  }
0xbd: {  	[tilespmem:s18+$0x16820] =	vst v2;
	v2 =	vld [tilespmem:s18+$0xE8B0]  }
0xbe: {  	[tilespmem:s18+$0x16830] =	vst v3;
	v3 =	vld [tilespmem:s18+$0xE900]  }
0xbf: {  	[tilespmem:s18+$0x16880] =	vst v4;
	v4 =	vld [tilespmem:s18+$0xE910]  }
0xc0: {  	[tilespmem:s18+$0x16890] =	vst v0;
	v0 =	vld [tilespmem:s18+$0xE920]  }
0xc1: {  	[tilespmem:s18+$0x168A0] =	vst v1;
	v1 =	vld [tilespmem:s18+$0xE930]  }
0xc2: {  	[tilespmem:s18+$0x168B0] =	vst v2;
	v2 =	vld [tilespmem:s18+$0xE980]  }
0xc3: {  	[tilespmem:s18+$0x16900] =	vst v3;
	v3 =	vld [tilespmem:s18+$0xE990]  }
0xc4: {  	[tilespmem:s18+$0x16910] =	vst v4;
	v4 =	vld [tilespmem:s18+$0xE9A0]  }
0xc5: {  	[tilespmem:s18+$0x16920] =	vst v0;
	v0 =	vld [tilespmem:s18+$0xE9B0]  }
0xc6: {  	[tilespmem:s18+$0x16930] =	vst v1;
	v1 =	vld [tilespmem:s18+$0xEA00]  }
0xc7: {  	[tilespmem:s18+$0x16980] =	vst v2;
	v2 =	vld [tilespmem:s18+$0xEA10]  }
0xc8: {  	[tilespmem:s18+$0x16990] =	vst v3;
	v3 =	vld [tilespmem:s18+$0xEA20]  }
0xc9: {  	[tilespmem:s18+$0x169A0] =	vst v4;
	v4 =	vld [tilespmem:s18+$0xEA30]  }
0xca: {  	[tilespmem:s18+$0x169B0] =	vst v0;
	v0 =	vld [tilespmem:s18+$0xEA80]  }
0xcb: {  	[tilespmem:s18+$0x16A00] =	vst v1;
	v1 =	vld [tilespmem:s18+$0xEA90]  }
0xcc: {  	[tilespmem:s18+$0x16A10] =	vst v2;
	v2 =	vld [tilespmem:s18+$0xEAA0]  }
0xcd: {  	[tilespmem:s18+$0x16A20] =	vst v3;
	v3 =	vld [tilespmem:s18+$0xEAB0]  }
0xce: {  	[tilespmem:s18+$0x16A30] =	vst v4;
	v4 =	vld [tilespmem:s18+$0xEB00]  }
0xcf: {  	[tilespmem:s18+$0x16A80] =	vst v0;
	v5 =	vld [tilespmem:s18+$0xEB10]  }
.Ltmp3:
0xd0: {  	[tilespmem:s18+$0x16A90] =	vst v1;
	v0 =	vld [tilespmem:s18+$0xEB20];
	(pc) =	sbr.rel @p0 .LBB2_5-.Ltmp3, $4  }
0xd1: {  	[tilespmem:s18+$0x16AA0] =	vst v2;
	v1 =	vld [tilespmem:s18+$0xEB30]  }
0xd2: {  	[tilespmem:s18+$0x16AB0] =	vst v3;
	v2 =	vld [tilespmem:s18+$0xEB80]  }
0xd3: {  	[tilespmem:s18+$0x16B00] =	vst v4;
	v3 =	vld [tilespmem:s18+$0xEB90]  }
0xd4: {  	s10 =	sshra.s32 s6, $0x2;
	s6 =	sadd.s32 $0x1000, s6;
	[tilespmem:s18+$0x16B10] =	vst v5;
	v4 =	vld [tilespmem:s18+$0xEBA0]  }
0xd5: {  	v5 =	vld [tilespmem:s10+$0xEBB0];
	[tilespmem:s18+$0x16B20] =	vst v0  }
0xd6: {  	v0 =	vld [tilespmem:s10+$0xE800];
	[tilespmem:s18+$0x16B30] =	vst v1  }
0xd7: {  	v1 =	vld [tilespmem:s10+$0xE810];
	[tilespmem:s18+$0x16B80] =	vst v2  }
0xd8: {  	v2 =	vld [tilespmem:s10+$0xE820];
	[tilespmem:s18+$0x16B90] =	vst v3  }
0xd9: {  	v3 =	vld [tilespmem:s10+$0xE830];
	[tilespmem:s18+$0x16BA0] =	vst v4  }
0xda: {  	v4 =	vld [tilespmem:s10+$0xE880];
	[tilespmem:s10+$0x16BB0] =	vst v5  }
0xdb: {  	[tilespmem:s10+$0x16800] =	vst v0;
	v0 =	vld [tilespmem:s10+$0xE890]  }
0xdc: {  	[tilespmem:s10+$0x16810] =	vst v1;
	v1 =	vld [tilespmem:s10+$0xE8A0]  }
0xdd: {  	[tilespmem:s10+$0x16820] =	vst v2;
	v2 =	vld [tilespmem:s10+$0xE8B0]  }
0xde: {  	[tilespmem:s10+$0x16830] =	vst v3;
	v3 =	vld [tilespmem:s10+$0xE900]  }
0xdf: {  	[tilespmem:s10+$0x16880] =	vst v4;
	v4 =	vld [tilespmem:s10+$0xE910]  }
0xe0: {  	[tilespmem:s10+$0x16890] =	vst v0;
	v0 =	vld [tilespmem:s10+$0xE920]  }
0xe1: {  	[tilespmem:s10+$0x168A0] =	vst v1;
	v1 =	vld [tilespmem:s10+$0xE930]  }
0xe2: {  	[tilespmem:s10+$0x168B0] =	vst v2;
	v2 =	vld [tilespmem:s10+$0xE980]  }
0xe3: {  	[tilespmem:s10+$0x16900] =	vst v3;
	v3 =	vld [tilespmem:s10+$0xE990]  }
0xe4: {  	[tilespmem:s10+$0x16910] =	vst v4;
	v4 =	vld [tilespmem:s10+$0xE9A0]  }
0xe5: {  	[tilespmem:s10+$0x16920] =	vst v0;
	v0 =	vld [tilespmem:s10+$0xE9B0]  }
0xe6: {  	[tilespmem:s10+$0x16930] =	vst v1;
	v1 =	vld [tilespmem:s10+$0xEA00]  }
0xe7: {  	[tilespmem:s10+$0x16980] =	vst v2;
	v2 =	vld [tilespmem:s10+$0xEA10]  }
0xe8: {  	[tilespmem:s10+$0x16990] =	vst v3;
	v3 =	vld [tilespmem:s10+$0xEA20]  }
0xe9: {  	[tilespmem:s10+$0x169A0] =	vst v4;
	v4 =	vld [tilespmem:s10+$0xEA30]  }
0xea: {  	[tilespmem:s10+$0x169B0] =	vst v0;
	v0 =	vld [tilespmem:s10+$0xEA80]  }
0xeb: {  	[tilespmem:s10+$0x16A00] =	vst v1;
	v1 =	vld [tilespmem:s10+$0xEA90]  }
0xec: {  	[tilespmem:s10+$0x16A10] =	vst v2;
	v2 =	vld [tilespmem:s10+$0xEAA0]  }
0xed: {  	[tilespmem:s10+$0x16A20] =	vst v3;
	v3 =	vld [tilespmem:s10+$0xEAB0]  }
0xee: {  	[tilespmem:s10+$0x16A30] =	vst v4;
	v4 =	vld [tilespmem:s10+$0xEB00]  }
0xef: {  	[tilespmem:s10+$0x16A80] =	vst v0;
	v0 =	vld [tilespmem:s10+$0xEB10]  }
0xf0: {  	[tilespmem:s10+$0x16A90] =	vst v1;
	v1 =	vld [tilespmem:s10+$0xEB20]  }
0xf1: {  	[tilespmem:s10+$0x16AA0] =	vst v2;
	v2 =	vld [tilespmem:s10+$0xEB30]  }
0xf2: {  	[tilespmem:s10+$0x16AB0] =	vst v3;
	v3 =	vld [tilespmem:s10+$0xEB80]  }
0xf3: {  	[tilespmem:s10+$0x16B00] =	vst v4;
	v4 =	vld [tilespmem:s10+$0xEB90]  }
0xf4: {  	[tilespmem:s10+$0x16B10] =	vst v0;
	v0 =	vld [tilespmem:s10+$0xEBA0]  }
0xf5: {  	[tilespmem:s10+$0x16B20] =	vst v1  }
0xf6: {  	s6 =	sadd.s32 s16, s7;
	[tilespmem:s10+$0x16B30] =	vst v2  }
0xf7: {  	s6 =	sshll.u32 s6, $0xA;
	[tilespmem:s10+$0x16B80] =	vst v3  }
0xf8: {  	s6 =	sand.u32 $0x1FFFF400, s6;
	[tilespmem:s10+$0x16B90] =	vst v4  }
0xf9: {  	s6 =	sadd.s32 s5, s6;
	s18 =	simm.s32 $0x0;
	[tilespmem:s10+$0x16BA0] =	vst v0  }
0xfa: {  	[hbm4b:s6+s18] =	stream.linear.scatter [tilespmem:s23], [sflag:$0x6], $0x2000, $0x38;
	[tilespmem:$0x1C800] =	vst v63  }
0xfb: {  	_ =	swait.ge [sflag:s24], $0x2000  }
0xfc: {  	[sflag:s24] =	ssyncset.done $0x0  }
0xfd: {  	s18 =	simm.s32 $0x0;
	[sflag:s24] =	ssyncadd.s32 $0xFFFFE000  }
0xfe: {  	v0 =	vld [tilespmem:s18+$0x10BB0]  }
0xff: {  	v1 =	vld [tilespmem:s18+$0x10800]  }
0x100: {  	v2 =	vld [tilespmem:s18+$0x10810]  }
0x101: {  	v3 =	vld [tilespmem:s18+$0x10820]  }
0x102: {  	v4 =	vld [tilespmem:s18+$0x10830]  }
0x103: {  	v5 =	vld [tilespmem:s18+$0x10880];
	[tilespmem:s18+$0x18BB0] =	vst v0  }
0x104: {  	[tilespmem:s18+$0x18800] =	vst v1;
	v0 =	vld [tilespmem:s18+$0x10890]  }
0x105: {  	[tilespmem:s18+$0x18810] =	vst v2;
	v1 =	vld [tilespmem:s18+$0x108A0]  }
0x106: {  	[tilespmem:s18+$0x18820] =	vst v3;
	v2 =	vld [tilespmem:s18+$0x108B0]  }
0x107: {  	[tilespmem:s18+$0x18830] =	vst v4;
	v3 =	vld [tilespmem:s18+$0x10900]  }
0x108: {  	[tilespmem:s18+$0x18880] =	vst v5;
	v4 =	vld [tilespmem:s18+$0x10910]  }
0x109: {  	v5 =	vld [tilespmem:s18+$0x10B10];
	[tilespmem:s18+$0x18890] =	vst v0  }
0x10a: {  	v0 =	vld [tilespmem:s18+$0x10920];
	[tilespmem:s18+$0x188A0] =	vst v1  }
0x10b: {  	v1 =	vld [tilespmem:s18+$0x10930];
	[tilespmem:s18+$0x188B0] =	vst v2  }
0x10c: {  	v2 =	vld [tilespmem:s18+$0x10980];
	[tilespmem:s18+$0x18900] =	vst v3  }
0x10d: {  	v3 =	vld [tilespmem:s18+$0x10990];
	[tilespmem:s18+$0x18910] =	vst v4  }
0x10e: {  	v4 =	vld [tilespmem:s18+$0x109A0];
	[tilespmem:s18+$0x18B10] =	vst v5  }
0x10f: {  	[tilespmem:s18+$0x18920] =	vst v0;
	v0 =	vld [tilespmem:s18+$0x109B0]  }
0x110: {  	[tilespmem:s18+$0x18930] =	vst v1;
	v1 =	vld [tilespmem:s18+$0x10A00]  }
0x111: {  	[tilespmem:s18+$0x18980] =	vst v2;
	v2 =	vld [tilespmem:s18+$0x10A10]  }
0x112: {  	[tilespmem:s18+$0x18990] =	vst v3;
	v3 =	vld [tilespmem:s18+$0x10A20]  }
0x113: {  	[tilespmem:s18+$0x189A0] =	vst v4;
	v4 =	vld [tilespmem:s18+$0x10A30]  }
0x114: {  	[tilespmem:s18+$0x189B0] =	vst v0;
	v0 =	vld [tilespmem:s18+$0x10A80]  }
0x115: {  	[tilespmem:s18+$0x18A00] =	vst v1;
	v1 =	vld [tilespmem:s18+$0x10A90]  }
0x116: {  	[tilespmem:s18+$0x18A10] =	vst v2;
	v2 =	vld [tilespmem:s18+$0x10AA0]  }
0x117: {  	[tilespmem:s18+$0x18A20] =	vst v3;
	v3 =	vld [tilespmem:s18+$0x10AB0]  }
0x118: {  	[tilespmem:s18+$0x18A30] =	vst v4;
	v4 =	vld [tilespmem:s18+$0x10B00]  }
0x119: {  	[tilespmem:s18+$0x18A80] =	vst v0;
	v0 =	vld [tilespmem:s18+$0x10B20]  }
0x11a: {  	[tilespmem:s18+$0x18A90] =	vst v1;
	v1 =	vld [tilespmem:s18+$0x10B30]  }
0x11b: {  	[tilespmem:s18+$0x18AA0] =	vst v2;
	v2 =	vld [tilespmem:s18+$0x10B80]  }
0x11c: {  	[tilespmem:s18+$0x18AB0] =	vst v3;
	v3 =	vld [tilespmem:s18+$0x10B90]  }
0x11d: {  	s10 =	simm.s32 $0x400;
	s6 =	simm.s32 $0x2000;
	[tilespmem:s18+$0x18B00] =	vst v4;
	v4 =	vld [tilespmem:s18+$0x10BA0]  }
.LBB2_7:
0x11e: {  	p0 =	sne.s32 s6, $0x7000;
	v5 =	vld [tilespmem:s10+$0x10BB0];
	[tilespmem:s18+$0x18B20] =	vst v0  }
0x11f: {  	v0 =	vld [tilespmem:s10+$0x10800];
	[tilespmem:s18+$0x18B30] =	vst v1  }
0x120: {  	v1 =	vld [tilespmem:s10+$0x10810];
	[tilespmem:s18+$0x18B80] =	vst v2  }
0x121: {  	v2 =	vld [tilespmem:s10+$0x10820];
	[tilespmem:s18+$0x18B90] =	vst v3  }
0x122: {  	v3 =	vld [tilespmem:s10+$0x10830];
	[tilespmem:s18+$0x18BA0] =	vst v4;
	s18 =	smov.u32 s10  }
0x123: {  	v4 =	vld [tilespmem:s18+$0x10880];
	[tilespmem:s18+$0x18BB0] =	vst v5  }
0x124: {  	[tilespmem:s18+$0x18800] =	vst v0;
	v0 =	vld [tilespmem:s18+$0x10890]  }
0x125: {  	[tilespmem:s18+$0x18810] =	vst v1;
	v1 =	vld [tilespmem:s18+$0x108A0]  }
0x126: {  	[tilespmem:s18+$0x18820] =	vst v2;
	v2 =	vld [tilespmem:s18+$0x108B0]  }
0x127: {  	[tilespmem:s18+$0x18830] =	vst v3;
	v3 =	vld [tilespmem:s18+$0x10900]  }
0x128: {  	[tilespmem:s18+$0x18880] =	vst v4;
	v4 =	vld [tilespmem:s18+$0x10910]  }
0x129: {  	[tilespmem:s18+$0x18890] =	vst v0;
	v0 =	vld [tilespmem:s18+$0x10920]  }
0x12a: {  	[tilespmem:s18+$0x188A0] =	vst v1;
	v1 =	vld [tilespmem:s18+$0x10930]  }
0x12b: {  	[tilespmem:s18+$0x188B0] =	vst v2;
	v2 =	vld [tilespmem:s18+$0x10980]  }
0x12c: {  	[tilespmem:s18+$0x18900] =	vst v3;
	v3 =	vld [tilespmem:s18+$0x10990]  }
0x12d: {  	[tilespmem:s18+$0x18910] =	vst v4;
	v4 =	vld [tilespmem:s18+$0x109A0]  }
0x12e: {  	[tilespmem:s18+$0x18920] =	vst v0;
	v0 =	vld [tilespmem:s18+$0x109B0]  }
0x12f: {  	[tilespmem:s18+$0x18930] =	vst v1;
	v1 =	vld [tilespmem:s18+$0x10A00]  }
0x130: {  	[tilespmem:s18+$0x18980] =	vst v2;
	v2 =	vld [tilespmem:s18+$0x10A10]  }
0x131: {  	[tilespmem:s18+$0x18990] =	vst v3;
	v3 =	vld [tilespmem:s18+$0x10A20]  }
0x132: {  	[tilespmem:s18+$0x189A0] =	vst v4;
	v4 =	vld [tilespmem:s18+$0x10A30]  }
0x133: {  	[tilespmem:s18+$0x189B0] =	vst v0;
	v0 =	vld [tilespmem:s18+$0x10A80]  }
0x134: {  	[tilespmem:s18+$0x18A00] =	vst v1;
	v1 =	vld [tilespmem:s18+$0x10A90]  }
0x135: {  	[tilespmem:s18+$0x18A10] =	vst v2;
	v2 =	vld [tilespmem:s18+$0x10AA0]  }
0x136: {  	[tilespmem:s18+$0x18A20] =	vst v3;
	v3 =	vld [tilespmem:s18+$0x10AB0]  }
0x137: {  	[tilespmem:s18+$0x18A30] =	vst v4;
	v4 =	vld [tilespmem:s18+$0x10B00]  }
0x138: {  	[tilespmem:s18+$0x18A80] =	vst v0;
	v5 =	vld [tilespmem:s18+$0x10B10]  }
.Ltmp4:
0x139: {  	[tilespmem:s18+$0x18A90] =	vst v1;
	v0 =	vld [tilespmem:s18+$0x10B20];
	(pc) =	sbr.rel @p0 .LBB2_7-.Ltmp4, $4  }
0x13a: {  	[tilespmem:s18+$0x18AA0] =	vst v2;
	v1 =	vld [tilespmem:s18+$0x10B30]  }
0x13b: {  	[tilespmem:s18+$0x18AB0] =	vst v3;
	v2 =	vld [tilespmem:s18+$0x10B80]  }
0x13c: {  	[tilespmem:s18+$0x18B00] =	vst v4;
	v3 =	vld [tilespmem:s18+$0x10B90]  }
0x13d: {  	s10 =	sshra.s32 s6, $0x2;
	s6 =	sadd.s32 $0x1000, s6;
	[tilespmem:s18+$0x18B10] =	vst v5;
	v4 =	vld [tilespmem:s18+$0x10BA0]  }
0x13e: {  	v5 =	vld [tilespmem:s10+$0x10BB0];
	[tilespmem:s18+$0x18B20] =	vst v0  }
0x13f: {  	v0 =	vld [tilespmem:s10+$0x10800];
	[tilespmem:s18+$0x18B30] =	vst v1  }
0x140: {  	v1 =	vld [tilespmem:s10+$0x10810];
	[tilespmem:s18+$0x18B80] =	vst v2  }
0x141: {  	v2 =	vld [tilespmem:s10+$0x10820];
	[tilespmem:s18+$0x18B90] =	vst v3  }
0x142: {  	v3 =	vld [tilespmem:s10+$0x10830];
	[tilespmem:s18+$0x18BA0] =	vst v4  }
0x143: {  	v4 =	vld [tilespmem:s10+$0x10880];
	[tilespmem:s10+$0x18BB0] =	vst v5  }
0x144: {  	[tilespmem:s10+$0x18800] =	vst v0;
	v0 =	vld [tilespmem:s10+$0x10890]  }
0x145: {  	[tilespmem:s10+$0x18810] =	vst v1;
	v1 =	vld [tilespmem:s10+$0x108A0]  }
0x146: {  	[tilespmem:s10+$0x18820] =	vst v2;
	v2 =	vld [tilespmem:s10+$0x108B0]  }
0x147: {  	[tilespmem:s10+$0x18830] =	vst v3;
	v3 =	vld [tilespmem:s10+$0x10900]  }
0x148: {  	[tilespmem:s10+$0x18880] =	vst v4;
	v4 =	vld [tilespmem:s10+$0x10910]  }
0x149: {  	[tilespmem:s10+$0x18890] =	vst v0;
	v0 =	vld [tilespmem:s10+$0x10920]  }
0x14a: {  	[tilespmem:s10+$0x188A0] =	vst v1;
	v1 =	vld [tilespmem:s10+$0x10930]  }
0x14b: {  	[tilespmem:s10+$0x188B0] =	vst v2;
	v2 =	vld [tilespmem:s10+$0x10980]  }
0x14c: {  	[tilespmem:s10+$0x18900] =	vst v3;
	v3 =	vld [tilespmem:s10+$0x10990]  }
0x14d: {  	[tilespmem:s10+$0x18910] =	vst v4;
	v4 =	vld [tilespmem:s10+$0x109A0]  }
0x14e: {  	[tilespmem:s10+$0x18920] =	vst v0;
	v0 =	vld [tilespmem:s10+$0x109B0]  }
0x14f: {  	[tilespmem:s10+$0x18930] =	vst v1;
	v1 =	vld [tilespmem:s10+$0x10A00]  }
0x150: {  	[tilespmem:s10+$0x18980] =	vst v2;
	v2 =	vld [tilespmem:s10+$0x10A10]  }
0x151: {  	[tilespmem:s10+$0x18990] =	vst v3;
	v3 =	vld [tilespmem:s10+$0x10A20]  }
0x152: {  	[tilespmem:s10+$0x189A0] =	vst v4;
	v4 =	vld [tilespmem:s10+$0x10A30]  }
0x153: {  	[tilespmem:s10+$0x189B0] =	vst v0;
	v0 =	vld [tilespmem:s10+$0x10A80]  }
0x154: {  	[tilespmem:s10+$0x18A00] =	vst v1;
	v1 =	vld [tilespmem:s10+$0x10A90]  }
0x155: {  	[tilespmem:s10+$0x18A10] =	vst v2;
	v2 =	vld [tilespmem:s10+$0x10AA0]  }
0x156: {  	[tilespmem:s10+$0x18A20] =	vst v3;
	v3 =	vld [tilespmem:s10+$0x10AB0]  }
0x157: {  	[tilespmem:s10+$0x18A30] =	vst v4;
	v4 =	vld [tilespmem:s10+$0x10B00]  }
0x158: {  	[tilespmem:s10+$0x18A80] =	vst v0;
	v0 =	vld [tilespmem:s10+$0x10B10]  }
0x159: {  	[tilespmem:s10+$0x18A90] =	vst v1;
	v1 =	vld [tilespmem:s10+$0x10B20]  }
0x15a: {  	[tilespmem:s10+$0x18AA0] =	vst v2;
	v2 =	vld [tilespmem:s10+$0x10B30]  }
0x15b: {  	[tilespmem:s10+$0x18AB0] =	vst v3;
	v3 =	vld [tilespmem:s10+$0x10B80]  }
0x15c: {  	[tilespmem:s10+$0x18B00] =	vst v4;
	v4 =	vld [tilespmem:s10+$0x10B90]  }
0x15d: {  	[tilespmem:s10+$0x18B10] =	vst v0;
	v0 =	vld [tilespmem:s10+$0x10BA0]  }
0x15e: {  	[tilespmem:s10+$0x18B20] =	vst v1  }
0x15f: {  	s6 =	sadd.s32 s16, s8;
	[tilespmem:s10+$0x18B30] =	vst v2  }
0x160: {  	s6 =	sshll.u32 s6, $0xA;
	[tilespmem:s10+$0x18B80] =	vst v3  }
0x161: {  	s6 =	sand.u32 $0x1FFFF800, s6;
	[tilespmem:s10+$0x18B90] =	vst v4  }
0x162: {  	s6 =	sadd.s32 s5, s6;
	s18 =	simm.s32 $0x0;
	[tilespmem:s10+$0x18BA0] =	vst v0  }
0x163: {  	[hbm4b:s6+s18] =	stream.linear.scatter [tilespmem:s25], [sflag:$0x7], $0x2000, $0x38;
	[tilespmem:$0x1C800] =	vst v63  }
0x164: {  	_ =	swait.ge [sflag:s26], $0x2000  }
0x165: {  	[sflag:s26] =	ssyncset.done $0x0  }
0x166: {  	s18 =	simm.s32 $0x0;
	[sflag:s26] =	ssyncadd.s32 $0xFFFFE000  }
0x167: {  	v0 =	vld [tilespmem:s18+$0x12BB0]  }
0x168: {  	v1 =	vld [tilespmem:s18+$0x12800]  }
0x169: {  	v2 =	vld [tilespmem:s18+$0x12810]  }
0x16a: {  	v3 =	vld [tilespmem:s18+$0x12820]  }
0x16b: {  	v4 =	vld [tilespmem:s18+$0x12830]  }
0x16c: {  	v5 =	vld [tilespmem:s18+$0x12880];
	[tilespmem:s18+$0x1ABB0] =	vst v0  }
0x16d: {  	[tilespmem:s18+$0x1A800] =	vst v1;
	v0 =	vld [tilespmem:s18+$0x12890]  }
0x16e: {  	[tilespmem:s18+$0x1A810] =	vst v2;
	v1 =	vld [tilespmem:s18+$0x128A0]  }
0x16f: {  	[tilespmem:s18+$0x1A820] =	vst v3;
	v2 =	vld [tilespmem:s18+$0x128B0]  }
0x170: {  	[tilespmem:s18+$0x1A830] =	vst v4;
	v3 =	vld [tilespmem:s18+$0x12900]  }
0x171: {  	[tilespmem:s18+$0x1A880] =	vst v5;
	v4 =	vld [tilespmem:s18+$0x12910]  }
0x172: {  	v5 =	vld [tilespmem:s18+$0x12B10];
	[tilespmem:s18+$0x1A890] =	vst v0  }
0x173: {  	v0 =	vld [tilespmem:s18+$0x12920];
	[tilespmem:s18+$0x1A8A0] =	vst v1  }
0x174: {  	v1 =	vld [tilespmem:s18+$0x12930];
	[tilespmem:s18+$0x1A8B0] =	vst v2  }
0x175: {  	v2 =	vld [tilespmem:s18+$0x12980];
	[tilespmem:s18+$0x1A900] =	vst v3  }
0x176: {  	v3 =	vld [tilespmem:s18+$0x12990];
	[tilespmem:s18+$0x1A910] =	vst v4  }
0x177: {  	v4 =	vld [tilespmem:s18+$0x129A0];
	[tilespmem:s18+$0x1AB10] =	vst v5  }
0x178: {  	[tilespmem:s18+$0x1A920] =	vst v0;
	v0 =	vld [tilespmem:s18+$0x129B0]  }
0x179: {  	[tilespmem:s18+$0x1A930] =	vst v1;
	v1 =	vld [tilespmem:s18+$0x12A00]  }
0x17a: {  	[tilespmem:s18+$0x1A980] =	vst v2;
	v2 =	vld [tilespmem:s18+$0x12A10]  }
0x17b: {  	[tilespmem:s18+$0x1A990] =	vst v3;
	v3 =	vld [tilespmem:s18+$0x12A20]  }
0x17c: {  	[tilespmem:s18+$0x1A9A0] =	vst v4;
	v4 =	vld [tilespmem:s18+$0x12A30]  }
0x17d: {  	[tilespmem:s18+$0x1A9B0] =	vst v0;
	v0 =	vld [tilespmem:s18+$0x12A80]  }
0x17e: {  	[tilespmem:s18+$0x1AA00] =	vst v1;
	v1 =	vld [tilespmem:s18+$0x12A90]  }
0x17f: {  	[tilespmem:s18+$0x1AA10] =	vst v2;
	v2 =	vld [tilespmem:s18+$0x12AA0]  }
0x180: {  	[tilespmem:s18+$0x1AA20] =	vst v3;
	v3 =	vld [tilespmem:s18+$0x12AB0]  }
0x181: {  	[tilespmem:s18+$0x1AA30] =	vst v4;
	v4 =	vld [tilespmem:s18+$0x12B00]  }
0x182: {  	[tilespmem:s18+$0x1AA80] =	vst v0;
	v0 =	vld [tilespmem:s18+$0x12B20]  }
0x183: {  	[tilespmem:s18+$0x1AA90] =	vst v1;
	v1 =	vld [tilespmem:s18+$0x12B30]  }
0x184: {  	[tilespmem:s18+$0x1AAA0] =	vst v2;
	v2 =	vld [tilespmem:s18+$0x12B80]  }
0x185: {  	[tilespmem:s18+$0x1AAB0] =	vst v3;
	v3 =	vld [tilespmem:s18+$0x12B90]  }
0x186: {  	s10 =	simm.s32 $0x400;
	s6 =	simm.s32 $0x2000;
	[tilespmem:s18+$0x1AB00] =	vst v4;
	v4 =	vld [tilespmem:s18+$0x12BA0]  }
.LBB2_9:
0x187: {  	p0 =	sne.s32 s6, $0x7000;
	v5 =	vld [tilespmem:s10+$0x12BB0];
	[tilespmem:s18+$0x1AB20] =	vst v0  }
0x188: {  	v0 =	vld [tilespmem:s10+$0x12800];
	[tilespmem:s18+$0x1AB30] =	vst v1  }
0x189: {  	v1 =	vld [tilespmem:s10+$0x12810];
	[tilespmem:s18+$0x1AB80] =	vst v2  }
0x18a: {  	v2 =	vld [tilespmem:s10+$0x12820];
	[tilespmem:s18+$0x1AB90] =	vst v3  }
0x18b: {  	v3 =	vld [tilespmem:s10+$0x12830];
	[tilespmem:s18+$0x1ABA0] =	vst v4;
	s18 =	smov.u32 s10  }
0x18c: {  	v4 =	vld [tilespmem:s18+$0x12880];
	[tilespmem:s18+$0x1ABB0] =	vst v5  }
0x18d: {  	[tilespmem:s18+$0x1A800] =	vst v0;
	v0 =	vld [tilespmem:s18+$0x12890]  }
0x18e: {  	[tilespmem:s18+$0x1A810] =	vst v1;
	v1 =	vld [tilespmem:s18+$0x128A0]  }
0x18f: {  	[tilespmem:s18+$0x1A820] =	vst v2;
	v2 =	vld [tilespmem:s18+$0x128B0]  }
0x190: {  	[tilespmem:s18+$0x1A830] =	vst v3;
	v3 =	vld [tilespmem:s18+$0x12900]  }
0x191: {  	[tilespmem:s18+$0x1A880] =	vst v4;
	v4 =	vld [tilespmem:s18+$0x12910]  }
0x192: {  	[tilespmem:s18+$0x1A890] =	vst v0;
	v0 =	vld [tilespmem:s18+$0x12920]  }
0x193: {  	[tilespmem:s18+$0x1A8A0] =	vst v1;
	v1 =	vld [tilespmem:s18+$0x12930]  }
0x194: {  	[tilespmem:s18+$0x1A8B0] =	vst v2;
	v2 =	vld [tilespmem:s18+$0x12980]  }
0x195: {  	[tilespmem:s18+$0x1A900] =	vst v3;
	v3 =	vld [tilespmem:s18+$0x12990]  }
0x196: {  	[tilespmem:s18+$0x1A910] =	vst v4;
	v4 =	vld [tilespmem:s18+$0x129A0]  }
0x197: {  	[tilespmem:s18+$0x1A920] =	vst v0;
	v0 =	vld [tilespmem:s18+$0x129B0]  }
0x198: {  	[tilespmem:s18+$0x1A930] =	vst v1;
	v1 =	vld [tilespmem:s18+$0x12A00]  }
0x199: {  	[tilespmem:s18+$0x1A980] =	vst v2;
	v2 =	vld [tilespmem:s18+$0x12A10]  }
0x19a: {  	[tilespmem:s18+$0x1A990] =	vst v3;
	v3 =	vld [tilespmem:s18+$0x12A20]  }
0x19b: {  	[tilespmem:s18+$0x1A9A0] =	vst v4;
	v4 =	vld [tilespmem:s18+$0x12A30]  }
0x19c: {  	[tilespmem:s18+$0x1A9B0] =	vst v0;
	v0 =	vld [tilespmem:s18+$0x12A80]  }
0x19d: {  	[tilespmem:s18+$0x1AA00] =	vst v1;
	v1 =	vld [tilespmem:s18+$0x12A90]  }
0x19e: {  	[tilespmem:s18+$0x1AA10] =	vst v2;
	v2 =	vld [tilespmem:s18+$0x12AA0]  }
0x19f: {  	[tilespmem:s18+$0x1AA20] =	vst v3;
	v3 =	vld [tilespmem:s18+$0x12AB0]  }
0x1a0: {  	[tilespmem:s18+$0x1AA30] =	vst v4;
	v4 =	vld [tilespmem:s18+$0x12B00]  }
0x1a1: {  	[tilespmem:s18+$0x1AA80] =	vst v0;
	v5 =	vld [tilespmem:s18+$0x12B10]  }
.Ltmp5:
0x1a2: {  	[tilespmem:s18+$0x1AA90] =	vst v1;
	v0 =	vld [tilespmem:s18+$0x12B20];
	(pc) =	sbr.rel @p0 .LBB2_9-.Ltmp5, $4  }
0x1a3: {  	[tilespmem:s18+$0x1AAA0] =	vst v2;
	v1 =	vld [tilespmem:s18+$0x12B30]  }
0x1a4: {  	[tilespmem:s18+$0x1AAB0] =	vst v3;
	v2 =	vld [tilespmem:s18+$0x12B80]  }
0x1a5: {  	[tilespmem:s18+$0x1AB00] =	vst v4;
	v3 =	vld [tilespmem:s18+$0x12B90]  }
0x1a6: {  	s10 =	sshra.s32 s6, $0x2;
	s6 =	sadd.s32 $0x1000, s6;
	[tilespmem:s18+$0x1AB10] =	vst v5;
	v4 =	vld [tilespmem:s18+$0x12BA0]  }
0x1a7: {  	v5 =	vld [tilespmem:s10+$0x12BB0];
	[tilespmem:s18+$0x1AB20] =	vst v0  }
0x1a8: {  	v0 =	vld [tilespmem:s10+$0x12800];
	[tilespmem:s18+$0x1AB30] =	vst v1  }
0x1a9: {  	v1 =	vld [tilespmem:s10+$0x12810];
	[tilespmem:s18+$0x1AB80] =	vst v2  }
0x1aa: {  	v2 =	vld [tilespmem:s10+$0x12820];
	[tilespmem:s18+$0x1AB90] =	vst v3  }
0x1ab: {  	v3 =	vld [tilespmem:s10+$0x12830];
	[tilespmem:s18+$0x1ABA0] =	vst v4  }
0x1ac: {  	v4 =	vld [tilespmem:s10+$0x12880];
	[tilespmem:s10+$0x1ABB0] =	vst v5  }
0x1ad: {  	v38 =	vld [tilespmem:s10+$0x12890];
	[tilespmem:s10+$0x1A800] =	vst v0  }
0x1ae: {  	v39 =	vld [tilespmem:s10+$0x128A0];
	[tilespmem:s10+$0x1A810] =	vst v1  }
0x1af: {  	v40 =	vld [tilespmem:s10+$0x128B0];
	[tilespmem:s10+$0x1A820] =	vst v2  }
0x1b0: {  	v41 =	vld [tilespmem:s10+$0x12900];
	[tilespmem:s10+$0x1A830] =	vst v3  }
0x1b1: {  	v42 =	vld [tilespmem:s10+$0x12910];
	[tilespmem:s10+$0x1A880] =	vst v4  }
0x1b2: {  	v43 =	vld [tilespmem:s10+$0x12920];
	[tilespmem:s10+$0x1A890] =	vst v38  }
0x1b3: {  	v44 =	vld [tilespmem:s10+$0x12930];
	[tilespmem:s10+$0x1A8A0] =	vst v39  }
0x1b4: {  	v45 =	vld [tilespmem:s10+$0x12980];
	[tilespmem:s10+$0x1A8B0] =	vst v40  }
0x1b5: {  	v46 =	vld [tilespmem:s10+$0x12990];
	[tilespmem:s10+$0x1A900] =	vst v41  }
0x1b6: {  	v47 =	vld [tilespmem:s10+$0x129A0];
	[tilespmem:s10+$0x1A910] =	vst v42  }
0x1b7: {  	v48 =	vld [tilespmem:s10+$0x129B0];
	[tilespmem:s10+$0x1A920] =	vst v43  }
0x1b8: {  	v49 =	vld [tilespmem:s10+$0x12A00];
	[tilespmem:s10+$0x1A930] =	vst v44  }
0x1b9: {  	v50 =	vld [tilespmem:s10+$0x12A10];
	[tilespmem:s10+$0x1A980] =	vst v45  }
0x1ba: {  	v51 =	vld [tilespmem:s10+$0x12A20];
	[tilespmem:s10+$0x1A990] =	vst v46  }
0x1bb: {  	v52 =	vld [tilespmem:s10+$0x12A30];
	[tilespmem:s10+$0x1A9A0] =	vst v47  }
0x1bc: {  	v53 =	vld [tilespmem:s10+$0x12A80];
	[tilespmem:s10+$0x1A9B0] =	vst v48  }
0x1bd: {  	v54 =	vld [tilespmem:s10+$0x12A90];
	[tilespmem:s10+$0x1AA00] =	vst v49  }
0x1be: {  	v55 =	vld [tilespmem:s10+$0x12AA0];
	[tilespmem:s10+$0x1AA10] =	vst v50  }
0x1bf: {  	v56 =	vld [tilespmem:s10+$0x12AB0];
	[tilespmem:s10+$0x1AA20] =	vst v51  }
0x1c0: {  	v57 =	vld [tilespmem:s10+$0x12B00];
	[tilespmem:s10+$0x1AA30] =	vst v52  }
0x1c1: {  	v58 =	vld [tilespmem:s10+$0x12B10];
	[tilespmem:s10+$0x1AA80] =	vst v53  }
0x1c2: {  	v59 =	vld [tilespmem:s10+$0x12B20];
	[tilespmem:s10+$0x1AA90] =	vst v54  }
0x1c3: {  	v60 =	vld [tilespmem:s10+$0x12B30];
	[tilespmem:s10+$0x1AAA0] =	vst v55  }
0x1c4: {  	v61 =	vld [tilespmem:s10+$0x12B80];
	[tilespmem:s10+$0x1AAB0] =	vst v56  }
0x1c5: {  	v62 =	vld [tilespmem:s10+$0x12B90];
	[tilespmem:s10+$0x1AB00] =	vst v57  }
0x1c6: {  	v63 =	vld [tilespmem:s10+$0x12BA0];
	[tilespmem:s10+$0x1AB10] =	vst v58  }
0x1c7: {  	[tilespmem:s10+$0x1AB20] =	vst v59  }
0x1c8: {  	s6 =	sadd.s32 s16, s9;
	[tilespmem:s10+$0x1AB30] =	vst v60  }
0x1c9: {  	s6 =	sshll.u32 s6, $0xA;
	[tilespmem:s10+$0x1AB80] =	vst v61  }
0x1ca: {  	p0 =	seq.s32 s14, $0x63;
	s6 =	sand.u32 $0x1FFFFC00, s6;
	[tilespmem:s10+$0x1AB90] =	vst v62  }
.Ltmp6:
0x1cb: {  	s6 =	sadd.s32 s5, s6;
	[tilespmem:s10+$0x1ABA0] =	vst v63;
	(pc) =	sbr.rel @p0 .LBB2_12-.Ltmp6, $4  }
0x1cc: {  	[hbm4b:s6+s2] =	stream.linear.scatter [tilespmem:s28], [sflag:$0x8], $0x2000, $0x38;
	[tilespmem:$0x1C800] =	vst v63  }
0x1cd: {  	_ =	swait.ge [sflag:s29], $0x2000  }
0x1ce: {  	[sflag:s29] =	ssyncset.done $0x0  }
0x1cf: {  	[sflag:s29] =	ssyncadd.s32 $0xFFFFE000  }
0x1d0: {  	s6 =	sshll.u32 s14, $0x9  }
0x1d1: {  	s6 =	sand.u32 $0x3FFFFE00, s6  }
0x1d2: {  	s10 =	sadd.s32 $0x200, s6  }
0x1d3: {  	[tilespmem:s13], [sflag:$0x1] =	stream.indirect.gather [hbm4b:s4+s12], $0x80, s10, s12, $0xb8;
	[tilespmem:$0x1C800] =	vst v63  }
0x1d4: {  	_ =	swait.ge [sflag:s30], $0x2000  }
0x1d5: {  	[sflag:s30] =	ssyncset.done $0x0  }
0x1d6: {  	s16 =	sadd.s32 $0x280, s6;
	[sflag:s30] =	ssyncadd.s32 $0xFFFFE000  }
0x1d7: {  	[tilespmem:s15], [sflag:$0x2] =	stream.indirect.gather [hbm4b:s4+s12], $0x80, s16, s12, $0xb8;
	[tilespmem:$0x1C800] =	vst v63  }
0x1d8: {  	_ =	swait.ge [sflag:s31], $0x2000  }
0x1d9: {  	[sflag:s31] =	ssyncset.done $0x0  }
0x1da: {  	s18 =	sadd.s32 $0x300, s6;
	[sflag:s31] =	ssyncadd.s32 $0xFFFFE000  }
0x1db: {  	[tilespmem:s17], [sflag:$0x3] =	stream.indirect.gather [hbm4b:s4+s12], $0x80, s18, s12, $0xb8;
	[tilespmem:$0x1C800] =	vst v63  }
.Ltmp7:
0x1dc: {  	_ = 	snop;
	(pc) =	sbr.rel .LBB2_2-.Ltmp7, $4  }
0x1dd: {  	_ =	swait.ge [sflag:s1], $0x2000  }
0x1de: {  	[sflag:s1] =	ssyncset.done $0x0  }
0x1df: {  	s14 =	sadd.s32 $0x1, s14;
	s6 =	sadd.s32 $0x380, s6;
	[sflag:s1] =	ssyncadd.s32 $0xFFFFE000  }
0x1e0: {  	[tilespmem:s19], [sflag:$0x4] =	stream.indirect.gather [hbm4b:s4+s12], $0x80, s6, s12, $0xb8;
	[tilespmem:$0x1C800] =	vst v63  }
.LBB2_13:
0x1e1: {  	_ =	sfence.sel $0x180000  }
0x1e2: {  	[bflag:$0x0] =	sbarrier.arrive $0xFFFF  }
0x1e3: {  	_ =	strace $0x90000047  }
0x1e4: {  	s0 =	stileid.u32;
	[bflag:$0x2] =	sbarrier.arrive $0xFFFF  }
0x1e5: {  	p0 =	sne.s32 s0, $0x0;
	s0 =	rddreg [dreg:$0x2]  }
0x1e6: {  	s0 =	sadd.s32 @!p0 $0x100000, s0  }
0x1e7: {  	[sflag:s0] =	ssyncadd.tile.s32 @!p0 $0x1;
	_ =	shalt  }
.Lfunc_end2:
_tile_overlayer_lowered:
.L_overlay_start_2:
0x1e8: {  	(tag) =	ssettag $0x2  }
0x1e9: {  	s0 =	rddreg [dreg:$0x0];
	s2 =	stileid.u32  }
0x1ea: {  	s1 =	rddreg [dreg:$0x1];
	p0 =	sne.s32 s2, $0x0  }
0x1eb: {  	s3 =	rddreg [dreg:$0x2];
	[bflag:$0x3] =	sbarrier.arrive $0xFFFF;
	s2 =	simm.s32 @!p0 $0x1C09  }
0x1ec: {  	[timem:s3], [sflag:s2] =	dma.local @!p0 [hbm:s0], s1  }
0x1ed: {  	s0 =	simm.s32 @!p0 $0x9  }
0x1ee: {  	_ =	swait.ge @!p0 [sflag:s0], s1  }
0x1ef: {  	s1 =	ssub.s32 @!p0 $0x0, s1;
	[sflag:s0] =	ssyncset.done @!p0 $0x0  }
0x1f0: {  	[sflag:s0] =	ssyncadd.s32 @!p0 s1  }
0x1f1: {  	[bflag:$0x3] =	sbarrier.arrive $0xFFFF  }
0x1f2: {  	_ =	shalt  }

// kernel: sparse-core-data-format-call.cloned.1.call-start
scs
called_computation_lowered:
.L_overlay_start_0:
0x0: {  	s2 =	sld [smem:$0x3FD9]  }
0x1: {  	s3 =	sld [smem:$0x3FFE];
	_ =	sdelay $0x1  }
0x2: {  	s1 =	srdreg.scid  }
0x3: {  	s0 =	sand.u32 $0x1, s1  }
0x4: {  	s18 =	sshll.u32 s0, $0xA;
	s2 =	sadd.s32 s3, s2  }
0x5: {  	s2 =	sadd.s32 s2, s18  }
0x6: {  	[smem:$0x3FC6] =	sst s2  }
0x7: {  	_ = 	snop  }
0x8: {  	s2 =	sld [smem:$0x3FD0];
	(tm) =	ssettm $0x1  }
0x9: {  	s19 =	sld [smem:$0x3FFB];
	_ =	sdelay $0x3  }
0xa: {  	_ =	strace s19  }
0xb: {  	s3 =	sld [smem:$0x3FFC];
	_ =	sdelay $0x3  }
0xc: {  	_ =	strace s3  }
0xd: {  	s3 =	sld [smem:$0x3FFD];
	_ =	sdelay $0x3  }
0xe: {  	_ =	strace s3  }
0xf: {  	_ =	strace $0x8FFFFFFF  }
0x10: {  	s20 =	sld [smem:$0x3FDB];
	_ =	sdelay $0x1  }
0x11: {  	s4 =	simm.s32 $_scs_section_size  }
0x12: {  	s5 =	simm.s32 $_size__tile_overlayer_lowered;
	s6 =	simm.s32 $_tile_overlayer_lowered  }
0x13: {  	s23 =	simm.s32 $0x1BFF;
	s22 =	sshll.u32 s6, $0x1;
	s3 =	sadd.s32 s4, s20  }
0x14: {  	s7 =	simm.s32 $0x0;
	s21 =	sshll.u32 s5, $0x1;
	s5 =	sadd.s32 s22, s3  }
0x15: {  	[timem:s7], [sflag:s23] =	dma.local [hbm:s5], s21  }
0x16: {  	_ =	swait.ge [sflag:s23], s21  }
0x17: {  	s4 =	ssub.s32 $0x0, s21;
	[sflag:s23] =	ssyncset.done $0x0  }
0x18: {  	[sflag:s23] =	ssyncadd.s32 s4;
	_ =	sdelay $0x1  }
0x19: {  	s24 =	simm.s32 $0x1B8B  }
0x1a: {  	_ =	swait.ge [sflag:s24], $0x1  }
0x1b: {  	[sflag:s24] =	ssyncset.done $0x0  }
0x1c: {  	s26 =	simm.s32 $0x1B8E;
	s25 =	sld [smem:$0x3FFE];
	[sflag:s24] =	ssyncadd.s32 $0xFFFFFFFF  }
0x1d: {  	s27 =	simm.s32 $execute0_lowered;
	[smem:$0x3FD2] =	sst s26  }
0x1e: {  	s5 =	sshll.u32 s27, $0x1;
	_ =	strace $0x80000049;
	[dreg:$0x1] =	wrdreg $0xFFFFFFFF  }
0x1f: {  	s28 =	simm.s32 $_size_execute0_lowered;
	s3 =	sadd.s32 s3, s5;
	[dreg:$0x0] =	wrdreg $0x0  }
0x20: {  	s5 =	sshll.u32 s28, $0x1;
	[dreg:$0x2] =	wrdreg s3  }
0x21: {  	[dreg:$0x3] =	wrdreg s5  }
0x22: {  	[dreg:$0x4] =	wrdreg $0xC0  }
0x23: {  	_ =	task [dreg:s7], $0x5FFFF  }
0x24: {  	[dreg:$0x1] =	wrdreg $0xFFFFFFFF  }
0x25: {  	[dreg:$0x0] =	wrdreg $0x60  }
0x26: {  	[dreg:$0x2] =	wrdreg s25  }
0x27: {  	[dreg:$0x3] =	wrdreg s2  }
0x28: {  	[dreg:$0x4] =	wrdreg $0x9  }
0x29: {  	_ =	task.clear_ibuf [dreg:s7], $0x5FFFF;
	_ =	strace $0x90000049  }
0x2a: {  	s29 =	simm.s32 $0x9;
	_ =	strace $0x8000004B  }
0x2b: {  	_ =	swait.ge [sflag:s29], $0x1  }
0x2c: {  	[sflag:s29] =	ssyncadd.s32 $0xFFFFFFFF  }
0x2d: {  	_ =	strace $0x9000004B  }
0x2e: {  	_ =	sfence  }
0x2f: {  	s30 =	sld [smem:$0x0];
	_ =	sdelay $0x2  }
0x30: {  	s31 =	sshll.u32 s1, $0xD;
	s1 =	sshrl.u32 s1, $0x2  }
0x31: {  	s3 =	sand.u32 $0x4000, s31;
	s1 =	sadd.s32 s1, s30  }
0x32: {  	s0 =	sor.u32 s3, s0;
	s1 =	sshll.u32 s1, $0x11  }
0x33: {  	s0 =	sor.u32 s1, s0  }
0x34: {  	s0 =	sadd.s32 $0x8F2B, s0  }
0x35: {  	[sflag:s0] =	ssyncadd.remote.s32 $0x1  }
0x36: {  	_ =	sfence.sel $0xFFFF  }
0x37: {  	[dreg:$0x0] =	wrdreg $0xFFFFFFFF;
	(pc) =	sbr.abs _section_cstart, $3  }
0x38: {  	[dreg:$0x1] =	wrdreg $0xFFFFFFFF  }
0x39: {  	_ =	task.clear_ibuf [dreg:s7], $0x2FFFF;
	_ =	strace $0x9FFFFFFF  }
0x3a: {  	(tm) =	ssettm $0x7FFFFFFF  }
0x3b: {  	_ =	shalt  }
tec
execute0_lowered:
.L_overlay_start_1:
0x0: {  	(tag) =	ssettag $0x1  }
0x1: {  	s0 =	srdreg.scid  }
0x2: {  	s1 =	sshll.u32 s0, $0x4  }
0x3: {  	s0 =	stileid.u32;
	s1 =	sand.u32 $0x10, s1  }
0x4: {  	s1 =	sor.u32 s0, s1  }
0x5: {  	s6 =	rddreg [dreg:$0x0];
	s4 =	simm.s32 $0x1;
	s2 =	sshll.u32 s1, $0x7  }
0x6: {  	s7 =	simm.s32 $0x2;
	s12 =	simm.s32 $0x0;
	s1 =	ssub.s32 $0x1000, s2  }
0x7: {  	s8 =	simm.s32 $0x8000;
	s13 =	simm.s32 $0x0;
	s3 =	sand.u32 $0xF80, s1  }
0x8: {  	s9 =	simm.s32 $0x0;
	s5 =	sshrl.u32 s1, $0xC;
	p0 =	sne.s32 s3, $0x0  }
.Ltmp0:
0x9: {  	s1 =	rddreg [dreg:$0x2];
	s4 =	simm.s32 @!p0 $0x0;
	(pc) =	sbr.rel .LBB1_1-.Ltmp0, $4  }
0xa: {  	s11 =	simm.s32 $0x0;
	s3 =	rddreg [dreg:$0x1];
	s5 =	sadd.s32 s4, s5  }
0xb: {  	_ =	strace $0x8000004A;
	s4 =	simm.s32 $0x1;
	s5 =	smul.u32 $0xC8, s5  }
0xc: {  	s6 =	sadd.s32 $0xA00, s6;
	s10 =	smov.u32 s2;
	[sflag:s4] =	ssyncpa.u1 $0x0  }
0xd: {  	p0 =	por $0x0, $0x0;
	[sflag:s7] =	ssyncpa.u1 $0x0;
	s7 =	sor.u32 $0x1, s5  }
.LBB1_4:
0xe: {  	s16 =	sshll.u32 s13, $0x3;
	s17 =	sand.u32 $0x78, s13  }
0xf: {  	s30 =	sand.u32 $0x7E00, s13;
	s12 =	sshll.u32 s12, $0xF;
	s16 =	sand.u32 $0xC00, s16  }
0x10: {  	[tilespmem:s15+$0x810 ss:$0x81] =	vst.msk $0xffff, v2;
	s31 =	sand.u32 $0x7, s13;
	s16 =	sor.u32 s17, s16;
	s17 =	sadd.s32 s3, s30  }
0x11: {  	[tilespmem:s15+$0x1020 ss:$0x81] =	vst.msk $0xffff, v0;
	s13 =	sshll.u32 s31, $0x12;
	s12 =	sadd.s32 s12, s17;
	s16 =	sshrl.u32 s16, $0x3  }
0x12: {  	[tilespmem:s15+$0x0 ss:$0x81] =	vst.msk $0xffff, v1;
	s13 =	sor.u32 $0x400, s13;
	s12 =	sadd.s32 s16, s12  }
0x13: {  	[hbm4b:s12+s13] =	stream.strided.scatter [tilespmem:s14], [sflag:$0x2], $0x2000, s8, s13, $0x20;
	[tilespmem:$0x8080] =	vst v63  }
.LBB1_5:
0x14: {  	s14 =	sadd.s32 $0x1, s9  }
0x15: {  	s12 =	sadd.s32 $0x1000, s10;
	s16 =	smov.u32 s10;
	p2 =	sgt.s32 s14, $0xC7  }
0x16: {  	s16 =	smov.u32 @p2 s12  }
0x17: {  	s14 =	simm.s32 @p2 $0x0;
	p2 =	sgt.s32 s16, $0xFFF  }
0x18: {  	s16 =	smov.u32 @p2 s2;
	p2 =	sne.s32 s11, s7  }
.Ltmp1:
0x19: {  	p1 =	slt.u32 s11, $0x2;
	(pc) =	sbr.rel @!p2 .LBB1_6-.Ltmp1, $4  }
0x1a: {  	s15 =	simm.s32 @!p1 $0x2  }
0x1b: {  	s13 =	smov.u32 s10;
	p0 =	por !p0, !p0;
	_ =	swait.ge @!p1 [sflag:s15], $0x2000  }
0x1c: {  	s12 =	smov.u32 s9;
	[sflag:s15] =	ssyncset.done @!p1 $0x0;
	s9 =	smov.u32 s14  }
0x1d: {  	s11 =	sadd.s32 $0x1, s11;
	[sflag:s15] =	ssyncadd.s32 @!p1 $0xFFFFE000;
	s10 =	smov.u32 s16  }
.LBB1_1:
0x1e: {  	p1 =	sge.u32 s11, s5  }
0x1f: {  	s14 =	sand.u32 @!p1 $0x1FFFFFF, s9  }
0x20: {  	s15 =	smulhi.u32 @!p1 $0x147AE15, s14;
	_ =	sdelay $0x1  }
0x21: {  	s15 =	smul.u32 @!p1 $0xC8, s15  }
0x22: {  	s16 =	sxor.u32 @!p1 $0xFFFFFFFF, s11;
	s17 =	smul.u32 @!p1 $0xC80, s10  }
0x23: {  	s31 =	sadd.s32 $0xFFFFFFFF, s11;
	s16 =	sshll.u32 @!p1 s16, $0xD;
	s14 =	ssub.s32 @!p1 s14, s15  }
0x24: {  	s15 =	sand.u32 @!p1 $0x2000, s16;
	s16 =	sadd.s32 @!p1 s6, s17;
	s14 =	sshll.u32 @!p1 s14, $0x4  }
0x25: {  	s17 =	simm.s32 @!p1 $0x6400;
	s14 =	sadd.s32 @!p1 s14, s16;
	s16 =	simm.s32 @!p1 $0x40  }
0x26: {  	[tilespmem:s15], [sflag:$0x1] =	stream.strided.gather @!p1 [hbm4b:s14+s16], $0x2000, s17, s16, $0x38;
	[tilespmem:$0x8080] =	vst v63  }
0x27: {  	p1 =	sge.u32 s31, s5  }
.Ltmp2:
0x28: {  	_ = 	snop;
	(pc) =	sbr.rel @p1 .LBB1_5-.Ltmp2, $1  }
0x29: {  	_ =	sdelay $0x3  }
0x2a: {  	s14 =	simm.s32 $0x1  }
0x2b: {  	_ =	swait.ge [sflag:s4], $0x2000;
	s14 =	simm.s32 @!p0 $0x0  }
0x2c: {  	[sflag:s4] =	ssyncset.done $0x0;
	s15 =	sshll.u32 s14, $0xD  }
0x2d: {  	[sflag:s4] =	ssyncadd.s32 $0xFFFFE000;
	s18 =	sor.u32 $0x20, s15  }
0x2e: {  	s14 =	smul.u32 $0x8100, s14;
	v3 =	vld [tilespmem:s18+$0x10]  }
0x2f: {  	s30 =	sand.u32 $0x1, s11;
	v2 =	vld [tilespmem:s18+$0xFFFFFFF0]  }
0x30: {  	s15 =	smul.u32 $0x8100, s30;
	s14 =	sshrl.u32 s14, $0x2;
	v0 =	vld [tilespmem:s18+$0x0]  }
0x31: {  	v1 =	vld [tilespmem:s18+$0xFFFFFFE0];
	s16 =	sor.u32 $0x4000, s14  }
0x32: {  	s31 =	sshrl.u32 s15, $0x2;
	s15 =	sadd.s32 $0x0, s16  }
0x33: {  	s17 =	simm.s32 $0x4;
	s18 =	sadd.s32 $0x40, s18;
	s14 =	sor.u32 $0x4000, s31;
	[tilespmem:s15+$0x1830 ss:$0x81] =	vst.msk $0xffff, v3  }
.LBB1_3:
0x34: {  	v3 =	vld [tilespmem:s18+$0x10];
	p1 =	sne.s32 s17, $0x1FC;
	[tilespmem:s15+$0x810 ss:$0x81] =	vst.msk $0xffff, v2;
	s19 =	smov.u32 s17;
	s17 =	sadd.s32 $0x4, s17  }
.Ltmp3:
0x35: {  	v2 =	vld [tilespmem:s18+$0xFFFFFFF0];
	[tilespmem:s15+$0x1020 ss:$0x81] =	vst.msk $0xffff, v0;
	(pc) =	sbr.rel @p1 .LBB1_3-.Ltmp3, $4  }
0x36: {  	v0 =	vld [tilespmem:s18+$0x0];
	[tilespmem:s15+$0x0 ss:$0x81] =	vst.msk $0xffff, v1  }
0x37: {  	s15 =	sshra.s32 s19, $0x2;
	v1 =	vld [tilespmem:s18+$0xFFFFFFE0]  }
0x38: {  	s15 =	sadd.s32 s15, s16  }
0x39: {  	s18 =	sadd.s32 $0x40, s18;
	[tilespmem:s15+$0x1830 ss:$0x81] =	vst.msk $0xffff, v3  }
.Ltmp4:
0x3a: {  	_ = 	snop;
	(pc) =	sbr.rel .LBB1_4-.Ltmp4, $1  }
0x3b: {  	_ =	sdelay $0x3  }
.LBB1_6:
0x3c: {  	_ =	sfence.sel $0x180000  }
0x3d: {  	s2 =	simm.s32 $0x1;
	[bflag:$0x0] =	sbarrier.arrive $0xFFFF  }
0x3e: {  	s31 =	simm.s32 $0x2;
	[sflag:s2] =	ssyncpa.u1 $0x1  }
0x3f: {  	[sflag:s31] =	ssyncpa.u1 $0x1  }
0x40: {  	p0 =	sne.s32 s0, $0x0;
	_ =	strace $0x9000004A  }
0x41: {  	s0 =	sadd.s32 @!p0 $0x100000, s1;
	[bflag:$0x2] =	sbarrier.arrive $0xFFFF  }
0x42: {  	[sflag:s0] =	ssyncadd.tile.s32 @!p0 $0x1;
	_ =	shalt  }
.Lfunc_end1:
_tile_overlayer_lowered:
.L_overlay_start_2:
0x43: {  	(tag) =	ssettag $0x2  }
0x44: {  	s0 =	rddreg [dreg:$0x0];
	s2 =	stileid.u32  }
0x45: {  	s1 =	rddreg [dreg:$0x1];
	p0 =	sne.s32 s2, $0x0  }
0x46: {  	s3 =	rddreg [dreg:$0x2];
	[bflag:$0x3] =	sbarrier.arrive $0xFFFF;
	s2 =	simm.s32 @!p0 $0x1C01  }
0x47: {  	[timem:s3], [sflag:s2] =	dma.local @!p0 [hbm:s0], s1  }
0x48: {  	s0 =	simm.s32 @!p0 $0x1  }
0x49: {  	_ =	swait.ge @!p0 [sflag:s0], s1  }
0x4a: {  	s1 =	ssub.s32 @!p0 $0x0, s1;
	[sflag:s0] =	ssyncset.done @!p0 $0x0  }
0x4b: {  	[sflag:s0] =	ssyncadd.s32 @!p0 s1  }
0x4c: {  	[bflag:$0x3] =	sbarrier.arrive $0xFFFF  }
0x4d: {  	_ =	shalt  }

</sc_bundles>
